<compile_context>
chip_gen: v7x
topology: tpu7x:2x2x1
jax: 0.10.2.dev20260603
libtpu: 0.0.44.dev20260713+nightly
codegen_flags: <defaults>
</compile_context>

<pallas_src>
import functools

import jax
import jax.numpy as jnp
from jax import lax
from jax.experimental import pallas as pl
from jax.experimental.pallas import tpu as pltpu
from jax.experimental.pallas import tpu_sc as plsc

D = 128
N_NODES = 10000
N_EDGES = 320000

NC = 2
NS = 16
NW = NC * NS

G_CHUNK = 128
E_PAD = 327680

N_PAD = 10240
ROWS_PER_TILE = N_PAD // NS

N_HALF = N_PAD // 2
S_ACC = N_HALF + 128
S_PER_TILE = N_EDGES // NS
S_FULL = S_PER_TILE // 128
S_TAIL = S_PER_TILE - S_FULL * 128

BE = 2000
BN = 1000

_SC_MESH = plsc.VectorSubcoreMesh(
    core_axis_name="c", subcore_axis_name="s", num_cores=NC, num_subcores=NS
)



G_NBUF = 2
G_PER_TILE = E_PAD // NS // G_CHUNK



def _gather_body(a_hbm, b_hbm, src_hbm, dst_hbm, ga_hbm, gb_hbm,
                 table_sh, idx0, idx1, r0, r1,
                 gsem0, gsem1, ssem0, ssem1):
    c = lax.axis_index("c")
    s = lax.axis_index("s")
    idxb = (idx0, idx1)
    rows = (r0, r1)
    gsem = (gsem0, gsem1)
    ssem = (ssem0, ssem1)

    stg = pl.ds(s * ROWS_PER_TILE, ROWS_PER_TILE)

    @pl.when(c == 0)
    def _():
        pltpu.sync_copy(a_hbm.at[stg], table_sh.at[stg])

    @pl.when(c == 1)
    def _():
        pltpu.sync_copy(b_hbm.at[stg], table_sh.at[stg])

    plsc.subcore_barrier()

    base = s * (G_PER_TILE * G_CHUNK)

    def load_idx(p, off):
        @pl.when(c == 0)
        def _():
            pltpu.sync_copy(src_hbm.at[pl.ds(off, G_CHUNK)], idxb[p])

        @pl.when(c == 1)
        def _():
            pltpu.sync_copy(dst_hbm.at[pl.ds(off, G_CHUNK)], idxb[p])

    def fire_gather(p, off):
        load_idx(p, off)
        pltpu.async_copy(table_sh.at[idxb[p]], rows[p], gsem[p])

    def fire_store(p, off):
        @pl.when(c == 0)
        def _():
            pltpu.async_copy(rows[p], ga_hbm.at[pl.ds(off, G_CHUNK)], ssem[p])

        @pl.when(c == 1)
        def _():
            pltpu.async_copy(rows[p], gb_hbm.at[pl.ds(off, G_CHUNK)], ssem[p])

    for p in range(G_NBUF):
        fire_gather(p, base + p * G_CHUNK)

    def drain_store(p, off):
        pltpu.make_async_copy(rows[p], ga_hbm.at[pl.ds(off, G_CHUNK)],
                              ssem[p]).wait()

    def body(g, carry):
        for p in range(G_NBUF):
            cidx = g * G_NBUF + p
            off = base + cidx * G_CHUNK
            pltpu.make_async_copy(table_sh.at[idxb[p]], rows[p],
                                  gsem[p]).wait()
            fire_store(p, off)

            @pl.when(cidx + G_NBUF < G_PER_TILE)
            def _():
                drain_store(p, off)
                fire_gather(p, off + G_NBUF * G_CHUNK)

        return carry

    lax.fori_loop(0, G_PER_TILE // G_NBUF, body, 0)
    for p in range(G_NBUF):
        drain_store(p, base)


_gather_call = pl.kernel(
    _gather_body,
    out_type=[
        jax.ShapeDtypeStruct((E_PAD, D), jnp.float32),
        jax.ShapeDtypeStruct((E_PAD, D), jnp.float32),
    ],
    mesh=_SC_MESH,
    scratch_types=[
        pltpu.VMEM_SHARED((N_PAD, D), jnp.float32),
        pltpu.VMEM((G_CHUNK,), jnp.int32),
        pltpu.VMEM((G_CHUNK,), jnp.int32),
        pltpu.VMEM((G_CHUNK, D), jnp.float32),
        pltpu.VMEM((G_CHUNK, D), jnp.float32),
        pltpu.SemaphoreType.DMA,
        pltpu.SemaphoreType.DMA,
        pltpu.SemaphoreType.DMA,
        pltpu.SemaphoreType.DMA,
    ],
)



def _scatter_body(ueh_hbm, srcl_hbm, dstl_hbm, srch_hbm, dsth_hbm, zero_hbm,
                  out0_hbm, out1_hbm,
                  acc_sh, idxs0, idxs1, idxd0, idxd1, rows0, rows1,
                  idx_t, rows_t, lsem0, lsem1):
    c = lax.axis_index("c")
    s = lax.axis_index("s")
    arows = S_ACC // NS
    zbase = s * arows
    pltpu.sync_copy(zero_hbm.at[pl.ds(zbase, arows)],
                    acc_sh.at[pl.ds(zbase, arows)])
    plsc.subcore_barrier()

    base = s * S_PER_TILE
    idxs = (idxs0, idxs1)
    idxd = (idxd0, idxd1)
    rows = (rows0, rows1)
    lsem = (lsem0, lsem1)

    def fire_loads(p, off):
        pltpu.async_copy(ueh_hbm.at[pl.ds(off, 128)], rows[p], lsem[p])

        @pl.when(c == 0)
        def _():
            pltpu.async_copy(srcl_hbm.at[pl.ds(off, 128)], idxs[p], lsem[p])
            pltpu.async_copy(dstl_hbm.at[pl.ds(off, 128)], idxd[p], lsem[p])

        @pl.when(c == 1)
        def _():
            pltpu.async_copy(srch_hbm.at[pl.ds(off, 128)], idxs[p], lsem[p])
            pltpu.async_copy(dsth_hbm.at[pl.ds(off, 128)], idxd[p], lsem[p])

    def wait_loads(p, off):
        pltpu.make_async_copy(ueh_hbm.at[pl.ds(off, 128)], rows[p],
                              lsem[p]).wait()
        pltpu.make_async_copy(srcl_hbm.at[pl.ds(off, 128)], idxs[p],
                              lsem[p]).wait()
        pltpu.make_async_copy(dstl_hbm.at[pl.ds(off, 128)], idxd[p],
                              lsem[p]).wait()

    fire_loads(0, base)

    def body(g, carry):
        for p in range(2):
            i = g * 2 + p
            off = base + i * 128

            @pl.when(i + 1 < S_FULL)
            def _():
                fire_loads(1 - p, off + 128)

            wait_loads(p, off)
            pltpu.sync_copy(rows[p], acc_sh.at[idxs[p]], add=True)
            pltpu.sync_copy(rows[p], acc_sh.at[idxd[p]], add=True)
        return carry

    lax.fori_loop(0, S_FULL // 2, body, 0)

    toff = base + S_FULL * 128
    pltpu.sync_copy(ueh_hbm.at[pl.ds(toff, S_TAIL)], rows_t)

    @pl.when(c == 0)
    def _():
        pltpu.sync_copy(srcl_hbm.at[pl.ds(toff, S_TAIL)], idx_t)

    @pl.when(c == 1)
    def _():
        pltpu.sync_copy(srch_hbm.at[pl.ds(toff, S_TAIL)], idx_t)

    pltpu.sync_copy(rows_t, acc_sh.at[idx_t], add=True)

    @pl.when(c == 0)
    def _():
        pltpu.sync_copy(dstl_hbm.at[pl.ds(toff, S_TAIL)], idx_t)

    @pl.when(c == 1)
    def _():
        pltpu.sync_copy(dsth_hbm.at[pl.ds(toff, S_TAIL)], idx_t)

    pltpu.sync_copy(rows_t, acc_sh.at[idx_t], add=True)

    plsc.subcore_barrier()

    @pl.when(c == 0)
    def _():
        pltpu.sync_copy(acc_sh.at[pl.ds(zbase, arows)],
                        out0_hbm.at[pl.ds(zbase, arows)])

    @pl.when(c == 1)
    def _():
        pltpu.sync_copy(acc_sh.at[pl.ds(zbase, arows)],
                        out1_hbm.at[pl.ds(zbase, arows)])


_scatter_call = pl.kernel(
    _scatter_body,
    out_type=[
        jax.ShapeDtypeStruct((S_ACC, D), jnp.float32),
        jax.ShapeDtypeStruct((S_ACC, D), jnp.float32),
    ],
    mesh=_SC_MESH,
    scratch_types=[
        pltpu.VMEM_SHARED((S_ACC, D), jnp.float32),
        pltpu.VMEM((128,), jnp.int32),
        pltpu.VMEM((128,), jnp.int32),
        pltpu.VMEM((128,), jnp.int32),
        pltpu.VMEM((128,), jnp.int32),
        pltpu.VMEM((128, D), jnp.float32),
        pltpu.VMEM((128, D), jnp.float32),
        pltpu.VMEM((S_TAIL,), jnp.int32),
        pltpu.VMEM((S_TAIL, D), jnp.float32),
        pltpu.SemaphoreType.DMA,
        pltpu.SemaphoreType.DMA,
    ],
)



def _q_body(qemb, qw, qb, w1q0, eb10, w1q1, eb11, qb0_o, qb1_o):
    q = jnp.dot(qemb[...], qw[...], preferred_element_type=jnp.float32) + qb[...]
    qb0_o[...] = jnp.dot(q, w1q0[...], preferred_element_type=jnp.float32) + eb10[...]
    qb1_o[...] = jnp.dot(q, w1q1[...], preferred_element_type=jnp.float32) + eb11[...]


def _q_call(qemb, qw, qb, w1q0, eb10, w1q1, eb11):
    return pl.pallas_call(
        _q_body,
        out_shape=[
            jax.ShapeDtypeStruct((1, D), jnp.float32),
            jax.ShapeDtypeStruct((1, D), jnp.float32),
        ],
    )(qemb, qw, qb, w1q0, eb10, w1q1, eb11)


BNP = N_PAD // 10


def _prep_body(nh, w1s, w1d, a_o, b_o):
    nhv = nh[...]
    a_o[...] = jnp.dot(nhv, w1s[...], preferred_element_type=jnp.float32)
    b_o[...] = jnp.dot(nhv, w1d[...], preferred_element_type=jnp.float32)


def _prep_call(nh, w1s, w1d):
    nblk = pl.BlockSpec((BNP, D), lambda i: (i, 0))
    wblk = pl.BlockSpec((D, D), lambda i: (0, 0))
    return pl.pallas_call(
        _prep_body,
        grid=(N_PAD // BNP,),
        in_specs=[nblk, wblk, wblk],
        out_specs=[nblk, nblk],
        out_shape=[
            jax.ShapeDtypeStruct((N_PAD, D), jnp.float32),
            jax.ShapeDtypeStruct((N_PAD, D), jnp.float32),
        ],
        compiler_params=pltpu.CompilerParams(
            dimension_semantics=("parallel",)),
    )(nh, w1s, w1d)


def _edge_body(ga, gb, eh, w1e, w2, qb, eb2, ueh_o):
    x = ga[...] + gb[...] + qb[...]
    x = x + jnp.dot(eh[...], w1e[...], preferred_element_type=jnp.float32)
    h = jnp.maximum(x, 0.0)
    ueh_o[...] = jnp.dot(h, w2[...], preferred_element_type=jnp.float32) + eb2[...]


def _edge_score_body(ga, gb, eh, w1e, w2, qb, eb2, esw, esb, ueh_o, es_o):
    x = ga[...] + gb[...] + qb[...]
    x = x + jnp.dot(eh[...], w1e[...], preferred_element_type=jnp.float32)
    h = jnp.maximum(x, 0.0)
    ueh = jnp.dot(h, w2[...], preferred_element_type=jnp.float32) + eb2[...]
    ueh_o[...] = ueh
    es_o[...] = jax.nn.sigmoid(
        jnp.dot(ueh, esw[...], preferred_element_type=jnp.float32) + esb[...])


def _edge_call(ga, gb, eh, w1e, w2, qb, eb2):
    eblk = pl.BlockSpec((BE, D), lambda i: (i, 0))
    wblk = pl.BlockSpec((D, D), lambda i: (0, 0))
    vblk = pl.BlockSpec((1, D), lambda i: (0, 0))
    return pl.pallas_call(
        _edge_body,
        grid=(N_EDGES // BE,),
        in_specs=[eblk, eblk, eblk, wblk, wblk, vblk, vblk],
        out_specs=eblk,
        out_shape=jax.ShapeDtypeStruct((N_EDGES, D), jnp.float32),
        compiler_params=pltpu.CompilerParams(
            dimension_semantics=("parallel",)),
    )(ga, gb, eh, w1e, w2, qb, eb2)


def _edge_score_call(ga, gb, eh, w1e, w2, qb, eb2, esw, esb):
    eblk = pl.BlockSpec((BE, D), lambda i: (i, 0))
    wblk = pl.BlockSpec((D, D), lambda i: (0, 0))
    vblk = pl.BlockSpec((1, D), lambda i: (0, 0))
    return pl.pallas_call(
        _edge_score_body,
        grid=(N_EDGES // BE,),
        in_specs=[eblk, eblk, eblk, wblk, wblk, vblk, vblk,
                  pl.BlockSpec((D, 1), lambda i: (0, 0)),
                  pl.BlockSpec((1, 1), lambda i: (0, 0))],
        out_specs=[eblk, pl.BlockSpec((BE, 1), lambda i: (i, 0))],
        out_shape=[
            jax.ShapeDtypeStruct((N_EDGES, D), jnp.float32),
            jax.ShapeDtypeStruct((N_EDGES, 1), jnp.float32),
        ],
        compiler_params=pltpu.CompilerParams(
            dimension_semantics=("parallel",)),
    )(ga, gb, eh, w1e, w2, qb, eb2, esw, esb)


def _node_prep_body(nh, p0, p1, nw1a, nw1b, nb1, nw2, nb2, w1s, w1d,
                    nh_o, a_o, b_o):
    nhv = nh[...]
    agg = jnp.where(pl.program_id(0) < 5, p0[...], p1[...])
    h = jnp.dot(nhv, nw1a[...], preferred_element_type=jnp.float32)
    h = h + jnp.dot(agg, nw1b[...], preferred_element_type=jnp.float32)
    h = jnp.maximum(h + nb1[...], 0.0)
    nh2 = jnp.dot(h, nw2[...], preferred_element_type=jnp.float32) + nb2[...]
    nh_o[...] = nh2
    a_o[...] = jnp.dot(nh2, w1s[...], preferred_element_type=jnp.float32)
    b_o[...] = jnp.dot(nh2, w1d[...], preferred_element_type=jnp.float32)


def _node_prep_call(nh, p0, p1, nw1a, nw1b, nb1, nw2, nb2, w1s, w1d):
    nblk = pl.BlockSpec((BNP, D), lambda i: (i, 0))
    loblk = pl.BlockSpec((BNP, D), lambda i: (jnp.minimum(i, 4), 0))
    hiblk = pl.BlockSpec((BNP, D), lambda i: (jnp.maximum(i, 5) - 5, 0))
    wblk = pl.BlockSpec((D, D), lambda i: (0, 0))
    vblk = pl.BlockSpec((1, D), lambda i: (0, 0))
    return pl.pallas_call(
        _node_prep_body,
        grid=(N_PAD // BNP,),
        in_specs=[nblk, loblk, hiblk, wblk, wblk, vblk, wblk, vblk, wblk,
                  wblk],
        out_specs=[nblk, nblk, nblk],
        out_shape=[
            jax.ShapeDtypeStruct((N_PAD, D), jnp.float32),
            jax.ShapeDtypeStruct((N_PAD, D), jnp.float32),
            jax.ShapeDtypeStruct((N_PAD, D), jnp.float32),
        ],
        compiler_params=pltpu.CompilerParams(
            dimension_semantics=("parallel",)),
    )(nh, p0, p1, nw1a, nw1b, nb1, nw2, nb2, w1s, w1d)


def _node_final_body(nh, p0, p1, nw1a, nw1b, nb1, nw2, nb2, nsw, nsb, ns_o):
    nhv = nh[...]
    agg = jnp.where(pl.program_id(0) < 5, p0[...], p1[...])
    h = jnp.dot(nhv, nw1a[...], preferred_element_type=jnp.float32)
    h = h + jnp.dot(agg, nw1b[...], preferred_element_type=jnp.float32)
    h = jnp.maximum(h + nb1[...], 0.0)
    nh2 = jnp.dot(h, nw2[...], preferred_element_type=jnp.float32) + nb2[...]
    ns_o[...] = jax.nn.sigmoid(
        jnp.dot(nh2, nsw[...], preferred_element_type=jnp.float32) + nsb[...])


def _node_final_call(nh, p0, p1, nw1a, nw1b, nb1, nw2, nb2, nsw, nsb):
    nblk = pl.BlockSpec((BNP, D), lambda i: (i, 0))
    loblk = pl.BlockSpec((BNP, D), lambda i: (jnp.minimum(i, 4), 0))
    hiblk = pl.BlockSpec((BNP, D), lambda i: (jnp.maximum(i, 5) - 5, 0))
    wblk = pl.BlockSpec((D, D), lambda i: (0, 0))
    vblk = pl.BlockSpec((1, D), lambda i: (0, 0))
    return pl.pallas_call(
        _node_final_body,
        grid=(N_PAD // BNP,),
        in_specs=[nblk, loblk, hiblk, wblk, wblk, vblk, wblk, vblk,
                  pl.BlockSpec((D, 1), lambda i: (0, 0)),
                  pl.BlockSpec((1, 1), lambda i: (0, 0))],
        out_specs=pl.BlockSpec((BNP, 1), lambda i: (i, 0)),
        out_shape=jax.ShapeDtypeStruct((N_PAD, 1), jnp.float32),
        compiler_params=pltpu.CompilerParams(
            dimension_semantics=("parallel",)),
    )(nh, p0, p1, nw1a, nw1b, nb1, nw2, nb2, nsw, nsb)



@jax.jit
def kernel(node_embedding, relation_embedding, question_embedding, edge_index,
           edge_type, q_w, q_b, es_w, es_b, ns_w, ns_b,
           edge_w1_0, edge_b1_0, edge_w2_0, edge_b2_0,
           node_w1_0, node_b1_0, node_w2_0, node_b2_0,
           edge_w1_1, edge_b1_1, edge_w2_1, edge_b2_1,
           node_w1_1, node_b1_1, node_w2_1, node_b2_1):
    del edge_type
    src = edge_index[0]
    dst = edge_index[1]
    pad = jnp.zeros((E_PAD - N_EDGES,), jnp.int32)
    srcp = jnp.concatenate([src, pad])
    dstp = jnp.concatenate([dst, pad])
    zeros_acc = jnp.zeros((S_ACC, D), jnp.float32)
    dump_row = N_HALF + (jnp.arange(N_EDGES, dtype=jnp.int32) & 127)
    srcl = jnp.where(src < N_HALF, src, dump_row)
    dstl = jnp.where(dst < N_HALF, dst, dump_row)
    srch = jnp.where(src >= N_HALF, src - N_HALF, dump_row)
    dsth = jnp.where(dst >= N_HALF, dst - N_HALF, dump_row)

    def split4(w):
        return w[0:D], w[D:2 * D], w[2 * D:3 * D], w[3 * D:4 * D]

    w1s0, w1d0, w1e0, w1q0 = split4(edge_w1_0)
    w1s1, w1d1, w1e1, w1q1 = split4(edge_w1_1)
    nw1a0, nw1b0 = node_w1_0[0:D], node_w1_0[D:2 * D]
    nw1a1, nw1b1 = node_w1_1[0:D], node_w1_1[D:2 * D]

    r2 = lambda v: v.reshape(1, -1)

    qb0, qb1 = _q_call(question_embedding, q_w, r2(q_b),
                       w1q0, r2(edge_b1_0), w1q1, r2(edge_b1_1))

    a0, b0 = _prep_call(node_embedding, w1s0, w1d0)
    ga0, gb0 = _gather_call(a0, b0, srcp, dstp)
    ueh0 = _edge_call(ga0, gb0, relation_embedding,
                      w1e0, edge_w2_0, qb0, r2(edge_b2_0))
    p0, p1 = _scatter_call(ueh0, srcl, dstl, srch, dsth, zeros_acc)
    nh1, a1, b1 = _node_prep_call(node_embedding, p0, p1, nw1a0, nw1b0,
                                  r2(node_b1_0), node_w2_0, r2(node_b2_0),
                                  w1s1, w1d1)

    ga1, gb1 = _gather_call(a1, b1, srcp, dstp)
    ueh1, es = _edge_score_call(ga1, gb1, ueh0,
                                w1e1, edge_w2_1,
                                qb1, r2(edge_b2_1), es_w, r2(es_b).T)
    q0, q1 = _scatter_call(ueh1, srcl, dstl, srch, dsth, zeros_acc)
    ns = _node_final_call(nh1, q0, q1, nw1a1, nw1b1,
                          r2(node_b1_1), node_w2_1, r2(node_b2_1),
                          ns_w, r2(ns_b).T)

    return (ns.reshape(N_PAD)[:N_NODES], es.reshape(N_EDGES))

# --- scband reference (transcript-rebuilt; emitter-appended) ---
"""Pipeline reference for scband-question-aware-gnn-42399917146527 (READ-ONLY COPY).

The authoritative reference and input builder live on the scoring server;
editing this copy changes nothing except your own understanding.
"""

import jax, jax.numpy as jnp
import numpy as np

D = 128
H = 128
L = 2
N_NODES = 10000
N_EDGES = 320000


def _init(key, shape, scale=0.02):
    return jax.random.normal(key, shape, dtype=jnp.float32) * scale


def setup_inputs(seed: int = 0) -> dict:
    key = jax.random.key(seed)
    ks = jax.random.split(key, 40)
    inp = {
        "node_embedding": jax.random.normal(ks[0], (N_NODES, D), dtype=jnp.float32),
        "relation_embedding": jax.random.normal(ks[1], (N_EDGES, D), dtype=jnp.float32),
        "question_embedding": jax.random.normal(ks[2], (1, 768), dtype=jnp.float32),
        "edge_index": jax.random.randint(ks[3], (2, N_EDGES), 0, N_NODES, dtype=jnp.int64 if jax.config.jax_enable_x64 else jnp.int32).astype(jnp.int32),
        "edge_type": jax.random.randint(ks[4], (N_EDGES,), 0, 500, dtype=jnp.int32),
        "q_w": _init(ks[5], (768, D)),
        "q_b": jnp.zeros((D,), jnp.float32),
        "es_w": _init(ks[6], (D, 1)),
        "es_b": jnp.zeros((1,), jnp.float32),
        "ns_w": _init(ks[7], (D, 1)),
        "ns_b": jnp.zeros((1,), jnp.float32),
    }
    i = 8
    for l in range(L):
        inp[f"edge_w1_{l}"] = _init(ks[i], (4 * D, H)); i += 1
        inp[f"edge_b1_{l}"] = jnp.zeros((H,), jnp.float32)
        inp[f"edge_w2_{l}"] = _init(ks[i], (H, D)); i += 1
        inp[f"edge_b2_{l}"] = jnp.zeros((D,), jnp.float32)
        inp[f"node_w1_{l}"] = _init(ks[i], (2 * D, H)); i += 1
        inp[f"node_b1_{l}"] = jnp.zeros((H,), jnp.float32)
        inp[f"node_w2_{l}"] = _init(ks[i], (H, D)); i += 1
        inp[f"node_b2_{l}"] = jnp.zeros((D,), jnp.float32)
    return inp


def reference(node_embedding, relation_embedding, question_embedding, edge_index, edge_type,
              q_w, q_b, es_w, es_b, ns_w, ns_b,
              edge_w1_0, edge_b1_0, edge_w2_0, edge_b2_0,
              node_w1_0, node_b1_0, node_w2_0, node_b2_0,
              edge_w1_1, edge_b1_1, edge_w2_1, edge_b2_1,
              node_w1_1, node_b1_1, node_w2_1, node_b2_1):
    layers = [
        (edge_w1_0, edge_b1_0, edge_w2_0, edge_b2_0, node_w1_0, node_b1_0, node_w2_0, node_b2_0),
        (edge_w1_1, edge_b1_1, edge_w2_1, edge_b2_1, node_w1_1, node_b1_1, node_w2_1, node_b2_1),
    ]
    node_hidden = node_embedding
    edge_hidden = relation_embedding
    q = question_embedding @ q_w + q_b  # [1, D]
    src_idx = edge_index[0]
    dst_idx = edge_index[1]
    E = src_idx.shape[0]
    for (ew1, eb1, ew2, eb2, nw1, nb1, nw2, nb2) in layers:
        edge_source = jnp.take(node_hidden, src_idx, axis=0)
        edge_target = jnp.take(node_hidden, dst_idx, axis=0)
        q_exp = jnp.broadcast_to(q, (E, q.shape[-1]))
        edge_features = jnp.concatenate([edge_source, edge_target, edge_hidden, q_exp], axis=-1)
        h = jax.nn.relu(edge_features @ ew1 + eb1)
        updated_edge_hidden = h @ ew2 + eb2
        agg = jnp.zeros_like(node_hidden)
        agg = agg.at[src_idx].add(updated_edge_hidden)
        agg = agg.at[dst_idx].add(updated_edge_hidden)
        nh = jax.nn.relu(jnp.concatenate([node_hidden, agg], axis=-1) @ nw1 + nb1)
        node_hidden = nh @ nw2 + nb2
        edge_hidden = updated_edge_hidden
    edge_scores = jax.nn.sigmoid(edge_hidden @ es_w + es_b).squeeze(-1)
    node_scores = jax.nn.sigmoid(node_hidden @ ns_w + ns_b).squeeze(-1)
    return (node_scores, edge_scores)

if __name__ == "__main__":
    import jax
    _d = setup_inputs()
    print(jax.jit(kernel)(*tuple(_d.values())))

</pallas_src>

<mosaic_0001>
#map = affine_map<(d0, d1) -> (0, 0)>
#map1 = affine_map<(d0, d1) -> (0)>
module attributes {stable_mosaic.version = 14 : i64} {
  func.func @_gather_body(%arg0: i32, %arg1: i32, %arg2: memref<10240x128xf32, #tpu.memory_space<hbm>>, %arg3: memref<10240x128xf32, #tpu.memory_space<hbm>>, %arg4: memref<327680xi32, #tpu.memory_space<hbm>>, %arg5: memref<327680xi32, #tpu.memory_space<hbm>>, %arg6: memref<327680x128xf32, #tpu.memory_space<hbm>>, %arg7: memref<327680x128xf32, #tpu.memory_space<hbm>>, %arg8: memref<10240x128xf32, #tpu.memory_space<vmem_shared>>, %arg9: memref<128xi32, #tpu.memory_space<vmem>>, %arg10: memref<128xi32, #tpu.memory_space<vmem>>, %arg11: memref<128x128xf32, #tpu.memory_space<vmem>>, %arg12: memref<128x128xf32, #tpu.memory_space<vmem>>, %arg13: memref<!tpu.dma_semaphore, #tpu.memory_space<semaphore_mem>>, %arg14: memref<!tpu.dma_semaphore, #tpu.memory_space<semaphore_mem>>, %arg15: memref<!tpu.dma_semaphore, #tpu.memory_space<semaphore_mem>>, %arg16: memref<!tpu.dma_semaphore, #tpu.memory_space<semaphore_mem>>) attributes {dimension_semantics = [#tpu.dimension_semantics<core_parallel>, #tpu.dimension_semantics<subcore_parallel>], iteration_bounds = array<i64: 2, 16>, scalar_prefetch = 0 : i64, scratch_operands = 9 : i64, tpu.core_type = #tpu.core_type<sc_vector_subcore>, window_params = [{transform_indices = #map}, {transform_indices = #map}, {transform_indices = #map1}, {transform_indices = #map1}, {transform_indices = #map}, {transform_indices = #map}]} {
    %mul3A = arith.constant 640 : i32
    %mul3A_0 = arith.muli %arg1, %mul3A : i32
    %eq3A = arith.constant 0 : i32
    %eq3A_1 = arith.cmpi eq, %arg0, %eq3A : i32
    %convert_element_type3A = arith.extui %eq3A_1 : i1 to i32
    %cond3A = arith.constant 0 : i32
    %cond3A_2 = arith.cmpi ne, %convert_element_type3A, %cond3A : i32
    scf.if %cond3A_2 {
      "tpu.region"() ({
        %run_scoped3A = tpu.sem_alloc : memref<!tpu.dma_semaphore, #tpu.memory_space<semaphore_mem>>
        %dma_start3A_50 = arith.constant 0 : i32
        %dma_start3A_51 = tpu.memref_slice %arg8[%mul3A_0, %dma_start3A_50] : memref<10240x128xf32, #tpu.memory_space<vmem_shared>> -> memref<640x128xf32, #tpu.memory_space<vmem_shared>>
        %dma_start3A_52 = arith.constant 0 : i32
        %dma_start3A_53 = tpu.memref_slice %arg2[%mul3A_0, %dma_start3A_52] : memref<10240x128xf32, #tpu.memory_space<hbm>> -> memref<640x128xf32, #tpu.memory_space<hbm>>
        tpu.enqueue_dma source(%dma_start3A_53 : memref<640x128xf32, #tpu.memory_space<hbm>>) target(%dma_start3A_51 : memref<640x128xf32, #tpu.memory_space<vmem_shared>>) target_semaphore(%run_scoped3A : memref<!tpu.dma_semaphore, #tpu.memory_space<semaphore_mem>>)
        %dma_wait3A_54 = arith.constant 0 : i32
        %dma_wait3A_55 = tpu.memref_slice %arg8[%mul3A_0, %dma_wait3A_54] : memref<10240x128xf32, #tpu.memory_space<vmem_shared>> -> memref<640x128xf32, #tpu.memory_space<vmem_shared>>
        %dma_wait3A_56 = arith.constant 0 : i32
        %dma_wait3A_57 = tpu.memref_slice %arg2[%mul3A_0, %dma_wait3A_56] : memref<10240x128xf32, #tpu.memory_space<hbm>> -> memref<640x128xf32, #tpu.memory_space<hbm>>
        tpu.wait_dma2 semaphore(%run_scoped3A : memref<!tpu.dma_semaphore, #tpu.memory_space<semaphore_mem>>) src(%dma_wait3A_57 : memref<640x128xf32, #tpu.memory_space<hbm>>) dst(%dma_wait3A_55 : memref<640x128xf32, #tpu.memory_space<vmem_shared>>)
        tpu.yield
      }) : () -> ()
    } else {
    }
    %eq3A_3 = arith.constant 1 : i32
    %eq3A_4 = arith.cmpi eq, %arg0, %eq3A_3 : i32
    %convert_element_type3A_5 = arith.extui %eq3A_4 : i1 to i32
    %cond3A_6 = arith.constant 0 : i32
    %cond3A_7 = arith.cmpi ne, %convert_element_type3A_5, %cond3A_6 : i32
    scf.if %cond3A_7 {
      "tpu.region"() ({
        %run_scoped3A = tpu.sem_alloc : memref<!tpu.dma_semaphore, #tpu.memory_space<semaphore_mem>>
        %dma_start3A_50 = arith.constant 0 : i32
        %dma_start3A_51 = tpu.memref_slice %arg8[%mul3A_0, %dma_start3A_50] : memref<10240x128xf32, #tpu.memory_space<vmem_shared>> -> memref<640x128xf32, #tpu.memory_space<vmem_shared>>
        %dma_start3A_52 = arith.constant 0 : i32
        %dma_start3A_53 = tpu.memref_slice %arg3[%mul3A_0, %dma_start3A_52] : memref<10240x128xf32, #tpu.memory_space<hbm>> -> memref<640x128xf32, #tpu.memory_space<hbm>>
        tpu.enqueue_dma source(%dma_start3A_53 : memref<640x128xf32, #tpu.memory_space<hbm>>) target(%dma_start3A_51 : memref<640x128xf32, #tpu.memory_space<vmem_shared>>) target_semaphore(%run_scoped3A : memref<!tpu.dma_semaphore, #tpu.memory_space<semaphore_mem>>)
        %dma_wait3A_54 = arith.constant 0 : i32
        %dma_wait3A_55 = tpu.memref_slice %arg8[%mul3A_0, %dma_wait3A_54] : memref<10240x128xf32, #tpu.memory_space<vmem_shared>> -> memref<640x128xf32, #tpu.memory_space<vmem_shared>>
        %dma_wait3A_56 = arith.constant 0 : i32
        %dma_wait3A_57 = tpu.memref_slice %arg3[%mul3A_0, %dma_wait3A_56] : memref<10240x128xf32, #tpu.memory_space<hbm>> -> memref<640x128xf32, #tpu.memory_space<hbm>>
        tpu.wait_dma2 semaphore(%run_scoped3A : memref<!tpu.dma_semaphore, #tpu.memory_space<semaphore_mem>>) src(%dma_wait3A_57 : memref<640x128xf32, #tpu.memory_space<hbm>>) dst(%dma_wait3A_55 : memref<640x128xf32, #tpu.memory_space<vmem_shared>>)
        tpu.yield
      }) : () -> ()
    } else {
    }
    %barrier3A = arith.constant 0 : index
    tpu.barrier barrier_id(%barrier3A)
    %mul3A_8 = arith.constant 20480 : i32
    %mul3A_9 = arith.muli %arg1, %mul3A_8 : i32
    %add3A = arith.constant 0 : i32
    %add3A_10 = arith.addi %mul3A_9, %add3A : i32
    %eq3A_11 = arith.constant 0 : i32
    %eq3A_12 = arith.cmpi eq, %arg0, %eq3A_11 : i32
    %convert_element_type3A_13 = arith.extui %eq3A_12 : i1 to i32
    %cond3A_14 = arith.constant 0 : i32
    %cond3A_15 = arith.cmpi ne, %convert_element_type3A_13, %cond3A_14 : i32
    scf.if %cond3A_15 {
      "tpu.region"() ({
        %run_scoped3A = tpu.sem_alloc : memref<!tpu.dma_semaphore, #tpu.memory_space<semaphore_mem>>
        %dma_start3A_50 = tpu.memref_slice %arg4[%add3A_10] : memref<327680xi32, #tpu.memory_space<hbm>> -> memref<128xi32, #tpu.memory_space<hbm>>
        %dma_start3A_51 = tpu.memref_slice %arg4[%add3A_10] : memref<327680xi32, #tpu.memory_space<hbm>> -> memref<128xi32, #tpu.memory_space<hbm>>
        tpu.enqueue_dma source(%dma_start3A_51 : memref<128xi32, #tpu.memory_space<hbm>>) target(%arg9 : memref<128xi32, #tpu.memory_space<vmem>>) target_semaphore(%run_scoped3A : memref<!tpu.dma_semaphore, #tpu.memory_space<semaphore_mem>>)
        %dma_wait3A_52 = tpu.memref_slice %arg4[%add3A_10] : memref<327680xi32, #tpu.memory_space<hbm>> -> memref<128xi32, #tpu.memory_space<hbm>>
        %dma_wait3A_53 = tpu.memref_slice %arg4[%add3A_10] : memref<327680xi32, #tpu.memory_space<hbm>> -> memref<128xi32, #tpu.memory_space<hbm>>
        tpu.wait_dma2 semaphore(%run_scoped3A : memref<!tpu.dma_semaphore, #tpu.memory_space<semaphore_mem>>) src(%dma_wait3A_53 : memref<128xi32, #tpu.memory_space<hbm>>) dst(%arg9 : memref<128xi32, #tpu.memory_space<vmem>>)
        tpu.yield
      }) : () -> ()
    } else {
    }
    %eq3A_16 = arith.constant 1 : i32
    %eq3A_17 = arith.cmpi eq, %arg0, %eq3A_16 : i32
    %convert_element_type3A_18 = arith.extui %eq3A_17 : i1 to i32
    %cond3A_19 = arith.constant 0 : i32
    %cond3A_20 = arith.cmpi ne, %convert_element_type3A_18, %cond3A_19 : i32
    scf.if %cond3A_20 {
      "tpu.region"() ({
        %run_scoped3A = tpu.sem_alloc : memref<!tpu.dma_semaphore, #tpu.memory_space<semaphore_mem>>
        %dma_start3A_50 = tpu.memref_slice %arg5[%add3A_10] : memref<327680xi32, #tpu.memory_space<hbm>> -> memref<128xi32, #tpu.memory_space<hbm>>
        %dma_start3A_51 = tpu.memref_slice %arg5[%add3A_10] : memref<327680xi32, #tpu.memory_space<hbm>> -> memref<128xi32, #tpu.memory_space<hbm>>
        tpu.enqueue_dma source(%dma_start3A_51 : memref<128xi32, #tpu.memory_space<hbm>>) target(%arg9 : memref<128xi32, #tpu.memory_space<vmem>>) target_semaphore(%run_scoped3A : memref<!tpu.dma_semaphore, #tpu.memory_space<semaphore_mem>>)
        %dma_wait3A_52 = tpu.memref_slice %arg5[%add3A_10] : memref<327680xi32, #tpu.memory_space<hbm>> -> memref<128xi32, #tpu.memory_space<hbm>>
        %dma_wait3A_53 = tpu.memref_slice %arg5[%add3A_10] : memref<327680xi32, #tpu.memory_space<hbm>> -> memref<128xi32, #tpu.memory_space<hbm>>
        tpu.wait_dma2 semaphore(%run_scoped3A : memref<!tpu.dma_semaphore, #tpu.memory_space<semaphore_mem>>) src(%dma_wait3A_53 : memref<128xi32, #tpu.memory_space<hbm>>) dst(%arg9 : memref<128xi32, #tpu.memory_space<vmem>>)
        tpu.yield
      }) : () -> ()
    } else {
    }
    %dma_start3A = arith.constant 0 : i32
    %dma_start3A_21 = arith.constant 0 : i32
    %dma_start3A_22 = tpu.memref_slice %arg8[%dma_start3A, %dma_start3A_21] : memref<10240x128xf32, #tpu.memory_space<vmem_shared>> -> memref<10240x128xf32, #tpu.memory_space<vmem_shared>>
    tpu.enqueue_indirect_dma source(%dma_start3A_22 : memref<10240x128xf32, #tpu.memory_space<vmem_shared>>) target(%arg11 : memref<128x128xf32, #tpu.memory_space<vmem>>) offsets(%arg9 : memref<128xi32, #tpu.memory_space<vmem>>) semaphore(%arg13 : memref<!tpu.dma_semaphore, #tpu.memory_space<semaphore_mem>>)
    %add3A_23 = arith.constant 128 : i32
    %add3A_24 = arith.addi %mul3A_9, %add3A_23 : i32
    %eq3A_25 = arith.constant 0 : i32
    %eq3A_26 = arith.cmpi eq, %arg0, %eq3A_25 : i32
    %convert_element_type3A_27 = arith.extui %eq3A_26 : i1 to i32
    %cond3A_28 = arith.constant 0 : i32
    %cond3A_29 = arith.cmpi ne, %convert_element_type3A_27, %cond3A_28 : i32
    scf.if %cond3A_29 {
      "tpu.region"() ({
        %run_scoped3A = tpu.sem_alloc : memref<!tpu.dma_semaphore, #tpu.memory_space<semaphore_mem>>
        %dma_start3A_50 = tpu.memref_slice %arg4[%add3A_24] : memref<327680xi32, #tpu.memory_space<hbm>> -> memref<128xi32, #tpu.memory_space<hbm>>
        %dma_start3A_51 = tpu.memref_slice %arg4[%add3A_24] : memref<327680xi32, #tpu.memory_space<hbm>> -> memref<128xi32, #tpu.memory_space<hbm>>
        tpu.enqueue_dma source(%dma_start3A_51 : memref<128xi32, #tpu.memory_space<hbm>>) target(%arg10 : memref<128xi32, #tpu.memory_space<vmem>>) target_semaphore(%run_scoped3A : memref<!tpu.dma_semaphore, #tpu.memory_space<semaphore_mem>>)
        %dma_wait3A_52 = tpu.memref_slice %arg4[%add3A_24] : memref<327680xi32, #tpu.memory_space<hbm>> -> memref<128xi32, #tpu.memory_space<hbm>>
        %dma_wait3A_53 = tpu.memref_slice %arg4[%add3A_24] : memref<327680xi32, #tpu.memory_space<hbm>> -> memref<128xi32, #tpu.memory_space<hbm>>
        tpu.wait_dma2 semaphore(%run_scoped3A : memref<!tpu.dma_semaphore, #tpu.memory_space<semaphore_mem>>) src(%dma_wait3A_53 : memref<128xi32, #tpu.memory_space<hbm>>) dst(%arg10 : memref<128xi32, #tpu.memory_space<vmem>>)
        tpu.yield
      }) : () -> ()
    } else {
    }
    %eq3A_30 = arith.constant 1 : i32
    %eq3A_31 = arith.cmpi eq, %arg0, %eq3A_30 : i32
    %convert_element_type3A_32 = arith.extui %eq3A_31 : i1 to i32
    %cond3A_33 = arith.constant 0 : i32
    %cond3A_34 = arith.cmpi ne, %convert_element_type3A_32, %cond3A_33 : i32
    scf.if %cond3A_34 {
      "tpu.region"() ({
        %run_scoped3A = tpu.sem_alloc : memref<!tpu.dma_semaphore, #tpu.memory_space<semaphore_mem>>
        %dma_start3A_50 = tpu.memref_slice %arg5[%add3A_24] : memref<327680xi32, #tpu.memory_space<hbm>> -> memref<128xi32, #tpu.memory_space<hbm>>
        %dma_start3A_51 = tpu.memref_slice %arg5[%add3A_24] : memref<327680xi32, #tpu.memory_space<hbm>> -> memref<128xi32, #tpu.memory_space<hbm>>
        tpu.enqueue_dma source(%dma_start3A_51 : memref<128xi32, #tpu.memory_space<hbm>>) target(%arg10 : memref<128xi32, #tpu.memory_space<vmem>>) target_semaphore(%run_scoped3A : memref<!tpu.dma_semaphore, #tpu.memory_space<semaphore_mem>>)
        %dma_wait3A_52 = tpu.memref_slice %arg5[%add3A_24] : memref<327680xi32, #tpu.memory_space<hbm>> -> memref<128xi32, #tpu.memory_space<hbm>>
        %dma_wait3A_53 = tpu.memref_slice %arg5[%add3A_24] : memref<327680xi32, #tpu.memory_space<hbm>> -> memref<128xi32, #tpu.memory_space<hbm>>
        tpu.wait_dma2 semaphore(%run_scoped3A : memref<!tpu.dma_semaphore, #tpu.memory_space<semaphore_mem>>) src(%dma_wait3A_53 : memref<128xi32, #tpu.memory_space<hbm>>) dst(%arg10 : memref<128xi32, #tpu.memory_space<vmem>>)
        tpu.yield
      }) : () -> ()
    } else {
    }
    %dma_start3A_35 = arith.constant 0 : i32
    %dma_start3A_36 = arith.constant 0 : i32
    %dma_start3A_37 = tpu.memref_slice %arg8[%dma_start3A_35, %dma_start3A_36] : memref<10240x128xf32, #tpu.memory_space<vmem_shared>> -> memref<10240x128xf32, #tpu.memory_space<vmem_shared>>
    tpu.enqueue_indirect_dma source(%dma_start3A_37 : memref<10240x128xf32, #tpu.memory_space<vmem_shared>>) target(%arg12 : memref<128x128xf32, #tpu.memory_space<vmem>>) offsets(%arg10 : memref<128xi32, #tpu.memory_space<vmem>>) semaphore(%arg14 : memref<!tpu.dma_semaphore, #tpu.memory_space<semaphore_mem>>)
    %scan3A = arith.constant 0 : i32
    %scan3A_38 = arith.constant 0 : i32
    %scan3A_39 = arith.constant 80 : i32
    %scan3A_40 = arith.addi %scan3A_38, %scan3A_39 : i32
    %scan3A_41 = arith.constant 1 : i32
    scf.for %scan3A_50 = %scan3A_38 to %scan3A_40 step %scan3A_41  : i32 {
      %mul3A_51 = arith.constant 2 : i32
      %mul3A_52 = arith.muli %scan3A_50, %mul3A_51 : i32
      %add3A_53 = arith.constant 0 : i32
      %add3A_54 = arith.addi %mul3A_52, %add3A_53 : i32
      %mul3A_55 = arith.constant 128 : i32
      %mul3A_56 = arith.muli %add3A_54, %mul3A_55 : i32
      %add3A_57 = arith.addi %mul3A_9, %mul3A_56 : i32
      %dma_wait3A_58 = arith.constant 0 : i32
      %dma_wait3A_59 = arith.constant 0 : i32
      %dma_wait3A_60 = tpu.memref_slice %arg8[%dma_wait3A_58, %dma_wait3A_59] : memref<10240x128xf32, #tpu.memory_space<vmem_shared>> -> memref<10240x128xf32, #tpu.memory_space<vmem_shared>>
      tpu.wait_indirect_dma semaphore(%arg13 : memref<!tpu.dma_semaphore, #tpu.memory_space<semaphore_mem>>) src(%dma_wait3A_60 : memref<10240x128xf32, #tpu.memory_space<vmem_shared>>) dst(%arg11 : memref<128x128xf32, #tpu.memory_space<vmem>>)
      %eq3A_61 = arith.constant 0 : i32
      %eq3A_62 = arith.cmpi eq, %arg0, %eq3A_61 : i32
      %convert_element_type3A_63 = arith.extui %eq3A_62 : i1 to i32
      %cond3A_64 = arith.constant 0 : i32
      %cond3A_65 = arith.cmpi ne, %convert_element_type3A_63, %cond3A_64 : i32
      scf.if %cond3A_65 {
        %dma_start3A_104 = arith.constant 0 : i32
        %dma_start3A_105 = tpu.memref_slice %arg6[%add3A_57, %dma_start3A_104] : memref<327680x128xf32, #tpu.memory_space<hbm>> -> memref<128x128xf32, #tpu.memory_space<hbm>>
        %dma_start3A_106 = arith.constant 0 : i32
        %dma_start3A_107 = tpu.memref_slice %arg6[%add3A_57, %dma_start3A_106] : memref<327680x128xf32, #tpu.memory_space<hbm>> -> memref<128x128xf32, #tpu.memory_space<hbm>>
        tpu.enqueue_dma source(%arg11 : memref<128x128xf32, #tpu.memory_space<vmem>>) target(%dma_start3A_107 : memref<128x128xf32, #tpu.memory_space<hbm>>) target_semaphore(%arg15 : memref<!tpu.dma_semaphore, #tpu.memory_space<semaphore_mem>>)
      } else {
      }
      %eq3A_66 = arith.constant 1 : i32
      %eq3A_67 = arith.cmpi eq, %arg0, %eq3A_66 : i32
      %convert_element_type3A_68 = arith.extui %eq3A_67 : i1 to i32
      %cond3A_69 = arith.constant 0 : i32
      %cond3A_70 = arith.cmpi ne, %convert_element_type3A_68, %cond3A_69 : i32
      scf.if %cond3A_70 {
        %dma_start3A_104 = arith.constant 0 : i32
        %dma_start3A_105 = tpu.memref_slice %arg7[%add3A_57, %dma_start3A_104] : memref<327680x128xf32, #tpu.memory_space<hbm>> -> memref<128x128xf32, #tpu.memory_space<hbm>>
        %dma_start3A_106 = arith.constant 0 : i32
        %dma_start3A_107 = tpu.memref_slice %arg7[%add3A_57, %dma_start3A_106] : memref<327680x128xf32, #tpu.memory_space<hbm>> -> memref<128x128xf32, #tpu.memory_space<hbm>>
        tpu.enqueue_dma source(%arg11 : memref<128x128xf32, #tpu.memory_space<vmem>>) target(%dma_start3A_107 : memref<128x128xf32, #tpu.memory_space<hbm>>) target_semaphore(%arg15 : memref<!tpu.dma_semaphore, #tpu.memory_space<semaphore_mem>>)
      } else {
      }
      %add3A_71 = arith.constant 2 : i32
      %add3A_72 = arith.addi %add3A_54, %add3A_71 : i32
      %lt3A = arith.constant 160 : i32
      %lt3A_73 = arith.cmpi slt, %add3A_72, %lt3A : i32
      %convert_element_type3A_74 = arith.extui %lt3A_73 : i1 to i32
      %cond3A_75 = arith.constant 0 : i32
      %cond3A_76 = arith.cmpi ne, %convert_element_type3A_74, %cond3A_75 : i32
      scf.if %cond3A_76 {
        %dma_wait3A_104 = arith.constant 0 : i32
        %dma_wait3A_105 = tpu.memref_slice %arg6[%add3A_57, %dma_wait3A_104] : memref<327680x128xf32, #tpu.memory_space<hbm>> -> memref<128x128xf32, #tpu.memory_space<hbm>>
        %dma_wait3A_106 = arith.constant 0 : i32
        %dma_wait3A_107 = tpu.memref_slice %arg6[%add3A_57, %dma_wait3A_106] : memref<327680x128xf32, #tpu.memory_space<hbm>> -> memref<128x128xf32, #tpu.memory_space<hbm>>
        tpu.wait_dma2 semaphore(%arg15 : memref<!tpu.dma_semaphore, #tpu.memory_space<semaphore_mem>>) src(%arg11 : memref<128x128xf32, #tpu.memory_space<vmem>>) dst(%dma_wait3A_107 : memref<128x128xf32, #tpu.memory_space<hbm>>)
        %add3A_108 = arith.constant 256 : i32
        %add3A_109 = arith.addi %add3A_57, %add3A_108 : i32
        %eq3A_110 = arith.constant 0 : i32
        %eq3A_111 = arith.cmpi eq, %arg0, %eq3A_110 : i32
        %convert_element_type3A_112 = arith.extui %eq3A_111 : i1 to i32
        %cond3A_113 = arith.constant 0 : i32
        %cond3A_114 = arith.cmpi ne, %convert_element_type3A_112, %cond3A_113 : i32
        scf.if %cond3A_114 {
          "tpu.region"() ({
            %run_scoped3A = tpu.sem_alloc : memref<!tpu.dma_semaphore, #tpu.memory_space<semaphore_mem>>
            %dma_start3A_123 = tpu.memref_slice %arg4[%add3A_109] : memref<327680xi32, #tpu.memory_space<hbm>> -> memref<128xi32, #tpu.memory_space<hbm>>
            %dma_start3A_124 = tpu.memref_slice %arg4[%add3A_109] : memref<327680xi32, #tpu.memory_space<hbm>> -> memref<128xi32, #tpu.memory_space<hbm>>
            tpu.enqueue_dma source(%dma_start3A_124 : memref<128xi32, #tpu.memory_space<hbm>>) target(%arg9 : memref<128xi32, #tpu.memory_space<vmem>>) target_semaphore(%run_scoped3A : memref<!tpu.dma_semaphore, #tpu.memory_space<semaphore_mem>>)
            %dma_wait3A_125 = tpu.memref_slice %arg4[%add3A_109] : memref<327680xi32, #tpu.memory_space<hbm>> -> memref<128xi32, #tpu.memory_space<hbm>>
            %dma_wait3A_126 = tpu.memref_slice %arg4[%add3A_109] : memref<327680xi32, #tpu.memory_space<hbm>> -> memref<128xi32, #tpu.memory_space<hbm>>
            tpu.wait_dma2 semaphore(%run_scoped3A : memref<!tpu.dma_semaphore, #tpu.memory_space<semaphore_mem>>) src(%dma_wait3A_126 : memref<128xi32, #tpu.memory_space<hbm>>) dst(%arg9 : memref<128xi32, #tpu.memory_space<vmem>>)
            tpu.yield
          }) : () -> ()
        } else {
        }
        %eq3A_115 = arith.constant 1 : i32
        %eq3A_116 = arith.cmpi eq, %arg0, %eq3A_115 : i32
        %convert_element_type3A_117 = arith.extui %eq3A_116 : i1 to i32
        %cond3A_118 = arith.constant 0 : i32
        %cond3A_119 = arith.cmpi ne, %convert_element_type3A_117, %cond3A_118 : i32
        scf.if %cond3A_119 {
          "tpu.region"() ({
            %run_scoped3A = tpu.sem_alloc : memref<!tpu.dma_semaphore, #tpu.memory_space<semaphore_mem>>
            %dma_start3A_123 = tpu.memref_slice %arg5[%add3A_109] : memref<327680xi32, #tpu.memory_space<hbm>> -> memref<128xi32, #tpu.memory_space<hbm>>
            %dma_start3A_124 = tpu.memref_slice %arg5[%add3A_109] : memref<327680xi32, #tpu.memory_space<hbm>> -> memref<128xi32, #tpu.memory_space<hbm>>
            tpu.enqueue_dma source(%dma_start3A_124 : memref<128xi32, #tpu.memory_space<hbm>>) target(%arg9 : memref<128xi32, #tpu.memory_space<vmem>>) target_semaphore(%run_scoped3A : memref<!tpu.dma_semaphore, #tpu.memory_space<semaphore_mem>>)
            %dma_wait3A_125 = tpu.memref_slice %arg5[%add3A_109] : memref<327680xi32, #tpu.memory_space<hbm>> -> memref<128xi32, #tpu.memory_space<hbm>>
            %dma_wait3A_126 = tpu.memref_slice %arg5[%add3A_109] : memref<327680xi32, #tpu.memory_space<hbm>> -> memref<128xi32, #tpu.memory_space<hbm>>
            tpu.wait_dma2 semaphore(%run_scoped3A : memref<!tpu.dma_semaphore, #tpu.memory_space<semaphore_mem>>) src(%dma_wait3A_126 : memref<128xi32, #tpu.memory_space<hbm>>) dst(%arg9 : memref<128xi32, #tpu.memory_space<vmem>>)
            tpu.yield
          }) : () -> ()
        } else {
        }
        %dma_start3A_120 = arith.constant 0 : i32
        %dma_start3A_121 = arith.constant 0 : i32
        %dma_start3A_122 = tpu.memref_slice %arg8[%dma_start3A_120, %dma_start3A_121] : memref<10240x128xf32, #tpu.memory_space<vmem_shared>> -> memref<10240x128xf32, #tpu.memory_space<vmem_shared>>
        tpu.enqueue_indirect_dma source(%dma_start3A_122 : memref<10240x128xf32, #tpu.memory_space<vmem_shared>>) target(%arg11 : memref<128x128xf32, #tpu.memory_space<vmem>>) offsets(%arg9 : memref<128xi32, #tpu.memory_space<vmem>>) semaphore(%arg13 : memref<!tpu.dma_semaphore, #tpu.memory_space<semaphore_mem>>)
      } else {
      }
      %mul3A_77 = arith.constant 2 : i32
      %mul3A_78 = arith.muli %scan3A_50, %mul3A_77 : i32
      %add3A_79 = arith.constant 1 : i32
      %add3A_80 = arith.addi %mul3A_78, %add3A_79 : i32
      %mul3A_81 = arith.constant 128 : i32
      %mul3A_82 = arith.muli %add3A_80, %mul3A_81 : i32
      %add3A_83 = arith.addi %mul3A_9, %mul3A_82 : i32
      %dma_wait3A_84 = arith.constant 0 : i32
      %dma_wait3A_85 = arith.constant 0 : i32
      %dma_wait3A_86 = tpu.memref_slice %arg8[%dma_wait3A_84, %dma_wait3A_85] : memref<10240x128xf32, #tpu.memory_space<vmem_shared>> -> memref<10240x128xf32, #tpu.memory_space<vmem_shared>>
      tpu.wait_indirect_dma semaphore(%arg14 : memref<!tpu.dma_semaphore, #tpu.memory_space<semaphore_mem>>) src(%dma_wait3A_86 : memref<10240x128xf32, #tpu.memory_space<vmem_shared>>) dst(%arg12 : memref<128x128xf32, #tpu.memory_space<vmem>>)
      %eq3A_87 = arith.constant 0 : i32
      %eq3A_88 = arith.cmpi eq, %arg0, %eq3A_87 : i32
      %convert_element_type3A_89 = arith.extui %eq3A_88 : i1 to i32
      %cond3A_90 = arith.constant 0 : i32
      %cond3A_91 = arith.cmpi ne, %convert_element_type3A_89, %cond3A_90 : i32
      scf.if %cond3A_91 {
        %dma_start3A_104 = arith.constant 0 : i32
        %dma_start3A_105 = tpu.memref_slice %arg6[%add3A_83, %dma_start3A_104] : memref<327680x128xf32, #tpu.memory_space<hbm>> -> memref<128x128xf32, #tpu.memory_space<hbm>>
        %dma_start3A_106 = arith.constant 0 : i32
        %dma_start3A_107 = tpu.memref_slice %arg6[%add3A_83, %dma_start3A_106] : memref<327680x128xf32, #tpu.memory_space<hbm>> -> memref<128x128xf32, #tpu.memory_space<hbm>>
        tpu.enqueue_dma source(%arg12 : memref<128x128xf32, #tpu.memory_space<vmem>>) target(%dma_start3A_107 : memref<128x128xf32, #tpu.memory_space<hbm>>) target_semaphore(%arg16 : memref<!tpu.dma_semaphore, #tpu.memory_space<semaphore_mem>>)
      } else {
      }
      %eq3A_92 = arith.constant 1 : i32
      %eq3A_93 = arith.cmpi eq, %arg0, %eq3A_92 : i32
      %convert_element_type3A_94 = arith.extui %eq3A_93 : i1 to i32
      %cond3A_95 = arith.constant 0 : i32
      %cond3A_96 = arith.cmpi ne, %convert_element_type3A_94, %cond3A_95 : i32
      scf.if %cond3A_96 {
        %dma_start3A_104 = arith.constant 0 : i32
        %dma_start3A_105 = tpu.memref_slice %arg7[%add3A_83, %dma_start3A_104] : memref<327680x128xf32, #tpu.memory_space<hbm>> -> memref<128x128xf32, #tpu.memory_space<hbm>>
        %dma_start3A_106 = arith.constant 0 : i32
        %dma_start3A_107 = tpu.memref_slice %arg7[%add3A_83, %dma_start3A_106] : memref<327680x128xf32, #tpu.memory_space<hbm>> -> memref<128x128xf32, #tpu.memory_space<hbm>>
        tpu.enqueue_dma source(%arg12 : memref<128x128xf32, #tpu.memory_space<vmem>>) target(%dma_start3A_107 : memref<128x128xf32, #tpu.memory_space<hbm>>) target_semaphore(%arg16 : memref<!tpu.dma_semaphore, #tpu.memory_space<semaphore_mem>>)
      } else {
      }
      %add3A_97 = arith.constant 2 : i32
      %add3A_98 = arith.addi %add3A_80, %add3A_97 : i32
      %lt3A_99 = arith.constant 160 : i32
      %lt3A_100 = arith.cmpi slt, %add3A_98, %lt3A_99 : i32
      %convert_element_type3A_101 = arith.extui %lt3A_100 : i1 to i32
      %cond3A_102 = arith.constant 0 : i32
      %cond3A_103 = arith.cmpi ne, %convert_element_type3A_101, %cond3A_102 : i32
      scf.if %cond3A_103 {
        %dma_wait3A_104 = arith.constant 0 : i32
        %dma_wait3A_105 = tpu.memref_slice %arg6[%add3A_83, %dma_wait3A_104] : memref<327680x128xf32, #tpu.memory_space<hbm>> -> memref<128x128xf32, #tpu.memory_space<hbm>>
        %dma_wait3A_106 = arith.constant 0 : i32
        %dma_wait3A_107 = tpu.memref_slice %arg6[%add3A_83, %dma_wait3A_106] : memref<327680x128xf32, #tpu.memory_space<hbm>> -> memref<128x128xf32, #tpu.memory_space<hbm>>
        tpu.wait_dma2 semaphore(%arg16 : memref<!tpu.dma_semaphore, #tpu.memory_space<semaphore_mem>>) src(%arg12 : memref<128x128xf32, #tpu.memory_space<vmem>>) dst(%dma_wait3A_107 : memref<128x128xf32, #tpu.memory_space<hbm>>)
        %add3A_108 = arith.constant 256 : i32
        %add3A_109 = arith.addi %add3A_83, %add3A_108 : i32
        %eq3A_110 = arith.constant 0 : i32
        %eq3A_111 = arith.cmpi eq, %arg0, %eq3A_110 : i32
        %convert_element_type3A_112 = arith.extui %eq3A_111 : i1 to i32
        %cond3A_113 = arith.constant 0 : i32
        %cond3A_114 = arith.cmpi ne, %convert_element_type3A_112, %cond3A_113 : i32
        scf.if %cond3A_114 {
          "tpu.region"() ({
            %run_scoped3A = tpu.sem_alloc : memref<!tpu.dma_semaphore, #tpu.memory_space<semaphore_mem>>
            %dma_start3A_123 = tpu.memref_slice %arg4[%add3A_109] : memref<327680xi32, #tpu.memory_space<hbm>> -> memref<128xi32, #tpu.memory_space<hbm>>
            %dma_start3A_124 = tpu.memref_slice %arg4[%add3A_109] : memref<327680xi32, #tpu.memory_space<hbm>> -> memref<128xi32, #tpu.memory_space<hbm>>
            tpu.enqueue_dma source(%dma_start3A_124 : memref<128xi32, #tpu.memory_space<hbm>>) target(%arg10 : memref<128xi32, #tpu.memory_space<vmem>>) target_semaphore(%run_scoped3A : memref<!tpu.dma_semaphore, #tpu.memory_space<semaphore_mem>>)
            %dma_wait3A_125 = tpu.memref_slice %arg4[%add3A_109] : memref<327680xi32, #tpu.memory_space<hbm>> -> memref<128xi32, #tpu.memory_space<hbm>>
            %dma_wait3A_126 = tpu.memref_slice %arg4[%add3A_109] : memref<327680xi32, #tpu.memory_space<hbm>> -> memref<128xi32, #tpu.memory_space<hbm>>
            tpu.wait_dma2 semaphore(%run_scoped3A : memref<!tpu.dma_semaphore, #tpu.memory_space<semaphore_mem>>) src(%dma_wait3A_126 : memref<128xi32, #tpu.memory_space<hbm>>) dst(%arg10 : memref<128xi32, #tpu.memory_space<vmem>>)
            tpu.yield
          }) : () -> ()
        } else {
        }
        %eq3A_115 = arith.constant 1 : i32
        %eq3A_116 = arith.cmpi eq, %arg0, %eq3A_115 : i32
        %convert_element_type3A_117 = arith.extui %eq3A_116 : i1 to i32
        %cond3A_118 = arith.constant 0 : i32
        %cond3A_119 = arith.cmpi ne, %convert_element_type3A_117, %cond3A_118 : i32
        scf.if %cond3A_119 {
          "tpu.region"() ({
            %run_scoped3A = tpu.sem_alloc : memref<!tpu.dma_semaphore, #tpu.memory_space<semaphore_mem>>
            %dma_start3A_123 = tpu.memref_slice %arg5[%add3A_109] : memref<327680xi32, #tpu.memory_space<hbm>> -> memref<128xi32, #tpu.memory_space<hbm>>
            %dma_start3A_124 = tpu.memref_slice %arg5[%add3A_109] : memref<327680xi32, #tpu.memory_space<hbm>> -> memref<128xi32, #tpu.memory_space<hbm>>
            tpu.enqueue_dma source(%dma_start3A_124 : memref<128xi32, #tpu.memory_space<hbm>>) target(%arg10 : memref<128xi32, #tpu.memory_space<vmem>>) target_semaphore(%run_scoped3A : memref<!tpu.dma_semaphore, #tpu.memory_space<semaphore_mem>>)
            %dma_wait3A_125 = tpu.memref_slice %arg5[%add3A_109] : memref<327680xi32, #tpu.memory_space<hbm>> -> memref<128xi32, #tpu.memory_space<hbm>>
            %dma_wait3A_126 = tpu.memref_slice %arg5[%add3A_109] : memref<327680xi32, #tpu.memory_space<hbm>> -> memref<128xi32, #tpu.memory_space<hbm>>
            tpu.wait_dma2 semaphore(%run_scoped3A : memref<!tpu.dma_semaphore, #tpu.memory_space<semaphore_mem>>) src(%dma_wait3A_126 : memref<128xi32, #tpu.memory_space<hbm>>) dst(%arg10 : memref<128xi32, #tpu.memory_space<vmem>>)
            tpu.yield
          }) : () -> ()
        } else {
        }
        %dma_start3A_120 = arith.constant 0 : i32
        %dma_start3A_121 = arith.constant 0 : i32
        %dma_start3A_122 = tpu.memref_slice %arg8[%dma_start3A_120, %dma_start3A_121] : memref<10240x128xf32, #tpu.memory_space<vmem_shared>> -> memref<10240x128xf32, #tpu.memory_space<vmem_shared>>
        tpu.enqueue_indirect_dma source(%dma_start3A_122 : memref<10240x128xf32, #tpu.memory_space<vmem_shared>>) target(%arg12 : memref<128x128xf32, #tpu.memory_space<vmem>>) offsets(%arg10 : memref<128xi32, #tpu.memory_space<vmem>>) semaphore(%arg14 : memref<!tpu.dma_semaphore, #tpu.memory_space<semaphore_mem>>)
      } else {
      }
    }
    %scan3A_42 = arith.constant 80 : i32
    %dma_wait3A = arith.constant 0 : i32
    %dma_wait3A_43 = tpu.memref_slice %arg6[%mul3A_9, %dma_wait3A] : memref<327680x128xf32, #tpu.memory_space<hbm>> -> memref<128x128xf32, #tpu.memory_space<hbm>>
    %dma_wait3A_44 = arith.constant 0 : i32
    %dma_wait3A_45 = tpu.memref_slice %arg6[%mul3A_9, %dma_wait3A_44] : memref<327680x128xf32, #tpu.memory_space<hbm>> -> memref<128x128xf32, #tpu.memory_space<hbm>>
    tpu.wait_dma2 semaphore(%arg15 : memref<!tpu.dma_semaphore, #tpu.memory_space<semaphore_mem>>) src(%arg11 : memref<128x128xf32, #tpu.memory_space<vmem>>) dst(%dma_wait3A_45 : memref<128x128xf32, #tpu.memory_space<hbm>>)
    %dma_wait3A_46 = arith.constant 0 : i32
    %dma_wait3A_47 = tpu.memref_slice %arg6[%mul3A_9, %dma_wait3A_46] : memref<327680x128xf32, #tpu.memory_space<hbm>> -> memref<128x128xf32, #tpu.memory_space<hbm>>
    %dma_wait3A_48 = arith.constant 0 : i32
    %dma_wait3A_49 = tpu.memref_slice %arg6[%mul3A_9, %dma_wait3A_48] : memref<327680x128xf32, #tpu.memory_space<hbm>> -> memref<128x128xf32, #tpu.memory_space<hbm>>
    tpu.wait_dma2 semaphore(%arg16 : memref<!tpu.dma_semaphore, #tpu.memory_space<semaphore_mem>>) src(%arg12 : memref<128x128xf32, #tpu.memory_space<vmem>>) dst(%dma_wait3A_49 : memref<128x128xf32, #tpu.memory_space<hbm>>)
    return
  }
}

#map = affine_map<(d0, d1) -> (0, 0)>
#map1 = affine_map<(d0, d1) -> (0)>
module attributes {stable_mosaic.version = 14 : i64} {
  func.func @_scatter_body(%arg0: i32, %arg1: i32, %arg2: memref<320000x128xf32, #tpu.memory_space<hbm>>, %arg3: memref<320000xi32, #tpu.memory_space<hbm>>, %arg4: memref<320000xi32, #tpu.memory_space<hbm>>, %arg5: memref<320000xi32, #tpu.memory_space<hbm>>, %arg6: memref<320000xi32, #tpu.memory_space<hbm>>, %arg7: memref<5248x128xf32, #tpu.memory_space<hbm>>, %arg8: memref<5248x128xf32, #tpu.memory_space<hbm>>, %arg9: memref<5248x128xf32, #tpu.memory_space<hbm>>, %arg10: memref<5248x128xf32, #tpu.memory_space<vmem_shared>>, %arg11: memref<128xi32, #tpu.memory_space<vmem>>, %arg12: memref<128xi32, #tpu.memory_space<vmem>>, %arg13: memref<128xi32, #tpu.memory_space<vmem>>, %arg14: memref<128xi32, #tpu.memory_space<vmem>>, %arg15: memref<128x128xf32, #tpu.memory_space<vmem>>, %arg16: memref<128x128xf32, #tpu.memory_space<vmem>>, %arg17: memref<32xi32, #tpu.memory_space<vmem>>, %arg18: memref<32x128xf32, #tpu.memory_space<vmem>>, %arg19: memref<!tpu.dma_semaphore, #tpu.memory_space<semaphore_mem>>, %arg20: memref<!tpu.dma_semaphore, #tpu.memory_space<semaphore_mem>>) attributes {dimension_semantics = [#tpu.dimension_semantics<core_parallel>, #tpu.dimension_semantics<subcore_parallel>], iteration_bounds = array<i64: 2, 16>, scalar_prefetch = 0 : i64, scratch_operands = 11 : i64, tpu.core_type = #tpu.core_type<sc_vector_subcore>, window_params = [{transform_indices = #map}, {transform_indices = #map1}, {transform_indices = #map1}, {transform_indices = #map1}, {transform_indices = #map1}, {transform_indices = #map}, {transform_indices = #map}, {transform_indices = #map}]} {
    %mul3A = arith.constant 328 : i32
    %mul3A_0 = arith.muli %arg1, %mul3A : i32
    "tpu.region"() ({
      %run_scoped3A = tpu.sem_alloc : memref<!tpu.dma_semaphore, #tpu.memory_space<semaphore_mem>>
      %dma_start3A_50 = arith.constant 0 : i32
      %dma_start3A_51 = tpu.memref_slice %arg10[%mul3A_0, %dma_start3A_50] : memref<5248x128xf32, #tpu.memory_space<vmem_shared>> -> memref<328x128xf32, #tpu.memory_space<vmem_shared>>
      %dma_start3A_52 = arith.constant 0 : i32
      %dma_start3A_53 = tpu.memref_slice %arg7[%mul3A_0, %dma_start3A_52] : memref<5248x128xf32, #tpu.memory_space<hbm>> -> memref<328x128xf32, #tpu.memory_space<hbm>>
      tpu.enqueue_dma source(%dma_start3A_53 : memref<328x128xf32, #tpu.memory_space<hbm>>) target(%dma_start3A_51 : memref<328x128xf32, #tpu.memory_space<vmem_shared>>) target_semaphore(%run_scoped3A : memref<!tpu.dma_semaphore, #tpu.memory_space<semaphore_mem>>)
      %dma_wait3A = arith.constant 0 : i32
      %dma_wait3A_54 = tpu.memref_slice %arg10[%mul3A_0, %dma_wait3A] : memref<5248x128xf32, #tpu.memory_space<vmem_shared>> -> memref<328x128xf32, #tpu.memory_space<vmem_shared>>
      %dma_wait3A_55 = arith.constant 0 : i32
      %dma_wait3A_56 = tpu.memref_slice %arg7[%mul3A_0, %dma_wait3A_55] : memref<5248x128xf32, #tpu.memory_space<hbm>> -> memref<328x128xf32, #tpu.memory_space<hbm>>
      tpu.wait_dma2 semaphore(%run_scoped3A : memref<!tpu.dma_semaphore, #tpu.memory_space<semaphore_mem>>) src(%dma_wait3A_56 : memref<328x128xf32, #tpu.memory_space<hbm>>) dst(%dma_wait3A_54 : memref<328x128xf32, #tpu.memory_space<vmem_shared>>)
      tpu.yield
    }) : () -> ()
    %barrier3A = arith.constant 0 : index
    tpu.barrier barrier_id(%barrier3A)
    %mul3A_1 = arith.constant 20000 : i32
    %mul3A_2 = arith.muli %arg1, %mul3A_1 : i32
    %dma_start3A = arith.constant 0 : i32
    %dma_start3A_3 = tpu.memref_slice %arg2[%mul3A_2, %dma_start3A] : memref<320000x128xf32, #tpu.memory_space<hbm>> -> memref<128x128xf32, #tpu.memory_space<hbm>>
    %dma_start3A_4 = arith.constant 0 : i32
    %dma_start3A_5 = tpu.memref_slice %arg2[%mul3A_2, %dma_start3A_4] : memref<320000x128xf32, #tpu.memory_space<hbm>> -> memref<128x128xf32, #tpu.memory_space<hbm>>
    tpu.enqueue_dma source(%dma_start3A_5 : memref<128x128xf32, #tpu.memory_space<hbm>>) target(%arg15 : memref<128x128xf32, #tpu.memory_space<vmem>>) target_semaphore(%arg19 : memref<!tpu.dma_semaphore, #tpu.memory_space<semaphore_mem>>)
    %eq3A = arith.constant 0 : i32
    %eq3A_6 = arith.cmpi eq, %arg0, %eq3A : i32
    %convert_element_type3A = arith.extui %eq3A_6 : i1 to i32
    %cond3A = arith.constant 0 : i32
    %cond3A_7 = arith.cmpi ne, %convert_element_type3A, %cond3A : i32
    scf.if %cond3A_7 {
      %dma_start3A_50 = tpu.memref_slice %arg3[%mul3A_2] : memref<320000xi32, #tpu.memory_space<hbm>> -> memref<128xi32, #tpu.memory_space<hbm>>
      %dma_start3A_51 = tpu.memref_slice %arg3[%mul3A_2] : memref<320000xi32, #tpu.memory_space<hbm>> -> memref<128xi32, #tpu.memory_space<hbm>>
      tpu.enqueue_dma source(%dma_start3A_51 : memref<128xi32, #tpu.memory_space<hbm>>) target(%arg11 : memref<128xi32, #tpu.memory_space<vmem>>) target_semaphore(%arg19 : memref<!tpu.dma_semaphore, #tpu.memory_space<semaphore_mem>>)
      %dma_start3A_52 = tpu.memref_slice %arg4[%mul3A_2] : memref<320000xi32, #tpu.memory_space<hbm>> -> memref<128xi32, #tpu.memory_space<hbm>>
      %dma_start3A_53 = tpu.memref_slice %arg4[%mul3A_2] : memref<320000xi32, #tpu.memory_space<hbm>> -> memref<128xi32, #tpu.memory_space<hbm>>
      tpu.enqueue_dma source(%dma_start3A_53 : memref<128xi32, #tpu.memory_space<hbm>>) target(%arg13 : memref<128xi32, #tpu.memory_space<vmem>>) target_semaphore(%arg19 : memref<!tpu.dma_semaphore, #tpu.memory_space<semaphore_mem>>)
    } else {
    }
    %eq3A_8 = arith.constant 1 : i32
    %eq3A_9 = arith.cmpi eq, %arg0, %eq3A_8 : i32
    %convert_element_type3A_10 = arith.extui %eq3A_9 : i1 to i32
    %cond3A_11 = arith.constant 0 : i32
    %cond3A_12 = arith.cmpi ne, %convert_element_type3A_10, %cond3A_11 : i32
    scf.if %cond3A_12 {
      %dma_start3A_50 = tpu.memref_slice %arg5[%mul3A_2] : memref<320000xi32, #tpu.memory_space<hbm>> -> memref<128xi32, #tpu.memory_space<hbm>>
      %dma_start3A_51 = tpu.memref_slice %arg5[%mul3A_2] : memref<320000xi32, #tpu.memory_space<hbm>> -> memref<128xi32, #tpu.memory_space<hbm>>
      tpu.enqueue_dma source(%dma_start3A_51 : memref<128xi32, #tpu.memory_space<hbm>>) target(%arg11 : memref<128xi32, #tpu.memory_space<vmem>>) target_semaphore(%arg19 : memref<!tpu.dma_semaphore, #tpu.memory_space<semaphore_mem>>)
      %dma_start3A_52 = tpu.memref_slice %arg6[%mul3A_2] : memref<320000xi32, #tpu.memory_space<hbm>> -> memref<128xi32, #tpu.memory_space<hbm>>
      %dma_start3A_53 = tpu.memref_slice %arg6[%mul3A_2] : memref<320000xi32, #tpu.memory_space<hbm>> -> memref<128xi32, #tpu.memory_space<hbm>>
      tpu.enqueue_dma source(%dma_start3A_53 : memref<128xi32, #tpu.memory_space<hbm>>) target(%arg13 : memref<128xi32, #tpu.memory_space<vmem>>) target_semaphore(%arg19 : memref<!tpu.dma_semaphore, #tpu.memory_space<semaphore_mem>>)
    } else {
    }
    %scan3A = arith.constant 0 : i32
    %scan3A_13 = arith.constant 0 : i32
    %scan3A_14 = arith.constant 78 : i32
    %scan3A_15 = arith.addi %scan3A_13, %scan3A_14 : i32
    %scan3A_16 = arith.constant 1 : i32
    scf.for %scan3A_50 = %scan3A_13 to %scan3A_15 step %scan3A_16  : i32 {
      %mul3A_51 = arith.constant 2 : i32
      %mul3A_52 = arith.muli %scan3A_50, %mul3A_51 : i32
      %add3A_53 = arith.constant 0 : i32
      %add3A_54 = arith.addi %mul3A_52, %add3A_53 : i32
      %mul3A_55 = arith.constant 128 : i32
      %mul3A_56 = arith.muli %add3A_54, %mul3A_55 : i32
      %add3A_57 = arith.addi %mul3A_2, %mul3A_56 : i32
      %add3A_58 = arith.constant 1 : i32
      %add3A_59 = arith.addi %add3A_54, %add3A_58 : i32
      %lt3A = arith.constant 156 : i32
      %lt3A_60 = arith.cmpi slt, %add3A_59, %lt3A : i32
      %convert_element_type3A_61 = arith.extui %lt3A_60 : i1 to i32
      %cond3A_62 = arith.constant 0 : i32
      %cond3A_63 = arith.cmpi ne, %convert_element_type3A_61, %cond3A_62 : i32
      scf.if %cond3A_63 {
        %add3A_93 = arith.constant 128 : i32
        %add3A_94 = arith.addi %add3A_57, %add3A_93 : i32
        %dma_start3A_95 = arith.constant 0 : i32
        %dma_start3A_96 = tpu.memref_slice %arg2[%add3A_94, %dma_start3A_95] : memref<320000x128xf32, #tpu.memory_space<hbm>> -> memref<128x128xf32, #tpu.memory_space<hbm>>
        %dma_start3A_97 = arith.constant 0 : i32
        %dma_start3A_98 = tpu.memref_slice %arg2[%add3A_94, %dma_start3A_97] : memref<320000x128xf32, #tpu.memory_space<hbm>> -> memref<128x128xf32, #tpu.memory_space<hbm>>
        tpu.enqueue_dma source(%dma_start3A_98 : memref<128x128xf32, #tpu.memory_space<hbm>>) target(%arg16 : memref<128x128xf32, #tpu.memory_space<vmem>>) target_semaphore(%arg20 : memref<!tpu.dma_semaphore, #tpu.memory_space<semaphore_mem>>)
        %eq3A_99 = arith.constant 0 : i32
        %eq3A_100 = arith.cmpi eq, %arg0, %eq3A_99 : i32
        %convert_element_type3A_101 = arith.extui %eq3A_100 : i1 to i32
        %cond3A_102 = arith.constant 0 : i32
        %cond3A_103 = arith.cmpi ne, %convert_element_type3A_101, %cond3A_102 : i32
        scf.if %cond3A_103 {
          %dma_start3A_109 = tpu.memref_slice %arg3[%add3A_94] : memref<320000xi32, #tpu.memory_space<hbm>> -> memref<128xi32, #tpu.memory_space<hbm>>
          %dma_start3A_110 = tpu.memref_slice %arg3[%add3A_94] : memref<320000xi32, #tpu.memory_space<hbm>> -> memref<128xi32, #tpu.memory_space<hbm>>
          tpu.enqueue_dma source(%dma_start3A_110 : memref<128xi32, #tpu.memory_space<hbm>>) target(%arg12 : memref<128xi32, #tpu.memory_space<vmem>>) target_semaphore(%arg20 : memref<!tpu.dma_semaphore, #tpu.memory_space<semaphore_mem>>)
          %dma_start3A_111 = tpu.memref_slice %arg4[%add3A_94] : memref<320000xi32, #tpu.memory_space<hbm>> -> memref<128xi32, #tpu.memory_space<hbm>>
          %dma_start3A_112 = tpu.memref_slice %arg4[%add3A_94] : memref<320000xi32, #tpu.memory_space<hbm>> -> memref<128xi32, #tpu.memory_space<hbm>>
          tpu.enqueue_dma source(%dma_start3A_112 : memref<128xi32, #tpu.memory_space<hbm>>) target(%arg14 : memref<128xi32, #tpu.memory_space<vmem>>) target_semaphore(%arg20 : memref<!tpu.dma_semaphore, #tpu.memory_space<semaphore_mem>>)
        } else {
        }
        %eq3A_104 = arith.constant 1 : i32
        %eq3A_105 = arith.cmpi eq, %arg0, %eq3A_104 : i32
        %convert_element_type3A_106 = arith.extui %eq3A_105 : i1 to i32
        %cond3A_107 = arith.constant 0 : i32
        %cond3A_108 = arith.cmpi ne, %convert_element_type3A_106, %cond3A_107 : i32
        scf.if %cond3A_108 {
          %dma_start3A_109 = tpu.memref_slice %arg5[%add3A_94] : memref<320000xi32, #tpu.memory_space<hbm>> -> memref<128xi32, #tpu.memory_space<hbm>>
          %dma_start3A_110 = tpu.memref_slice %arg5[%add3A_94] : memref<320000xi32, #tpu.memory_space<hbm>> -> memref<128xi32, #tpu.memory_space<hbm>>
          tpu.enqueue_dma source(%dma_start3A_110 : memref<128xi32, #tpu.memory_space<hbm>>) target(%arg12 : memref<128xi32, #tpu.memory_space<vmem>>) target_semaphore(%arg20 : memref<!tpu.dma_semaphore, #tpu.memory_space<semaphore_mem>>)
          %dma_start3A_111 = tpu.memref_slice %arg6[%add3A_94] : memref<320000xi32, #tpu.memory_space<hbm>> -> memref<128xi32, #tpu.memory_space<hbm>>
          %dma_start3A_112 = tpu.memref_slice %arg6[%add3A_94] : memref<320000xi32, #tpu.memory_space<hbm>> -> memref<128xi32, #tpu.memory_space<hbm>>
          tpu.enqueue_dma source(%dma_start3A_112 : memref<128xi32, #tpu.memory_space<hbm>>) target(%arg14 : memref<128xi32, #tpu.memory_space<vmem>>) target_semaphore(%arg20 : memref<!tpu.dma_semaphore, #tpu.memory_space<semaphore_mem>>)
        } else {
        }
      } else {
      }
      %dma_wait3A = arith.constant 0 : i32
      %dma_wait3A_64 = tpu.memref_slice %arg2[%add3A_57, %dma_wait3A] : memref<320000x128xf32, #tpu.memory_space<hbm>> -> memref<128x128xf32, #tpu.memory_space<hbm>>
      %dma_wait3A_65 = arith.constant 0 : i32
      %dma_wait3A_66 = tpu.memref_slice %arg2[%add3A_57, %dma_wait3A_65] : memref<320000x128xf32, #tpu.memory_space<hbm>> -> memref<128x128xf32, #tpu.memory_space<hbm>>
      tpu.wait_dma2 semaphore(%arg19 : memref<!tpu.dma_semaphore, #tpu.memory_space<semaphore_mem>>) src(%dma_wait3A_66 : memref<128x128xf32, #tpu.memory_space<hbm>>) dst(%arg15 : memref<128x128xf32, #tpu.memory_space<vmem>>)
      %dma_wait3A_67 = tpu.memref_slice %arg3[%add3A_57] : memref<320000xi32, #tpu.memory_space<hbm>> -> memref<128xi32, #tpu.memory_space<hbm>>
      %dma_wait3A_68 = tpu.memref_slice %arg3[%add3A_57] : memref<320000xi32, #tpu.memory_space<hbm>> -> memref<128xi32, #tpu.memory_space<hbm>>
      tpu.wait_dma2 semaphore(%arg19 : memref<!tpu.dma_semaphore, #tpu.memory_space<semaphore_mem>>) src(%dma_wait3A_68 : memref<128xi32, #tpu.memory_space<hbm>>) dst(%arg11 : memref<128xi32, #tpu.memory_space<vmem>>)
      %dma_wait3A_69 = tpu.memref_slice %arg4[%add3A_57] : memref<320000xi32, #tpu.memory_space<hbm>> -> memref<128xi32, #tpu.memory_space<hbm>>
      %dma_wait3A_70 = tpu.memref_slice %arg4[%add3A_57] : memref<320000xi32, #tpu.memory_space<hbm>> -> memref<128xi32, #tpu.memory_space<hbm>>
      tpu.wait_dma2 semaphore(%arg19 : memref<!tpu.dma_semaphore, #tpu.memory_space<semaphore_mem>>) src(%dma_wait3A_70 : memref<128xi32, #tpu.memory_space<hbm>>) dst(%arg13 : memref<128xi32, #tpu.memory_space<vmem>>)
      "tpu.region"() ({
        %run_scoped3A = tpu.sem_alloc : memref<!tpu.dma_semaphore, #tpu.memory_space<semaphore_mem>>
        %dma_start3A_93 = arith.constant 0 : i32
        %dma_start3A_94 = arith.constant 0 : i32
        %dma_start3A_95 = tpu.memref_slice %arg10[%dma_start3A_93, %dma_start3A_94] : memref<5248x128xf32, #tpu.memory_space<vmem_shared>> -> memref<5248x128xf32, #tpu.memory_space<vmem_shared>>
        tpu.enqueue_indirect_dma source(%arg15 : memref<128x128xf32, #tpu.memory_space<vmem>>) target(%dma_start3A_95 : memref<5248x128xf32, #tpu.memory_space<vmem_shared>>) offsets(%arg11 : memref<128xi32, #tpu.memory_space<vmem>>) semaphore(%run_scoped3A : memref<!tpu.dma_semaphore, #tpu.memory_space<semaphore_mem>>) {add = true}
        %dma_wait3A_96 = arith.constant 0 : i32
        %dma_wait3A_97 = arith.constant 0 : i32
        %dma_wait3A_98 = tpu.memref_slice %arg10[%dma_wait3A_96, %dma_wait3A_97] : memref<5248x128xf32, #tpu.memory_space<vmem_shared>> -> memref<5248x128xf32, #tpu.memory_space<vmem_shared>>
        tpu.wait_indirect_dma semaphore(%run_scoped3A : memref<!tpu.dma_semaphore, #tpu.memory_space<semaphore_mem>>) src(%arg15 : memref<128x128xf32, #tpu.memory_space<vmem>>) dst(%dma_wait3A_98 : memref<5248x128xf32, #tpu.memory_space<vmem_shared>>)
        tpu.yield
      }) : () -> ()
      "tpu.region"() ({
        %run_scoped3A = tpu.sem_alloc : memref<!tpu.dma_semaphore, #tpu.memory_space<semaphore_mem>>
        %dma_start3A_93 = arith.constant 0 : i32
        %dma_start3A_94 = arith.constant 0 : i32
        %dma_start3A_95 = tpu.memref_slice %arg10[%dma_start3A_93, %dma_start3A_94] : memref<5248x128xf32, #tpu.memory_space<vmem_shared>> -> memref<5248x128xf32, #tpu.memory_space<vmem_shared>>
        tpu.enqueue_indirect_dma source(%arg15 : memref<128x128xf32, #tpu.memory_space<vmem>>) target(%dma_start3A_95 : memref<5248x128xf32, #tpu.memory_space<vmem_shared>>) offsets(%arg13 : memref<128xi32, #tpu.memory_space<vmem>>) semaphore(%run_scoped3A : memref<!tpu.dma_semaphore, #tpu.memory_space<semaphore_mem>>) {add = true}
        %dma_wait3A_96 = arith.constant 0 : i32
        %dma_wait3A_97 = arith.constant 0 : i32
        %dma_wait3A_98 = tpu.memref_slice %arg10[%dma_wait3A_96, %dma_wait3A_97] : memref<5248x128xf32, #tpu.memory_space<vmem_shared>> -> memref<5248x128xf32, #tpu.memory_space<vmem_shared>>
        tpu.wait_indirect_dma semaphore(%run_scoped3A : memref<!tpu.dma_semaphore, #tpu.memory_space<semaphore_mem>>) src(%arg15 : memref<128x128xf32, #tpu.memory_space<vmem>>) dst(%dma_wait3A_98 : memref<5248x128xf32, #tpu.memory_space<vmem_shared>>)
        tpu.yield
      }) : () -> ()
      %mul3A_71 = arith.constant 2 : i32
      %mul3A_72 = arith.muli %scan3A_50, %mul3A_71 : i32
      %add3A_73 = arith.constant 1 : i32
      %add3A_74 = arith.addi %mul3A_72, %add3A_73 : i32
      %mul3A_75 = arith.constant 128 : i32
      %mul3A_76 = arith.muli %add3A_74, %mul3A_75 : i32
      %add3A_77 = arith.addi %mul3A_2, %mul3A_76 : i32
      %add3A_78 = arith.constant 1 : i32
      %add3A_79 = arith.addi %add3A_74, %add3A_78 : i32
      %lt3A_80 = arith.constant 156 : i32
      %lt3A_81 = arith.cmpi slt, %add3A_79, %lt3A_80 : i32
      %convert_element_type3A_82 = arith.extui %lt3A_81 : i1 to i32
      %cond3A_83 = arith.constant 0 : i32
      %cond3A_84 = arith.cmpi ne, %convert_element_type3A_82, %cond3A_83 : i32
      scf.if %cond3A_84 {
        %add3A_93 = arith.constant 128 : i32
        %add3A_94 = arith.addi %add3A_77, %add3A_93 : i32
        %dma_start3A_95 = arith.constant 0 : i32
        %dma_start3A_96 = tpu.memref_slice %arg2[%add3A_94, %dma_start3A_95] : memref<320000x128xf32, #tpu.memory_space<hbm>> -> memref<128x128xf32, #tpu.memory_space<hbm>>
        %dma_start3A_97 = arith.constant 0 : i32
        %dma_start3A_98 = tpu.memref_slice %arg2[%add3A_94, %dma_start3A_97] : memref<320000x128xf32, #tpu.memory_space<hbm>> -> memref<128x128xf32, #tpu.memory_space<hbm>>
        tpu.enqueue_dma source(%dma_start3A_98 : memref<128x128xf32, #tpu.memory_space<hbm>>) target(%arg15 : memref<128x128xf32, #tpu.memory_space<vmem>>) target_semaphore(%arg19 : memref<!tpu.dma_semaphore, #tpu.memory_space<semaphore_mem>>)
        %eq3A_99 = arith.constant 0 : i32
        %eq3A_100 = arith.cmpi eq, %arg0, %eq3A_99 : i32
        %convert_element_type3A_101 = arith.extui %eq3A_100 : i1 to i32
        %cond3A_102 = arith.constant 0 : i32
        %cond3A_103 = arith.cmpi ne, %convert_element_type3A_101, %cond3A_102 : i32
        scf.if %cond3A_103 {
          %dma_start3A_109 = tpu.memref_slice %arg3[%add3A_94] : memref<320000xi32, #tpu.memory_space<hbm>> -> memref<128xi32, #tpu.memory_space<hbm>>
          %dma_start3A_110 = tpu.memref_slice %arg3[%add3A_94] : memref<320000xi32, #tpu.memory_space<hbm>> -> memref<128xi32, #tpu.memory_space<hbm>>
          tpu.enqueue_dma source(%dma_start3A_110 : memref<128xi32, #tpu.memory_space<hbm>>) target(%arg11 : memref<128xi32, #tpu.memory_space<vmem>>) target_semaphore(%arg19 : memref<!tpu.dma_semaphore, #tpu.memory_space<semaphore_mem>>)
          %dma_start3A_111 = tpu.memref_slice %arg4[%add3A_94] : memref<320000xi32, #tpu.memory_space<hbm>> -> memref<128xi32, #tpu.memory_space<hbm>>
          %dma_start3A_112 = tpu.memref_slice %arg4[%add3A_94] : memref<320000xi32, #tpu.memory_space<hbm>> -> memref<128xi32, #tpu.memory_space<hbm>>
          tpu.enqueue_dma source(%dma_start3A_112 : memref<128xi32, #tpu.memory_space<hbm>>) target(%arg13 : memref<128xi32, #tpu.memory_space<vmem>>) target_semaphore(%arg19 : memref<!tpu.dma_semaphore, #tpu.memory_space<semaphore_mem>>)
        } else {
        }
        %eq3A_104 = arith.constant 1 : i32
        %eq3A_105 = arith.cmpi eq, %arg0, %eq3A_104 : i32
        %convert_element_type3A_106 = arith.extui %eq3A_105 : i1 to i32
        %cond3A_107 = arith.constant 0 : i32
        %cond3A_108 = arith.cmpi ne, %convert_element_type3A_106, %cond3A_107 : i32
        scf.if %cond3A_108 {
          %dma_start3A_109 = tpu.memref_slice %arg5[%add3A_94] : memref<320000xi32, #tpu.memory_space<hbm>> -> memref<128xi32, #tpu.memory_space<hbm>>
          %dma_start3A_110 = tpu.memref_slice %arg5[%add3A_94] : memref<320000xi32, #tpu.memory_space<hbm>> -> memref<128xi32, #tpu.memory_space<hbm>>
          tpu.enqueue_dma source(%dma_start3A_110 : memref<128xi32, #tpu.memory_space<hbm>>) target(%arg11 : memref<128xi32, #tpu.memory_space<vmem>>) target_semaphore(%arg19 : memref<!tpu.dma_semaphore, #tpu.memory_space<semaphore_mem>>)
          %dma_start3A_111 = tpu.memref_slice %arg6[%add3A_94] : memref<320000xi32, #tpu.memory_space<hbm>> -> memref<128xi32, #tpu.memory_space<hbm>>
          %dma_start3A_112 = tpu.memref_slice %arg6[%add3A_94] : memref<320000xi32, #tpu.memory_space<hbm>> -> memref<128xi32, #tpu.memory_space<hbm>>
          tpu.enqueue_dma source(%dma_start3A_112 : memref<128xi32, #tpu.memory_space<hbm>>) target(%arg13 : memref<128xi32, #tpu.memory_space<vmem>>) target_semaphore(%arg19 : memref<!tpu.dma_semaphore, #tpu.memory_space<semaphore_mem>>)
        } else {
        }
      } else {
      }
      %dma_wait3A_85 = arith.constant 0 : i32
      %dma_wait3A_86 = tpu.memref_slice %arg2[%add3A_77, %dma_wait3A_85] : memref<320000x128xf32, #tpu.memory_space<hbm>> -> memref<128x128xf32, #tpu.memory_space<hbm>>
      %dma_wait3A_87 = arith.constant 0 : i32
      %dma_wait3A_88 = tpu.memref_slice %arg2[%add3A_77, %dma_wait3A_87] : memref<320000x128xf32, #tpu.memory_space<hbm>> -> memref<128x128xf32, #tpu.memory_space<hbm>>
      tpu.wait_dma2 semaphore(%arg20 : memref<!tpu.dma_semaphore, #tpu.memory_space<semaphore_mem>>) src(%dma_wait3A_88 : memref<128x128xf32, #tpu.memory_space<hbm>>) dst(%arg16 : memref<128x128xf32, #tpu.memory_space<vmem>>)
      %dma_wait3A_89 = tpu.memref_slice %arg3[%add3A_77] : memref<320000xi32, #tpu.memory_space<hbm>> -> memref<128xi32, #tpu.memory_space<hbm>>
      %dma_wait3A_90 = tpu.memref_slice %arg3[%add3A_77] : memref<320000xi32, #tpu.memory_space<hbm>> -> memref<128xi32, #tpu.memory_space<hbm>>
      tpu.wait_dma2 semaphore(%arg20 : memref<!tpu.dma_semaphore, #tpu.memory_space<semaphore_mem>>) src(%dma_wait3A_90 : memref<128xi32, #tpu.memory_space<hbm>>) dst(%arg12 : memref<128xi32, #tpu.memory_space<vmem>>)
      %dma_wait3A_91 = tpu.memref_slice %arg4[%add3A_77] : memref<320000xi32, #tpu.memory_space<hbm>> -> memref<128xi32, #tpu.memory_space<hbm>>
      %dma_wait3A_92 = tpu.memref_slice %arg4[%add3A_77] : memref<320000xi32, #tpu.memory_space<hbm>> -> memref<128xi32, #tpu.memory_space<hbm>>
      tpu.wait_dma2 semaphore(%arg20 : memref<!tpu.dma_semaphore, #tpu.memory_space<semaphore_mem>>) src(%dma_wait3A_92 : memref<128xi32, #tpu.memory_space<hbm>>) dst(%arg14 : memref<128xi32, #tpu.memory_space<vmem>>)
      "tpu.region"() ({
        %run_scoped3A = tpu.sem_alloc : memref<!tpu.dma_semaphore, #tpu.memory_space<semaphore_mem>>
        %dma_start3A_93 = arith.constant 0 : i32
        %dma_start3A_94 = arith.constant 0 : i32
        %dma_start3A_95 = tpu.memref_slice %arg10[%dma_start3A_93, %dma_start3A_94] : memref<5248x128xf32, #tpu.memory_space<vmem_shared>> -> memref<5248x128xf32, #tpu.memory_space<vmem_shared>>
        tpu.enqueue_indirect_dma source(%arg16 : memref<128x128xf32, #tpu.memory_space<vmem>>) target(%dma_start3A_95 : memref<5248x128xf32, #tpu.memory_space<vmem_shared>>) offsets(%arg12 : memref<128xi32, #tpu.memory_space<vmem>>) semaphore(%run_scoped3A : memref<!tpu.dma_semaphore, #tpu.memory_space<semaphore_mem>>) {add = true}
        %dma_wait3A_96 = arith.constant 0 : i32
        %dma_wait3A_97 = arith.constant 0 : i32
        %dma_wait3A_98 = tpu.memref_slice %arg10[%dma_wait3A_96, %dma_wait3A_97] : memref<5248x128xf32, #tpu.memory_space<vmem_shared>> -> memref<5248x128xf32, #tpu.memory_space<vmem_shared>>
        tpu.wait_indirect_dma semaphore(%run_scoped3A : memref<!tpu.dma_semaphore, #tpu.memory_space<semaphore_mem>>) src(%arg16 : memref<128x128xf32, #tpu.memory_space<vmem>>) dst(%dma_wait3A_98 : memref<5248x128xf32, #tpu.memory_space<vmem_shared>>)
        tpu.yield
      }) : () -> ()
      "tpu.region"() ({
        %run_scoped3A = tpu.sem_alloc : memref<!tpu.dma_semaphore, #tpu.memory_space<semaphore_mem>>
        %dma_start3A_93 = arith.constant 0 : i32
        %dma_start3A_94 = arith.constant 0 : i32
        %dma_start3A_95 = tpu.memref_slice %arg10[%dma_start3A_93, %dma_start3A_94] : memref<5248x128xf32, #tpu.memory_space<vmem_shared>> -> memref<5248x128xf32, #tpu.memory_space<vmem_shared>>
        tpu.enqueue_indirect_dma source(%arg16 : memref<128x128xf32, #tpu.memory_space<vmem>>) target(%dma_start3A_95 : memref<5248x128xf32, #tpu.memory_space<vmem_shared>>) offsets(%arg14 : memref<128xi32, #tpu.memory_space<vmem>>) semaphore(%run_scoped3A : memref<!tpu.dma_semaphore, #tpu.memory_space<semaphore_mem>>) {add = true}
        %dma_wait3A_96 = arith.constant 0 : i32
        %dma_wait3A_97 = arith.constant 0 : i32
        %dma_wait3A_98 = tpu.memref_slice %arg10[%dma_wait3A_96, %dma_wait3A_97] : memref<5248x128xf32, #tpu.memory_space<vmem_shared>> -> memref<5248x128xf32, #tpu.memory_space<vmem_shared>>
        tpu.wait_indirect_dma semaphore(%run_scoped3A : memref<!tpu.dma_semaphore, #tpu.memory_space<semaphore_mem>>) src(%arg16 : memref<128x128xf32, #tpu.memory_space<vmem>>) dst(%dma_wait3A_98 : memref<5248x128xf32, #tpu.memory_space<vmem_shared>>)
        tpu.yield
      }) : () -> ()
    }
    %scan3A_17 = arith.constant 78 : i32
    %add3A = arith.constant 19968 : i32
    %add3A_18 = arith.addi %mul3A_2, %add3A : i32
    "tpu.region"() ({
      %run_scoped3A = tpu.sem_alloc : memref<!tpu.dma_semaphore, #tpu.memory_space<semaphore_mem>>
      %dma_start3A_50 = arith.constant 0 : i32
      %dma_start3A_51 = tpu.memref_slice %arg2[%add3A_18, %dma_start3A_50] : memref<320000x128xf32, #tpu.memory_space<hbm>> -> memref<32x128xf32, #tpu.memory_space<hbm>>
      %dma_start3A_52 = arith.constant 0 : i32
      %dma_start3A_53 = tpu.memref_slice %arg2[%add3A_18, %dma_start3A_52] : memref<320000x128xf32, #tpu.memory_space<hbm>> -> memref<32x128xf32, #tpu.memory_space<hbm>>
      tpu.enqueue_dma source(%dma_start3A_53 : memref<32x128xf32, #tpu.memory_space<hbm>>) target(%arg18 : memref<32x128xf32, #tpu.memory_space<vmem>>) target_semaphore(%run_scoped3A : memref<!tpu.dma_semaphore, #tpu.memory_space<semaphore_mem>>)
      %dma_wait3A = arith.constant 0 : i32
      %dma_wait3A_54 = tpu.memref_slice %arg2[%add3A_18, %dma_wait3A] : memref<320000x128xf32, #tpu.memory_space<hbm>> -> memref<32x128xf32, #tpu.memory_space<hbm>>
      %dma_wait3A_55 = arith.constant 0 : i32
      %dma_wait3A_56 = tpu.memref_slice %arg2[%add3A_18, %dma_wait3A_55] : memref<320000x128xf32, #tpu.memory_space<hbm>> -> memref<32x128xf32, #tpu.memory_space<hbm>>
      tpu.wait_dma2 semaphore(%run_scoped3A : memref<!tpu.dma_semaphore, #tpu.memory_space<semaphore_mem>>) src(%dma_wait3A_56 : memref<32x128xf32, #tpu.memory_space<hbm>>) dst(%arg18 : memref<32x128xf32, #tpu.memory_space<vmem>>)
      tpu.yield
    }) : () -> ()
    %eq3A_19 = arith.constant 0 : i32
    %eq3A_20 = arith.cmpi eq, %arg0, %eq3A_19 : i32
    %convert_element_type3A_21 = arith.extui %eq3A_20 : i1 to i32
    %cond3A_22 = arith.constant 0 : i32
    %cond3A_23 = arith.cmpi ne, %convert_element_type3A_21, %cond3A_22 : i32
    scf.if %cond3A_23 {
      "tpu.region"() ({
        %run_scoped3A = tpu.sem_alloc : memref<!tpu.dma_semaphore, #tpu.memory_space<semaphore_mem>>
        %dma_start3A_50 = tpu.memref_slice %arg3[%add3A_18] : memref<320000xi32, #tpu.memory_space<hbm>> -> memref<32xi32, #tpu.memory_space<hbm>>
        %dma_start3A_51 = tpu.memref_slice %arg3[%add3A_18] : memref<320000xi32, #tpu.memory_space<hbm>> -> memref<32xi32, #tpu.memory_space<hbm>>
        tpu.enqueue_dma source(%dma_start3A_51 : memref<32xi32, #tpu.memory_space<hbm>>) target(%arg17 : memref<32xi32, #tpu.memory_space<vmem>>) target_semaphore(%run_scoped3A : memref<!tpu.dma_semaphore, #tpu.memory_space<semaphore_mem>>)
        %dma_wait3A = tpu.memref_slice %arg3[%add3A_18] : memref<320000xi32, #tpu.memory_space<hbm>> -> memref<32xi32, #tpu.memory_space<hbm>>
        %dma_wait3A_52 = tpu.memref_slice %arg3[%add3A_18] : memref<320000xi32, #tpu.memory_space<hbm>> -> memref<32xi32, #tpu.memory_space<hbm>>
        tpu.wait_dma2 semaphore(%run_scoped3A : memref<!tpu.dma_semaphore, #tpu.memory_space<semaphore_mem>>) src(%dma_wait3A_52 : memref<32xi32, #tpu.memory_space<hbm>>) dst(%arg17 : memref<32xi32, #tpu.memory_space<vmem>>)
        tpu.yield
      }) : () -> ()
    } else {
    }
    %eq3A_24 = arith.constant 1 : i32
    %eq3A_25 = arith.cmpi eq, %arg0, %eq3A_24 : i32
    %convert_element_type3A_26 = arith.extui %eq3A_25 : i1 to i32
    %cond3A_27 = arith.constant 0 : i32
    %cond3A_28 = arith.cmpi ne, %convert_element_type3A_26, %cond3A_27 : i32
    scf.if %cond3A_28 {
      "tpu.region"() ({
        %run_scoped3A = tpu.sem_alloc : memref<!tpu.dma_semaphore, #tpu.memory_space<semaphore_mem>>
        %dma_start3A_50 = tpu.memref_slice %arg5[%add3A_18] : memref<320000xi32, #tpu.memory_space<hbm>> -> memref<32xi32, #tpu.memory_space<hbm>>
        %dma_start3A_51 = tpu.memref_slice %arg5[%add3A_18] : memref<320000xi32, #tpu.memory_space<hbm>> -> memref<32xi32, #tpu.memory_space<hbm>>
        tpu.enqueue_dma source(%dma_start3A_51 : memref<32xi32, #tpu.memory_space<hbm>>) target(%arg17 : memref<32xi32, #tpu.memory_space<vmem>>) target_semaphore(%run_scoped3A : memref<!tpu.dma_semaphore, #tpu.memory_space<semaphore_mem>>)
        %dma_wait3A = tpu.memref_slice %arg5[%add3A_18] : memref<320000xi32, #tpu.memory_space<hbm>> -> memref<32xi32, #tpu.memory_space<hbm>>
        %dma_wait3A_52 = tpu.memref_slice %arg5[%add3A_18] : memref<320000xi32, #tpu.memory_space<hbm>> -> memref<32xi32, #tpu.memory_space<hbm>>
        tpu.wait_dma2 semaphore(%run_scoped3A : memref<!tpu.dma_semaphore, #tpu.memory_space<semaphore_mem>>) src(%dma_wait3A_52 : memref<32xi32, #tpu.memory_space<hbm>>) dst(%arg17 : memref<32xi32, #tpu.memory_space<vmem>>)
        tpu.yield
      }) : () -> ()
    } else {
    }
    "tpu.region"() ({
      %run_scoped3A = tpu.sem_alloc : memref<!tpu.dma_semaphore, #tpu.memory_space<semaphore_mem>>
      %dma_start3A_50 = arith.constant 0 : i32
      %dma_start3A_51 = arith.constant 0 : i32
      %dma_start3A_52 = tpu.memref_slice %arg10[%dma_start3A_50, %dma_start3A_51] : memref<5248x128xf32, #tpu.memory_space<vmem_shared>> -> memref<5248x128xf32, #tpu.memory_space<vmem_shared>>
      tpu.enqueue_indirect_dma source(%arg18 : memref<32x128xf32, #tpu.memory_space<vmem>>) target(%dma_start3A_52 : memref<5248x128xf32, #tpu.memory_space<vmem_shared>>) offsets(%arg17 : memref<32xi32, #tpu.memory_space<vmem>>) semaphore(%run_scoped3A : memref<!tpu.dma_semaphore, #tpu.memory_space<semaphore_mem>>) {add = true}
      %dma_wait3A = arith.constant 0 : i32
      %dma_wait3A_53 = arith.constant 0 : i32
      %dma_wait3A_54 = tpu.memref_slice %arg10[%dma_wait3A, %dma_wait3A_53] : memref<5248x128xf32, #tpu.memory_space<vmem_shared>> -> memref<5248x128xf32, #tpu.memory_space<vmem_shared>>
      tpu.wait_indirect_dma semaphore(%run_scoped3A : memref<!tpu.dma_semaphore, #tpu.memory_space<semaphore_mem>>) src(%arg18 : memref<32x128xf32, #tpu.memory_space<vmem>>) dst(%dma_wait3A_54 : memref<5248x128xf32, #tpu.memory_space<vmem_shared>>)
      tpu.yield
    }) : () -> ()
    %eq3A_29 = arith.constant 0 : i32
    %eq3A_30 = arith.cmpi eq, %arg0, %eq3A_29 : i32
    %convert_element_type3A_31 = arith.extui %eq3A_30 : i1 to i32
    %cond3A_32 = arith.constant 0 : i32
    %cond3A_33 = arith.cmpi ne, %convert_element_type3A_31, %cond3A_32 : i32
    scf.if %cond3A_33 {
      "tpu.region"() ({
        %run_scoped3A = tpu.sem_alloc : memref<!tpu.dma_semaphore, #tpu.memory_space<semaphore_mem>>
        %dma_start3A_50 = tpu.memref_slice %arg4[%add3A_18] : memref<320000xi32, #tpu.memory_space<hbm>> -> memref<32xi32, #tpu.memory_space<hbm>>
        %dma_start3A_51 = tpu.memref_slice %arg4[%add3A_18] : memref<320000xi32, #tpu.memory_space<hbm>> -> memref<32xi32, #tpu.memory_space<hbm>>
        tpu.enqueue_dma source(%dma_start3A_51 : memref<32xi32, #tpu.memory_space<hbm>>) target(%arg17 : memref<32xi32, #tpu.memory_space<vmem>>) target_semaphore(%run_scoped3A : memref<!tpu.dma_semaphore, #tpu.memory_space<semaphore_mem>>)
        %dma_wait3A = tpu.memref_slice %arg4[%add3A_18] : memref<320000xi32, #tpu.memory_space<hbm>> -> memref<32xi32, #tpu.memory_space<hbm>>
        %dma_wait3A_52 = tpu.memref_slice %arg4[%add3A_18] : memref<320000xi32, #tpu.memory_space<hbm>> -> memref<32xi32, #tpu.memory_space<hbm>>
        tpu.wait_dma2 semaphore(%run_scoped3A : memref<!tpu.dma_semaphore, #tpu.memory_space<semaphore_mem>>) src(%dma_wait3A_52 : memref<32xi32, #tpu.memory_space<hbm>>) dst(%arg17 : memref<32xi32, #tpu.memory_space<vmem>>)
        tpu.yield
      }) : () -> ()
    } else {
    }
    %eq3A_34 = arith.constant 1 : i32
    %eq3A_35 = arith.cmpi eq, %arg0, %eq3A_34 : i32
    %convert_element_type3A_36 = arith.extui %eq3A_35 : i1 to i32
    %cond3A_37 = arith.constant 0 : i32
    %cond3A_38 = arith.cmpi ne, %convert_element_type3A_36, %cond3A_37 : i32
    scf.if %cond3A_38 {
      "tpu.region"() ({
        %run_scoped3A = tpu.sem_alloc : memref<!tpu.dma_semaphore, #tpu.memory_space<semaphore_mem>>
        %dma_start3A_50 = tpu.memref_slice %arg6[%add3A_18] : memref<320000xi32, #tpu.memory_space<hbm>> -> memref<32xi32, #tpu.memory_space<hbm>>
        %dma_start3A_51 = tpu.memref_slice %arg6[%add3A_18] : memref<320000xi32, #tpu.memory_space<hbm>> -> memref<32xi32, #tpu.memory_space<hbm>>
        tpu.enqueue_dma source(%dma_start3A_51 : memref<32xi32, #tpu.memory_space<hbm>>) target(%arg17 : memref<32xi32, #tpu.memory_space<vmem>>) target_semaphore(%run_scoped3A : memref<!tpu.dma_semaphore, #tpu.memory_space<semaphore_mem>>)
        %dma_wait3A = tpu.memref_slice %arg6[%add3A_18] : memref<320000xi32, #tpu.memory_space<hbm>> -> memref<32xi32, #tpu.memory_space<hbm>>
        %dma_wait3A_52 = tpu.memref_slice %arg6[%add3A_18] : memref<320000xi32, #tpu.memory_space<hbm>> -> memref<32xi32, #tpu.memory_space<hbm>>
        tpu.wait_dma2 semaphore(%run_scoped3A : memref<!tpu.dma_semaphore, #tpu.memory_space<semaphore_mem>>) src(%dma_wait3A_52 : memref<32xi32, #tpu.memory_space<hbm>>) dst(%arg17 : memref<32xi32, #tpu.memory_space<vmem>>)
        tpu.yield
      }) : () -> ()
    } else {
    }
    "tpu.region"() ({
      %run_scoped3A = tpu.sem_alloc : memref<!tpu.dma_semaphore, #tpu.memory_space<semaphore_mem>>
      %dma_start3A_50 = arith.constant 0 : i32
      %dma_start3A_51 = arith.constant 0 : i32
      %dma_start3A_52 = tpu.memref_slice %arg10[%dma_start3A_50, %dma_start3A_51] : memref<5248x128xf32, #tpu.memory_space<vmem_shared>> -> memref<5248x128xf32, #tpu.memory_space<vmem_shared>>
      tpu.enqueue_indirect_dma source(%arg18 : memref<32x128xf32, #tpu.memory_space<vmem>>) target(%dma_start3A_52 : memref<5248x128xf32, #tpu.memory_space<vmem_shared>>) offsets(%arg17 : memref<32xi32, #tpu.memory_space<vmem>>) semaphore(%run_scoped3A : memref<!tpu.dma_semaphore, #tpu.memory_space<semaphore_mem>>) {add = true}
      %dma_wait3A = arith.constant 0 : i32
      %dma_wait3A_53 = arith.constant 0 : i32
      %dma_wait3A_54 = tpu.memref_slice %arg10[%dma_wait3A, %dma_wait3A_53] : memref<5248x128xf32, #tpu.memory_space<vmem_shared>> -> memref<5248x128xf32, #tpu.memory_space<vmem_shared>>
      tpu.wait_indirect_dma semaphore(%run_scoped3A : memref<!tpu.dma_semaphore, #tpu.memory_space<semaphore_mem>>) src(%arg18 : memref<32x128xf32, #tpu.memory_space<vmem>>) dst(%dma_wait3A_54 : memref<5248x128xf32, #tpu.memory_space<vmem_shared>>)
      tpu.yield
    }) : () -> ()
    %barrier3A_39 = arith.constant 0 : index
    tpu.barrier barrier_id(%barrier3A_39)
    %eq3A_40 = arith.constant 0 : i32
    %eq3A_41 = arith.cmpi eq, %arg0, %eq3A_40 : i32
    %convert_element_type3A_42 = arith.extui %eq3A_41 : i1 to i32
    %cond3A_43 = arith.constant 0 : i32
    %cond3A_44 = arith.cmpi ne, %convert_element_type3A_42, %cond3A_43 : i32
    scf.if %cond3A_44 {
      "tpu.region"() ({
        %run_scoped3A = tpu.sem_alloc : memref<!tpu.dma_semaphore, #tpu.memory_space<semaphore_mem>>
        %dma_start3A_50 = arith.constant 0 : i32
        %dma_start3A_51 = tpu.memref_slice %arg8[%mul3A_0, %dma_start3A_50] : memref<5248x128xf32, #tpu.memory_space<hbm>> -> memref<328x128xf32, #tpu.memory_space<hbm>>
        %dma_start3A_52 = arith.constant 0 : i32
        %dma_start3A_53 = tpu.memref_slice %arg10[%mul3A_0, %dma_start3A_52] : memref<5248x128xf32, #tpu.memory_space<vmem_shared>> -> memref<328x128xf32, #tpu.memory_space<vmem_shared>>
        tpu.enqueue_dma source(%dma_start3A_53 : memref<328x128xf32, #tpu.memory_space<vmem_shared>>) target(%dma_start3A_51 : memref<328x128xf32, #tpu.memory_space<hbm>>) target_semaphore(%run_scoped3A : memref<!tpu.dma_semaphore, #tpu.memory_space<semaphore_mem>>)
        %dma_wait3A = arith.constant 0 : i32
        %dma_wait3A_54 = tpu.memref_slice %arg8[%mul3A_0, %dma_wait3A] : memref<5248x128xf32, #tpu.memory_space<hbm>> -> memref<328x128xf32, #tpu.memory_space<hbm>>
        %dma_wait3A_55 = arith.constant 0 : i32
        %dma_wait3A_56 = tpu.memref_slice %arg10[%mul3A_0, %dma_wait3A_55] : memref<5248x128xf32, #tpu.memory_space<vmem_shared>> -> memref<328x128xf32, #tpu.memory_space<vmem_shared>>
        tpu.wait_dma2 semaphore(%run_scoped3A : memref<!tpu.dma_semaphore, #tpu.memory_space<semaphore_mem>>) src(%dma_wait3A_56 : memref<328x128xf32, #tpu.memory_space<vmem_shared>>) dst(%dma_wait3A_54 : memref<328x128xf32, #tpu.memory_space<hbm>>)
        tpu.yield
      }) : () -> ()
    } else {
    }
    %eq3A_45 = arith.constant 1 : i32
    %eq3A_46 = arith.cmpi eq, %arg0, %eq3A_45 : i32
    %convert_element_type3A_47 = arith.extui %eq3A_46 : i1 to i32
    %cond3A_48 = arith.constant 0 : i32
    %cond3A_49 = arith.cmpi ne, %convert_element_type3A_47, %cond3A_48 : i32
    scf.if %cond3A_49 {
      "tpu.region"() ({
        %run_scoped3A = tpu.sem_alloc : memref<!tpu.dma_semaphore, #tpu.memory_space<semaphore_mem>>
        %dma_start3A_50 = arith.constant 0 : i32
        %dma_start3A_51 = tpu.memref_slice %arg9[%mul3A_0, %dma_start3A_50] : memref<5248x128xf32, #tpu.memory_space<hbm>> -> memref<328x128xf32, #tpu.memory_space<hbm>>
        %dma_start3A_52 = arith.constant 0 : i32
        %dma_start3A_53 = tpu.memref_slice %arg10[%mul3A_0, %dma_start3A_52] : memref<5248x128xf32, #tpu.memory_space<vmem_shared>> -> memref<328x128xf32, #tpu.memory_space<vmem_shared>>
        tpu.enqueue_dma source(%dma_start3A_53 : memref<328x128xf32, #tpu.memory_space<vmem_shared>>) target(%dma_start3A_51 : memref<328x128xf32, #tpu.memory_space<hbm>>) target_semaphore(%run_scoped3A : memref<!tpu.dma_semaphore, #tpu.memory_space<semaphore_mem>>)
        %dma_wait3A = arith.constant 0 : i32
        %dma_wait3A_54 = tpu.memref_slice %arg9[%mul3A_0, %dma_wait3A] : memref<5248x128xf32, #tpu.memory_space<hbm>> -> memref<328x128xf32, #tpu.memory_space<hbm>>
        %dma_wait3A_55 = arith.constant 0 : i32
        %dma_wait3A_56 = tpu.memref_slice %arg10[%mul3A_0, %dma_wait3A_55] : memref<5248x128xf32, #tpu.memory_space<vmem_shared>> -> memref<328x128xf32, #tpu.memory_space<vmem_shared>>
        tpu.wait_dma2 semaphore(%run_scoped3A : memref<!tpu.dma_semaphore, #tpu.memory_space<semaphore_mem>>) src(%dma_wait3A_56 : memref<328x128xf32, #tpu.memory_space<vmem_shared>>) dst(%dma_wait3A_54 : memref<328x128xf32, #tpu.memory_space<hbm>>)
        tpu.yield
      }) : () -> ()
    } else {
    }
    return
  }
}

#map = affine_map<(d0, d1) -> (0, 0)>
#map1 = affine_map<(d0, d1) -> (0)>
module attributes {stable_mosaic.version = 14 : i64} {
  func.func @_gather_body(%arg0: i32, %arg1: i32, %arg2: memref<10240x128xf32, #tpu.memory_space<hbm>>, %arg3: memref<10240x128xf32, #tpu.memory_space<hbm>>, %arg4: memref<327680xi32, #tpu.memory_space<hbm>>, %arg5: memref<327680xi32, #tpu.memory_space<hbm>>, %arg6: memref<327680x128xf32, #tpu.memory_space<hbm>>, %arg7: memref<327680x128xf32, #tpu.memory_space<hbm>>, %arg8: memref<10240x128xf32, #tpu.memory_space<vmem_shared>>, %arg9: memref<128xi32, #tpu.memory_space<vmem>>, %arg10: memref<128xi32, #tpu.memory_space<vmem>>, %arg11: memref<128x128xf32, #tpu.memory_space<vmem>>, %arg12: memref<128x128xf32, #tpu.memory_space<vmem>>, %arg13: memref<!tpu.dma_semaphore, #tpu.memory_space<semaphore_mem>>, %arg14: memref<!tpu.dma_semaphore, #tpu.memory_space<semaphore_mem>>, %arg15: memref<!tpu.dma_semaphore, #tpu.memory_space<semaphore_mem>>, %arg16: memref<!tpu.dma_semaphore, #tpu.memory_space<semaphore_mem>>) attributes {dimension_semantics = [#tpu.dimension_semantics<core_parallel>, #tpu.dimension_semantics<subcore_parallel>], iteration_bounds = array<i64: 2, 16>, scalar_prefetch = 0 : i64, scratch_operands = 9 : i64, tpu.core_type = #tpu.core_type<sc_vector_subcore>, window_params = [{transform_indices = #map}, {transform_indices = #map}, {transform_indices = #map1}, {transform_indices = #map1}, {transform_indices = #map}, {transform_indices = #map}]} {
    %mul3A = arith.constant 640 : i32
    %mul3A_0 = arith.muli %arg1, %mul3A : i32
    %eq3A = arith.constant 0 : i32
    %eq3A_1 = arith.cmpi eq, %arg0, %eq3A : i32
    %convert_element_type3A = arith.extui %eq3A_1 : i1 to i32
    %cond3A = arith.constant 0 : i32
    %cond3A_2 = arith.cmpi ne, %convert_element_type3A, %cond3A : i32
    scf.if %cond3A_2 {
      "tpu.region"() ({
        %run_scoped3A = tpu.sem_alloc : memref<!tpu.dma_semaphore, #tpu.memory_space<semaphore_mem>>
        %dma_start3A_50 = arith.constant 0 : i32
        %dma_start3A_51 = tpu.memref_slice %arg8[%mul3A_0, %dma_start3A_50] : memref<10240x128xf32, #tpu.memory_space<vmem_shared>> -> memref<640x128xf32, #tpu.memory_space<vmem_shared>>
        %dma_start3A_52 = arith.constant 0 : i32
        %dma_start3A_53 = tpu.memref_slice %arg2[%mul3A_0, %dma_start3A_52] : memref<10240x128xf32, #tpu.memory_space<hbm>> -> memref<640x128xf32, #tpu.memory_space<hbm>>
        tpu.enqueue_dma source(%dma_start3A_53 : memref<640x128xf32, #tpu.memory_space<hbm>>) target(%dma_start3A_51 : memref<640x128xf32, #tpu.memory_space<vmem_shared>>) target_semaphore(%run_scoped3A : memref<!tpu.dma_semaphore, #tpu.memory_space<semaphore_mem>>)
        %dma_wait3A_54 = arith.constant 0 : i32
        %dma_wait3A_55 = tpu.memref_slice %arg8[%mul3A_0, %dma_wait3A_54] : memref<10240x128xf32, #tpu.memory_space<vmem_shared>> -> memref<640x128xf32, #tpu.memory_space<vmem_shared>>
        %dma_wait3A_56 = arith.constant 0 : i32
        %dma_wait3A_57 = tpu.memref_slice %arg2[%mul3A_0, %dma_wait3A_56] : memref<10240x128xf32, #tpu.memory_space<hbm>> -> memref<640x128xf32, #tpu.memory_space<hbm>>
        tpu.wait_dma2 semaphore(%run_scoped3A : memref<!tpu.dma_semaphore, #tpu.memory_space<semaphore_mem>>) src(%dma_wait3A_57 : memref<640x128xf32, #tpu.memory_space<hbm>>) dst(%dma_wait3A_55 : memref<640x128xf32, #tpu.memory_space<vmem_shared>>)
        tpu.yield
      }) : () -> ()
    } else {
    }
    %eq3A_3 = arith.constant 1 : i32
    %eq3A_4 = arith.cmpi eq, %arg0, %eq3A_3 : i32
    %convert_element_type3A_5 = arith.extui %eq3A_4 : i1 to i32
    %cond3A_6 = arith.constant 0 : i32
    %cond3A_7 = arith.cmpi ne, %convert_element_type3A_5, %cond3A_6 : i32
    scf.if %cond3A_7 {
      "tpu.region"() ({
        %run_scoped3A = tpu.sem_alloc : memref<!tpu.dma_semaphore, #tpu.memory_space<semaphore_mem>>
        %dma_start3A_50 = arith.constant 0 : i32
        %dma_start3A_51 = tpu.memref_slice %arg8[%mul3A_0, %dma_start3A_50] : memref<10240x128xf32, #tpu.memory_space<vmem_shared>> -> memref<640x128xf32, #tpu.memory_space<vmem_shared>>
        %dma_start3A_52 = arith.constant 0 : i32
        %dma_start3A_53 = tpu.memref_slice %arg3[%mul3A_0, %dma_start3A_52] : memref<10240x128xf32, #tpu.memory_space<hbm>> -> memref<640x128xf32, #tpu.memory_space<hbm>>
        tpu.enqueue_dma source(%dma_start3A_53 : memref<640x128xf32, #tpu.memory_space<hbm>>) target(%dma_start3A_51 : memref<640x128xf32, #tpu.memory_space<vmem_shared>>) target_semaphore(%run_scoped3A : memref<!tpu.dma_semaphore, #tpu.memory_space<semaphore_mem>>)
        %dma_wait3A_54 = arith.constant 0 : i32
        %dma_wait3A_55 = tpu.memref_slice %arg8[%mul3A_0, %dma_wait3A_54] : memref<10240x128xf32, #tpu.memory_space<vmem_shared>> -> memref<640x128xf32, #tpu.memory_space<vmem_shared>>
        %dma_wait3A_56 = arith.constant 0 : i32
        %dma_wait3A_57 = tpu.memref_slice %arg3[%mul3A_0, %dma_wait3A_56] : memref<10240x128xf32, #tpu.memory_space<hbm>> -> memref<640x128xf32, #tpu.memory_space<hbm>>
        tpu.wait_dma2 semaphore(%run_scoped3A : memref<!tpu.dma_semaphore, #tpu.memory_space<semaphore_mem>>) src(%dma_wait3A_57 : memref<640x128xf32, #tpu.memory_space<hbm>>) dst(%dma_wait3A_55 : memref<640x128xf32, #tpu.memory_space<vmem_shared>>)
        tpu.yield
      }) : () -> ()
    } else {
    }
    %barrier3A = arith.constant 0 : index
    tpu.barrier barrier_id(%barrier3A)
    %mul3A_8 = arith.constant 20480 : i32
    %mul3A_9 = arith.muli %arg1, %mul3A_8 : i32
    %add3A = arith.constant 0 : i32
    %add3A_10 = arith.addi %mul3A_9, %add3A : i32
    %eq3A_11 = arith.constant 0 : i32
    %eq3A_12 = arith.cmpi eq, %arg0, %eq3A_11 : i32
    %convert_element_type3A_13 = arith.extui %eq3A_12 : i1 to i32
    %cond3A_14 = arith.constant 0 : i32
    %cond3A_15 = arith.cmpi ne, %convert_element_type3A_13, %cond3A_14 : i32
    scf.if %cond3A_15 {
      "tpu.region"() ({
        %run_scoped3A = tpu.sem_alloc : memref<!tpu.dma_semaphore, #tpu.memory_space<semaphore_mem>>
        %dma_start3A_50 = tpu.memref_slice %arg4[%add3A_10] : memref<327680xi32, #tpu.memory_space<hbm>> -> memref<128xi32, #tpu.memory_space<hbm>>
        %dma_start3A_51 = tpu.memref_slice %arg4[%add3A_10] : memref<327680xi32, #tpu.memory_space<hbm>> -> memref<128xi32, #tpu.memory_space<hbm>>
        tpu.enqueue_dma source(%dma_start3A_51 : memref<128xi32, #tpu.memory_space<hbm>>) target(%arg9 : memref<128xi32, #tpu.memory_space<vmem>>) target_semaphore(%run_scoped3A : memref<!tpu.dma_semaphore, #tpu.memory_space<semaphore_mem>>)
        %dma_wait3A_52 = tpu.memref_slice %arg4[%add3A_10] : memref<327680xi32, #tpu.memory_space<hbm>> -> memref<128xi32, #tpu.memory_space<hbm>>
        %dma_wait3A_53 = tpu.memref_slice %arg4[%add3A_10] : memref<327680xi32, #tpu.memory_space<hbm>> -> memref<128xi32, #tpu.memory_space<hbm>>
        tpu.wait_dma2 semaphore(%run_scoped3A : memref<!tpu.dma_semaphore, #tpu.memory_space<semaphore_mem>>) src(%dma_wait3A_53 : memref<128xi32, #tpu.memory_space<hbm>>) dst(%arg9 : memref<128xi32, #tpu.memory_space<vmem>>)
        tpu.yield
      }) : () -> ()
    } else {
    }
    %eq3A_16 = arith.constant 1 : i32
    %eq3A_17 = arith.cmpi eq, %arg0, %eq3A_16 : i32
    %convert_element_type3A_18 = arith.extui %eq3A_17 : i1 to i32
    %cond3A_19 = arith.constant 0 : i32
    %cond3A_20 = arith.cmpi ne, %convert_element_type3A_18, %cond3A_19 : i32
    scf.if %cond3A_20 {
      "tpu.region"() ({
        %run_scoped3A = tpu.sem_alloc : memref<!tpu.dma_semaphore, #tpu.memory_space<semaphore_mem>>
        %dma_start3A_50 = tpu.memref_slice %arg5[%add3A_10] : memref<327680xi32, #tpu.memory_space<hbm>> -> memref<128xi32, #tpu.memory_space<hbm>>
        %dma_start3A_51 = tpu.memref_slice %arg5[%add3A_10] : memref<327680xi32, #tpu.memory_space<hbm>> -> memref<128xi32, #tpu.memory_space<hbm>>
        tpu.enqueue_dma source(%dma_start3A_51 : memref<128xi32, #tpu.memory_space<hbm>>) target(%arg9 : memref<128xi32, #tpu.memory_space<vmem>>) target_semaphore(%run_scoped3A : memref<!tpu.dma_semaphore, #tpu.memory_space<semaphore_mem>>)
        %dma_wait3A_52 = tpu.memref_slice %arg5[%add3A_10] : memref<327680xi32, #tpu.memory_space<hbm>> -> memref<128xi32, #tpu.memory_space<hbm>>
        %dma_wait3A_53 = tpu.memref_slice %arg5[%add3A_10] : memref<327680xi32, #tpu.memory_space<hbm>> -> memref<128xi32, #tpu.memory_space<hbm>>
        tpu.wait_dma2 semaphore(%run_scoped3A : memref<!tpu.dma_semaphore, #tpu.memory_space<semaphore_mem>>) src(%dma_wait3A_53 : memref<128xi32, #tpu.memory_space<hbm>>) dst(%arg9 : memref<128xi32, #tpu.memory_space<vmem>>)
        tpu.yield
      }) : () -> ()
    } else {
    }
    %dma_start3A = arith.constant 0 : i32
    %dma_start3A_21 = arith.constant 0 : i32
    %dma_start3A_22 = tpu.memref_slice %arg8[%dma_start3A, %dma_start3A_21] : memref<10240x128xf32, #tpu.memory_space<vmem_shared>> -> memref<10240x128xf32, #tpu.memory_space<vmem_shared>>
    tpu.enqueue_indirect_dma source(%dma_start3A_22 : memref<10240x128xf32, #tpu.memory_space<vmem_shared>>) target(%arg11 : memref<128x128xf32, #tpu.memory_space<vmem>>) offsets(%arg9 : memref<128xi32, #tpu.memory_space<vmem>>) semaphore(%arg13 : memref<!tpu.dma_semaphore, #tpu.memory_space<semaphore_mem>>)
    %add3A_23 = arith.constant 128 : i32
    %add3A_24 = arith.addi %mul3A_9, %add3A_23 : i32
    %eq3A_25 = arith.constant 0 : i32
    %eq3A_26 = arith.cmpi eq, %arg0, %eq3A_25 : i32
    %convert_element_type3A_27 = arith.extui %eq3A_26 : i1 to i32
    %cond3A_28 = arith.constant 0 : i32
    %cond3A_29 = arith.cmpi ne, %convert_element_type3A_27, %cond3A_28 : i32
    scf.if %cond3A_29 {
      "tpu.region"() ({
        %run_scoped3A = tpu.sem_alloc : memref<!tpu.dma_semaphore, #tpu.memory_space<semaphore_mem>>
        %dma_start3A_50 = tpu.memref_slice %arg4[%add3A_24] : memref<327680xi32, #tpu.memory_space<hbm>> -> memref<128xi32, #tpu.memory_space<hbm>>
        %dma_start3A_51 = tpu.memref_slice %arg4[%add3A_24] : memref<327680xi32, #tpu.memory_space<hbm>> -> memref<128xi32, #tpu.memory_space<hbm>>
        tpu.enqueue_dma source(%dma_start3A_51 : memref<128xi32, #tpu.memory_space<hbm>>) target(%arg10 : memref<128xi32, #tpu.memory_space<vmem>>) target_semaphore(%run_scoped3A : memref<!tpu.dma_semaphore, #tpu.memory_space<semaphore_mem>>)
        %dma_wait3A_52 = tpu.memref_slice %arg4[%add3A_24] : memref<327680xi32, #tpu.memory_space<hbm>> -> memref<128xi32, #tpu.memory_space<hbm>>
        %dma_wait3A_53 = tpu.memref_slice %arg4[%add3A_24] : memref<327680xi32, #tpu.memory_space<hbm>> -> memref<128xi32, #tpu.memory_space<hbm>>
        tpu.wait_dma2 semaphore(%run_scoped3A : memref<!tpu.dma_semaphore, #tpu.memory_space<semaphore_mem>>) src(%dma_wait3A_53 : memref<128xi32, #tpu.memory_space<hbm>>) dst(%arg10 : memref<128xi32, #tpu.memory_space<vmem>>)
        tpu.yield
      }) : () -> ()
    } else {
    }
    %eq3A_30 = arith.constant 1 : i32
    %eq3A_31 = arith.cmpi eq, %arg0, %eq3A_30 : i32
    %convert_element_type3A_32 = arith.extui %eq3A_31 : i1 to i32
    %cond3A_33 = arith.constant 0 : i32
    %cond3A_34 = arith.cmpi ne, %convert_element_type3A_32, %cond3A_33 : i32
    scf.if %cond3A_34 {
      "tpu.region"() ({
        %run_scoped3A = tpu.sem_alloc : memref<!tpu.dma_semaphore, #tpu.memory_space<semaphore_mem>>
        %dma_start3A_50 = tpu.memref_slice %arg5[%add3A_24] : memref<327680xi32, #tpu.memory_space<hbm>> -> memref<128xi32, #tpu.memory_space<hbm>>
        %dma_start3A_51 = tpu.memref_slice %arg5[%add3A_24] : memref<327680xi32, #tpu.memory_space<hbm>> -> memref<128xi32, #tpu.memory_space<hbm>>
        tpu.enqueue_dma source(%dma_start3A_51 : memref<128xi32, #tpu.memory_space<hbm>>) target(%arg10 : memref<128xi32, #tpu.memory_space<vmem>>) target_semaphore(%run_scoped3A : memref<!tpu.dma_semaphore, #tpu.memory_space<semaphore_mem>>)
        %dma_wait3A_52 = tpu.memref_slice %arg5[%add3A_24] : memref<327680xi32, #tpu.memory_space<hbm>> -> memref<128xi32, #tpu.memory_space<hbm>>
        %dma_wait3A_53 = tpu.memref_slice %arg5[%add3A_24] : memref<327680xi32, #tpu.memory_space<hbm>> -> memref<128xi32, #tpu.memory_space<hbm>>
        tpu.wait_dma2 semaphore(%run_scoped3A : memref<!tpu.dma_semaphore, #tpu.memory_space<semaphore_mem>>) src(%dma_wait3A_53 : memref<128xi32, #tpu.memory_space<hbm>>) dst(%arg10 : memref<128xi32, #tpu.memory_space<vmem>>)
        tpu.yield
      }) : () -> ()
    } else {
    }
    %dma_start3A_35 = arith.constant 0 : i32
    %dma_start3A_36 = arith.constant 0 : i32
    %dma_start3A_37 = tpu.memref_slice %arg8[%dma_start3A_35, %dma_start3A_36] : memref<10240x128xf32, #tpu.memory_space<vmem_shared>> -> memref<10240x128xf32, #tpu.memory_space<vmem_shared>>
    tpu.enqueue_indirect_dma source(%dma_start3A_37 : memref<10240x128xf32, #tpu.memory_space<vmem_shared>>) target(%arg12 : memref<128x128xf32, #tpu.memory_space<vmem>>) offsets(%arg10 : memref<128xi32, #tpu.memory_space<vmem>>) semaphore(%arg14 : memref<!tpu.dma_semaphore, #tpu.memory_space<semaphore_mem>>)
    %scan3A = arith.constant 0 : i32
    %scan3A_38 = arith.constant 0 : i32
    %scan3A_39 = arith.constant 80 : i32
    %scan3A_40 = arith.addi %scan3A_38, %scan3A_39 : i32
    %scan3A_41 = arith.constant 1 : i32
    scf.for %scan3A_50 = %scan3A_38 to %scan3A_40 step %scan3A_41  : i32 {
      %mul3A_51 = arith.constant 2 : i32
      %mul3A_52 = arith.muli %scan3A_50, %mul3A_51 : i32
      %add3A_53 = arith.constant 0 : i32
      %add3A_54 = arith.addi %mul3A_52, %add3A_53 : i32
      %mul3A_55 = arith.constant 128 : i32
      %mul3A_56 = arith.muli %add3A_54, %mul3A_55 : i32
      %add3A_57 = arith.addi %mul3A_9, %mul3A_56 : i32
      %dma_wait3A_58 = arith.constant 0 : i32
      %dma_wait3A_59 = arith.constant 0 : i32
      %dma_wait3A_60 = tpu.memref_slice %arg8[%dma_wait3A_58, %dma_wait3A_59] : memref<10240x128xf32, #tpu.memory_space<vmem_shared>> -> memref<10240x128xf32, #tpu.memory_space<vmem_shared>>
      tpu.wait_indirect_dma semaphore(%arg13 : memref<!tpu.dma_semaphore, #tpu.memory_space<semaphore_mem>>) src(%dma_wait3A_60 : memref<10240x128xf32, #tpu.memory_space<vmem_shared>>) dst(%arg11 : memref<128x128xf32, #tpu.memory_space<vmem>>)
      %eq3A_61 = arith.constant 0 : i32
      %eq3A_62 = arith.cmpi eq, %arg0, %eq3A_61 : i32
      %convert_element_type3A_63 = arith.extui %eq3A_62 : i1 to i32
      %cond3A_64 = arith.constant 0 : i32
      %cond3A_65 = arith.cmpi ne, %convert_element_type3A_63, %cond3A_64 : i32
      scf.if %cond3A_65 {
        %dma_start3A_104 = arith.constant 0 : i32
        %dma_start3A_105 = tpu.memref_slice %arg6[%add3A_57, %dma_start3A_104] : memref<327680x128xf32, #tpu.memory_space<hbm>> -> memref<128x128xf32, #tpu.memory_space<hbm>>
        %dma_start3A_106 = arith.constant 0 : i32
        %dma_start3A_107 = tpu.memref_slice %arg6[%add3A_57, %dma_start3A_106] : memref<327680x128xf32, #tpu.memory_space<hbm>> -> memref<128x128xf32, #tpu.memory_space<hbm>>
        tpu.enqueue_dma source(%arg11 : memref<128x128xf32, #tpu.memory_space<vmem>>) target(%dma_start3A_107 : memref<128x128xf32, #tpu.memory_space<hbm>>) target_semaphore(%arg15 : memref<!tpu.dma_semaphore, #tpu.memory_space<semaphore_mem>>)
      } else {
      }
      %eq3A_66 = arith.constant 1 : i32
      %eq3A_67 = arith.cmpi eq, %arg0, %eq3A_66 : i32
      %convert_element_type3A_68 = arith.extui %eq3A_67 : i1 to i32
      %cond3A_69 = arith.constant 0 : i32
      %cond3A_70 = arith.cmpi ne, %convert_element_type3A_68, %cond3A_69 : i32
      scf.if %cond3A_70 {
        %dma_start3A_104 = arith.constant 0 : i32
        %dma_start3A_105 = tpu.memref_slice %arg7[%add3A_57, %dma_start3A_104] : memref<327680x128xf32, #tpu.memory_space<hbm>> -> memref<128x128xf32, #tpu.memory_space<hbm>>
        %dma_start3A_106 = arith.constant 0 : i32
        %dma_start3A_107 = tpu.memref_slice %arg7[%add3A_57, %dma_start3A_106] : memref<327680x128xf32, #tpu.memory_space<hbm>> -> memref<128x128xf32, #tpu.memory_space<hbm>>
        tpu.enqueue_dma source(%arg11 : memref<128x128xf32, #tpu.memory_space<vmem>>) target(%dma_start3A_107 : memref<128x128xf32, #tpu.memory_space<hbm>>) target_semaphore(%arg15 : memref<!tpu.dma_semaphore, #tpu.memory_space<semaphore_mem>>)
      } else {
      }
      %add3A_71 = arith.constant 2 : i32
      %add3A_72 = arith.addi %add3A_54, %add3A_71 : i32
      %lt3A = arith.constant 160 : i32
      %lt3A_73 = arith.cmpi slt, %add3A_72, %lt3A : i32
      %convert_element_type3A_74 = arith.extui %lt3A_73 : i1 to i32
      %cond3A_75 = arith.constant 0 : i32
      %cond3A_76 = arith.cmpi ne, %convert_element_type3A_74, %cond3A_75 : i32
      scf.if %cond3A_76 {
        %dma_wait3A_104 = arith.constant 0 : i32
        %dma_wait3A_105 = tpu.memref_slice %arg6[%add3A_57, %dma_wait3A_104] : memref<327680x128xf32, #tpu.memory_space<hbm>> -> memref<128x128xf32, #tpu.memory_space<hbm>>
        %dma_wait3A_106 = arith.constant 0 : i32
        %dma_wait3A_107 = tpu.memref_slice %arg6[%add3A_57, %dma_wait3A_106] : memref<327680x128xf32, #tpu.memory_space<hbm>> -> memref<128x128xf32, #tpu.memory_space<hbm>>
        tpu.wait_dma2 semaphore(%arg15 : memref<!tpu.dma_semaphore, #tpu.memory_space<semaphore_mem>>) src(%arg11 : memref<128x128xf32, #tpu.memory_space<vmem>>) dst(%dma_wait3A_107 : memref<128x128xf32, #tpu.memory_space<hbm>>)
        %add3A_108 = arith.constant 256 : i32
        %add3A_109 = arith.addi %add3A_57, %add3A_108 : i32
        %eq3A_110 = arith.constant 0 : i32
        %eq3A_111 = arith.cmpi eq, %arg0, %eq3A_110 : i32
        %convert_element_type3A_112 = arith.extui %eq3A_111 : i1 to i32
        %cond3A_113 = arith.constant 0 : i32
        %cond3A_114 = arith.cmpi ne, %convert_element_type3A_112, %cond3A_113 : i32
        scf.if %cond3A_114 {
          "tpu.region"() ({
            %run_scoped3A = tpu.sem_alloc : memref<!tpu.dma_semaphore, #tpu.memory_space<semaphore_mem>>
            %dma_start3A_123 = tpu.memref_slice %arg4[%add3A_109] : memref<327680xi32, #tpu.memory_space<hbm>> -> memref<128xi32, #tpu.memory_space<hbm>>
            %dma_start3A_124 = tpu.memref_slice %arg4[%add3A_109] : memref<327680xi32, #tpu.memory_space<hbm>> -> memref<128xi32, #tpu.memory_space<hbm>>
            tpu.enqueue_dma source(%dma_start3A_124 : memref<128xi32, #tpu.memory_space<hbm>>) target(%arg9 : memref<128xi32, #tpu.memory_space<vmem>>) target_semaphore(%run_scoped3A : memref<!tpu.dma_semaphore, #tpu.memory_space<semaphore_mem>>)
            %dma_wait3A_125 = tpu.memref_slice %arg4[%add3A_109] : memref<327680xi32, #tpu.memory_space<hbm>> -> memref<128xi32, #tpu.memory_space<hbm>>
            %dma_wait3A_126 = tpu.memref_slice %arg4[%add3A_109] : memref<327680xi32, #tpu.memory_space<hbm>> -> memref<128xi32, #tpu.memory_space<hbm>>
            tpu.wait_dma2 semaphore(%run_scoped3A : memref<!tpu.dma_semaphore, #tpu.memory_space<semaphore_mem>>) src(%dma_wait3A_126 : memref<128xi32, #tpu.memory_space<hbm>>) dst(%arg9 : memref<128xi32, #tpu.memory_space<vmem>>)
            tpu.yield
          }) : () -> ()
        } else {
        }
        %eq3A_115 = arith.constant 1 : i32
        %eq3A_116 = arith.cmpi eq, %arg0, %eq3A_115 : i32
        %convert_element_type3A_117 = arith.extui %eq3A_116 : i1 to i32
        %cond3A_118 = arith.constant 0 : i32
        %cond3A_119 = arith.cmpi ne, %convert_element_type3A_117, %cond3A_118 : i32
        scf.if %cond3A_119 {
          "tpu.region"() ({
            %run_scoped3A = tpu.sem_alloc : memref<!tpu.dma_semaphore, #tpu.memory_space<semaphore_mem>>
            %dma_start3A_123 = tpu.memref_slice %arg5[%add3A_109] : memref<327680xi32, #tpu.memory_space<hbm>> -> memref<128xi32, #tpu.memory_space<hbm>>
            %dma_start3A_124 = tpu.memref_slice %arg5[%add3A_109] : memref<327680xi32, #tpu.memory_space<hbm>> -> memref<128xi32, #tpu.memory_space<hbm>>
            tpu.enqueue_dma source(%dma_start3A_124 : memref<128xi32, #tpu.memory_space<hbm>>) target(%arg9 : memref<128xi32, #tpu.memory_space<vmem>>) target_semaphore(%run_scoped3A : memref<!tpu.dma_semaphore, #tpu.memory_space<semaphore_mem>>)
            %dma_wait3A_125 = tpu.memref_slice %arg5[%add3A_109] : memref<327680xi32, #tpu.memory_space<hbm>> -> memref<128xi32, #tpu.memory_space<hbm>>
            %dma_wait3A_126 = tpu.memref_slice %arg5[%add3A_109] : memref<327680xi32, #tpu.memory_space<hbm>> -> memref<128xi32, #tpu.memory_space<hbm>>
            tpu.wait_dma2 semaphore(%run_scoped3A : memref<!tpu.dma_semaphore, #tpu.memory_space<semaphore_mem>>) src(%dma_wait3A_126 : memref<128xi32, #tpu.memory_space<hbm>>) dst(%arg9 : memref<128xi32, #tpu.memory_space<vmem>>)
            tpu.yield
          }) : () -> ()
        } else {
        }
        %dma_start3A_120 = arith.constant 0 : i32
        %dma_start3A_121 = arith.constant 0 : i32
        %dma_start3A_122 = tpu.memref_slice %arg8[%dma_start3A_120, %dma_start3A_121] : memref<10240x128xf32, #tpu.memory_space<vmem_shared>> -> memref<10240x128xf32, #tpu.memory_space<vmem_shared>>
        tpu.enqueue_indirect_dma source(%dma_start3A_122 : memref<10240x128xf32, #tpu.memory_space<vmem_shared>>) target(%arg11 : memref<128x128xf32, #tpu.memory_space<vmem>>) offsets(%arg9 : memref<128xi32, #tpu.memory_space<vmem>>) semaphore(%arg13 : memref<!tpu.dma_semaphore, #tpu.memory_space<semaphore_mem>>)
      } else {
      }
      %mul3A_77 = arith.constant 2 : i32
      %mul3A_78 = arith.muli %scan3A_50, %mul3A_77 : i32
      %add3A_79 = arith.constant 1 : i32
      %add3A_80 = arith.addi %mul3A_78, %add3A_79 : i32
      %mul3A_81 = arith.constant 128 : i32
      %mul3A_82 = arith.muli %add3A_80, %mul3A_81 : i32
      %add3A_83 = arith.addi %mul3A_9, %mul3A_82 : i32
      %dma_wait3A_84 = arith.constant 0 : i32
      %dma_wait3A_85 = arith.constant 0 : i32
      %dma_wait3A_86 = tpu.memref_slice %arg8[%dma_wait3A_84, %dma_wait3A_85] : memref<10240x128xf32, #tpu.memory_space<vmem_shared>> -> memref<10240x128xf32, #tpu.memory_space<vmem_shared>>
      tpu.wait_indirect_dma semaphore(%arg14 : memref<!tpu.dma_semaphore, #tpu.memory_space<semaphore_mem>>) src(%dma_wait3A_86 : memref<10240x128xf32, #tpu.memory_space<vmem_shared>>) dst(%arg12 : memref<128x128xf32, #tpu.memory_space<vmem>>)
      %eq3A_87 = arith.constant 0 : i32
      %eq3A_88 = arith.cmpi eq, %arg0, %eq3A_87 : i32
      %convert_element_type3A_89 = arith.extui %eq3A_88 : i1 to i32
      %cond3A_90 = arith.constant 0 : i32
      %cond3A_91 = arith.cmpi ne, %convert_element_type3A_89, %cond3A_90 : i32
      scf.if %cond3A_91 {
        %dma_start3A_104 = arith.constant 0 : i32
        %dma_start3A_105 = tpu.memref_slice %arg6[%add3A_83, %dma_start3A_104] : memref<327680x128xf32, #tpu.memory_space<hbm>> -> memref<128x128xf32, #tpu.memory_space<hbm>>
        %dma_start3A_106 = arith.constant 0 : i32
        %dma_start3A_107 = tpu.memref_slice %arg6[%add3A_83, %dma_start3A_106] : memref<327680x128xf32, #tpu.memory_space<hbm>> -> memref<128x128xf32, #tpu.memory_space<hbm>>
        tpu.enqueue_dma source(%arg12 : memref<128x128xf32, #tpu.memory_space<vmem>>) target(%dma_start3A_107 : memref<128x128xf32, #tpu.memory_space<hbm>>) target_semaphore(%arg16 : memref<!tpu.dma_semaphore, #tpu.memory_space<semaphore_mem>>)
      } else {
      }
      %eq3A_92 = arith.constant 1 : i32
      %eq3A_93 = arith.cmpi eq, %arg0, %eq3A_92 : i32
      %convert_element_type3A_94 = arith.extui %eq3A_93 : i1 to i32
      %cond3A_95 = arith.constant 0 : i32
      %cond3A_96 = arith.cmpi ne, %convert_element_type3A_94, %cond3A_95 : i32
      scf.if %cond3A_96 {
        %dma_start3A_104 = arith.constant 0 : i32
        %dma_start3A_105 = tpu.memref_slice %arg7[%add3A_83, %dma_start3A_104] : memref<327680x128xf32, #tpu.memory_space<hbm>> -> memref<128x128xf32, #tpu.memory_space<hbm>>
        %dma_start3A_106 = arith.constant 0 : i32
        %dma_start3A_107 = tpu.memref_slice %arg7[%add3A_83, %dma_start3A_106] : memref<327680x128xf32, #tpu.memory_space<hbm>> -> memref<128x128xf32, #tpu.memory_space<hbm>>
        tpu.enqueue_dma source(%arg12 : memref<128x128xf32, #tpu.memory_space<vmem>>) target(%dma_start3A_107 : memref<128x128xf32, #tpu.memory_space<hbm>>) target_semaphore(%arg16 : memref<!tpu.dma_semaphore, #tpu.memory_space<semaphore_mem>>)
      } else {
      }
      %add3A_97 = arith.constant 2 : i32
      %add3A_98 = arith.addi %add3A_80, %add3A_97 : i32
      %lt3A_99 = arith.constant 160 : i32
      %lt3A_100 = arith.cmpi slt, %add3A_98, %lt3A_99 : i32
      %convert_element_type3A_101 = arith.extui %lt3A_100 : i1 to i32
      %cond3A_102 = arith.constant 0 : i32
      %cond3A_103 = arith.cmpi ne, %convert_element_type3A_101, %cond3A_102 : i32
      scf.if %cond3A_103 {
        %dma_wait3A_104 = arith.constant 0 : i32
        %dma_wait3A_105 = tpu.memref_slice %arg6[%add3A_83, %dma_wait3A_104] : memref<327680x128xf32, #tpu.memory_space<hbm>> -> memref<128x128xf32, #tpu.memory_space<hbm>>
        %dma_wait3A_106 = arith.constant 0 : i32
        %dma_wait3A_107 = tpu.memref_slice %arg6[%add3A_83, %dma_wait3A_106] : memref<327680x128xf32, #tpu.memory_space<hbm>> -> memref<128x128xf32, #tpu.memory_space<hbm>>
        tpu.wait_dma2 semaphore(%arg16 : memref<!tpu.dma_semaphore, #tpu.memory_space<semaphore_mem>>) src(%arg12 : memref<128x128xf32, #tpu.memory_space<vmem>>) dst(%dma_wait3A_107 : memref<128x128xf32, #tpu.memory_space<hbm>>)
        %add3A_108 = arith.constant 256 : i32
        %add3A_109 = arith.addi %add3A_83, %add3A_108 : i32
        %eq3A_110 = arith.constant 0 : i32
        %eq3A_111 = arith.cmpi eq, %arg0, %eq3A_110 : i32
        %convert_element_type3A_112 = arith.extui %eq3A_111 : i1 to i32
        %cond3A_113 = arith.constant 0 : i32
        %cond3A_114 = arith.cmpi ne, %convert_element_type3A_112, %cond3A_113 : i32
        scf.if %cond3A_114 {
          "tpu.region"() ({
            %run_scoped3A = tpu.sem_alloc : memref<!tpu.dma_semaphore, #tpu.memory_space<semaphore_mem>>
            %dma_start3A_123 = tpu.memref_slice %arg4[%add3A_109] : memref<327680xi32, #tpu.memory_space<hbm>> -> memref<128xi32, #tpu.memory_space<hbm>>
            %dma_start3A_124 = tpu.memref_slice %arg4[%add3A_109] : memref<327680xi32, #tpu.memory_space<hbm>> -> memref<128xi32, #tpu.memory_space<hbm>>
            tpu.enqueue_dma source(%dma_start3A_124 : memref<128xi32, #tpu.memory_space<hbm>>) target(%arg10 : memref<128xi32, #tpu.memory_space<vmem>>) target_semaphore(%run_scoped3A : memref<!tpu.dma_semaphore, #tpu.memory_space<semaphore_mem>>)
            %dma_wait3A_125 = tpu.memref_slice %arg4[%add3A_109] : memref<327680xi32, #tpu.memory_space<hbm>> -> memref<128xi32, #tpu.memory_space<hbm>>
            %dma_wait3A_126 = tpu.memref_slice %arg4[%add3A_109] : memref<327680xi32, #tpu.memory_space<hbm>> -> memref<128xi32, #tpu.memory_space<hbm>>
            tpu.wait_dma2 semaphore(%run_scoped3A : memref<!tpu.dma_semaphore, #tpu.memory_space<semaphore_mem>>) src(%dma_wait3A_126 : memref<128xi32, #tpu.memory_space<hbm>>) dst(%arg10 : memref<128xi32, #tpu.memory_space<vmem>>)
            tpu.yield
          }) : () -> ()
        } else {
        }
        %eq3A_115 = arith.constant 1 : i32
        %eq3A_116 = arith.cmpi eq, %arg0, %eq3A_115 : i32
        %convert_element_type3A_117 = arith.extui %eq3A_116 : i1 to i32
        %cond3A_118 = arith.constant 0 : i32
        %cond3A_119 = arith.cmpi ne, %convert_element_type3A_117, %cond3A_118 : i32
        scf.if %cond3A_119 {
          "tpu.region"() ({
            %run_scoped3A = tpu.sem_alloc : memref<!tpu.dma_semaphore, #tpu.memory_space<semaphore_mem>>
            %dma_start3A_123 = tpu.memref_slice %arg5[%add3A_109] : memref<327680xi32, #tpu.memory_space<hbm>> -> memref<128xi32, #tpu.memory_space<hbm>>
            %dma_start3A_124 = tpu.memref_slice %arg5[%add3A_109] : memref<327680xi32, #tpu.memory_space<hbm>> -> memref<128xi32, #tpu.memory_space<hbm>>
            tpu.enqueue_dma source(%dma_start3A_124 : memref<128xi32, #tpu.memory_space<hbm>>) target(%arg10 : memref<128xi32, #tpu.memory_space<vmem>>) target_semaphore(%run_scoped3A : memref<!tpu.dma_semaphore, #tpu.memory_space<semaphore_mem>>)
            %dma_wait3A_125 = tpu.memref_slice %arg5[%add3A_109] : memref<327680xi32, #tpu.memory_space<hbm>> -> memref<128xi32, #tpu.memory_space<hbm>>
            %dma_wait3A_126 = tpu.memref_slice %arg5[%add3A_109] : memref<327680xi32, #tpu.memory_space<hbm>> -> memref<128xi32, #tpu.memory_space<hbm>>
            tpu.wait_dma2 semaphore(%run_scoped3A : memref<!tpu.dma_semaphore, #tpu.memory_space<semaphore_mem>>) src(%dma_wait3A_126 : memref<128xi32, #tpu.memory_space<hbm>>) dst(%arg10 : memref<128xi32, #tpu.memory_space<vmem>>)
            tpu.yield
          }) : () -> ()
        } else {
        }
        %dma_start3A_120 = arith.constant 0 : i32
        %dma_start3A_121 = arith.constant 0 : i32
        %dma_start3A_122 = tpu.memref_slice %arg8[%dma_start3A_120, %dma_start3A_121] : memref<10240x128xf32, #tpu.memory_space<vmem_shared>> -> memref<10240x128xf32, #tpu.memory_space<vmem_shared>>
        tpu.enqueue_indirect_dma source(%dma_start3A_122 : memref<10240x128xf32, #tpu.memory_space<vmem_shared>>) target(%arg12 : memref<128x128xf32, #tpu.memory_space<vmem>>) offsets(%arg10 : memref<128xi32, #tpu.memory_space<vmem>>) semaphore(%arg14 : memref<!tpu.dma_semaphore, #tpu.memory_space<semaphore_mem>>)
      } else {
      }
    }
    %scan3A_42 = arith.constant 80 : i32
    %dma_wait3A = arith.constant 0 : i32
    %dma_wait3A_43 = tpu.memref_slice %arg6[%mul3A_9, %dma_wait3A] : memref<327680x128xf32, #tpu.memory_space<hbm>> -> memref<128x128xf32, #tpu.memory_space<hbm>>
    %dma_wait3A_44 = arith.constant 0 : i32
    %dma_wait3A_45 = tpu.memref_slice %arg6[%mul3A_9, %dma_wait3A_44] : memref<327680x128xf32, #tpu.memory_space<hbm>> -> memref<128x128xf32, #tpu.memory_space<hbm>>
    tpu.wait_dma2 semaphore(%arg15 : memref<!tpu.dma_semaphore, #tpu.memory_space<semaphore_mem>>) src(%arg11 : memref<128x128xf32, #tpu.memory_space<vmem>>) dst(%dma_wait3A_45 : memref<128x128xf32, #tpu.memory_space<hbm>>)
    %dma_wait3A_46 = arith.constant 0 : i32
    %dma_wait3A_47 = tpu.memref_slice %arg6[%mul3A_9, %dma_wait3A_46] : memref<327680x128xf32, #tpu.memory_space<hbm>> -> memref<128x128xf32, #tpu.memory_space<hbm>>
    %dma_wait3A_48 = arith.constant 0 : i32
    %dma_wait3A_49 = tpu.memref_slice %arg6[%mul3A_9, %dma_wait3A_48] : memref<327680x128xf32, #tpu.memory_space<hbm>> -> memref<128x128xf32, #tpu.memory_space<hbm>>
    tpu.wait_dma2 semaphore(%arg16 : memref<!tpu.dma_semaphore, #tpu.memory_space<semaphore_mem>>) src(%arg12 : memref<128x128xf32, #tpu.memory_space<vmem>>) dst(%dma_wait3A_49 : memref<128x128xf32, #tpu.memory_space<hbm>>)
    return
  }
}

#map = affine_map<(d0, d1) -> (0, 0)>
#map1 = affine_map<(d0, d1) -> (0)>
module attributes {stable_mosaic.version = 14 : i64} {
  func.func @_scatter_body(%arg0: i32, %arg1: i32, %arg2: memref<320000x128xf32, #tpu.memory_space<hbm>>, %arg3: memref<320000xi32, #tpu.memory_space<hbm>>, %arg4: memref<320000xi32, #tpu.memory_space<hbm>>, %arg5: memref<320000xi32, #tpu.memory_space<hbm>>, %arg6: memref<320000xi32, #tpu.memory_space<hbm>>, %arg7: memref<5248x128xf32, #tpu.memory_space<hbm>>, %arg8: memref<5248x128xf32, #tpu.memory_space<hbm>>, %arg9: memref<5248x128xf32, #tpu.memory_space<hbm>>, %arg10: memref<5248x128xf32, #tpu.memory_space<vmem_shared>>, %arg11: memref<128xi32, #tpu.memory_space<vmem>>, %arg12: memref<128xi32, #tpu.memory_space<vmem>>, %arg13: memref<128xi32, #tpu.memory_space<vmem>>, %arg14: memref<128xi32, #tpu.memory_space<vmem>>, %arg15: memref<128x128xf32, #tpu.memory_space<vmem>>, %arg16: memref<128x128xf32, #tpu.memory_space<vmem>>, %arg17: memref<32xi32, #tpu.memory_space<vmem>>, %arg18: memref<32x128xf32, #tpu.memory_space<vmem>>, %arg19: memref<!tpu.dma_semaphore, #tpu.memory_space<semaphore_mem>>, %arg20: memref<!tpu.dma_semaphore, #tpu.memory_space<semaphore_mem>>) attributes {dimension_semantics = [#tpu.dimension_semantics<core_parallel>, #tpu.dimension_semantics<subcore_parallel>], iteration_bounds = array<i64: 2, 16>, scalar_prefetch = 0 : i64, scratch_operands = 11 : i64, tpu.core_type = #tpu.core_type<sc_vector_subcore>, window_params = [{transform_indices = #map}, {transform_indices = #map1}, {transform_indices = #map1}, {transform_indices = #map1}, {transform_indices = #map1}, {transform_indices = #map}, {transform_indices = #map}, {transform_indices = #map}]} {
    %mul3A = arith.constant 328 : i32
    %mul3A_0 = arith.muli %arg1, %mul3A : i32
    "tpu.region"() ({
      %run_scoped3A = tpu.sem_alloc : memref<!tpu.dma_semaphore, #tpu.memory_space<semaphore_mem>>
      %dma_start3A_50 = arith.constant 0 : i32
      %dma_start3A_51 = tpu.memref_slice %arg10[%mul3A_0, %dma_start3A_50] : memref<5248x128xf32, #tpu.memory_space<vmem_shared>> -> memref<328x128xf32, #tpu.memory_space<vmem_shared>>
      %dma_start3A_52 = arith.constant 0 : i32
      %dma_start3A_53 = tpu.memref_slice %arg7[%mul3A_0, %dma_start3A_52] : memref<5248x128xf32, #tpu.memory_space<hbm>> -> memref<328x128xf32, #tpu.memory_space<hbm>>
      tpu.enqueue_dma source(%dma_start3A_53 : memref<328x128xf32, #tpu.memory_space<hbm>>) target(%dma_start3A_51 : memref<328x128xf32, #tpu.memory_space<vmem_shared>>) target_semaphore(%run_scoped3A : memref<!tpu.dma_semaphore, #tpu.memory_space<semaphore_mem>>)
      %dma_wait3A = arith.constant 0 : i32
      %dma_wait3A_54 = tpu.memref_slice %arg10[%mul3A_0, %dma_wait3A] : memref<5248x128xf32, #tpu.memory_space<vmem_shared>> -> memref<328x128xf32, #tpu.memory_space<vmem_shared>>
      %dma_wait3A_55 = arith.constant 0 : i32
      %dma_wait3A_56 = tpu.memref_slice %arg7[%mul3A_0, %dma_wait3A_55] : memref<5248x128xf32, #tpu.memory_space<hbm>> -> memref<328x128xf32, #tpu.memory_space<hbm>>
      tpu.wait_dma2 semaphore(%run_scoped3A : memref<!tpu.dma_semaphore, #tpu.memory_space<semaphore_mem>>) src(%dma_wait3A_56 : memref<328x128xf32, #tpu.memory_space<hbm>>) dst(%dma_wait3A_54 : memref<328x128xf32, #tpu.memory_space<vmem_shared>>)
      tpu.yield
    }) : () -> ()
    %barrier3A = arith.constant 0 : index
    tpu.barrier barrier_id(%barrier3A)
    %mul3A_1 = arith.constant 20000 : i32
    %mul3A_2 = arith.muli %arg1, %mul3A_1 : i32
    %dma_start3A = arith.constant 0 : i32
    %dma_start3A_3 = tpu.memref_slice %arg2[%mul3A_2, %dma_start3A] : memref<320000x128xf32, #tpu.memory_space<hbm>> -> memref<128x128xf32, #tpu.memory_space<hbm>>
    %dma_start3A_4 = arith.constant 0 : i32
    %dma_start3A_5 = tpu.memref_slice %arg2[%mul3A_2, %dma_start3A_4] : memref<320000x128xf32, #tpu.memory_space<hbm>> -> memref<128x128xf32, #tpu.memory_space<hbm>>
    tpu.enqueue_dma source(%dma_start3A_5 : memref<128x128xf32, #tpu.memory_space<hbm>>) target(%arg15 : memref<128x128xf32, #tpu.memory_space<vmem>>) target_semaphore(%arg19 : memref<!tpu.dma_semaphore, #tpu.memory_space<semaphore_mem>>)
    %eq3A = arith.constant 0 : i32
    %eq3A_6 = arith.cmpi eq, %arg0, %eq3A : i32
    %convert_element_type3A = arith.extui %eq3A_6 : i1 to i32
    %cond3A = arith.constant 0 : i32
    %cond3A_7 = arith.cmpi ne, %convert_element_type3A, %cond3A : i32
    scf.if %cond3A_7 {
      %dma_start3A_50 = tpu.memref_slice %arg3[%mul3A_2] : memref<320000xi32, #tpu.memory_space<hbm>> -> memref<128xi32, #tpu.memory_space<hbm>>
      %dma_start3A_51 = tpu.memref_slice %arg3[%mul3A_2] : memref<320000xi32, #tpu.memory_space<hbm>> -> memref<128xi32, #tpu.memory_space<hbm>>
      tpu.enqueue_dma source(%dma_start3A_51 : memref<128xi32, #tpu.memory_space<hbm>>) target(%arg11 : memref<128xi32, #tpu.memory_space<vmem>>) target_semaphore(%arg19 : memref<!tpu.dma_semaphore, #tpu.memory_space<semaphore_mem>>)
      %dma_start3A_52 = tpu.memref_slice %arg4[%mul3A_2] : memref<320000xi32, #tpu.memory_space<hbm>> -> memref<128xi32, #tpu.memory_space<hbm>>
      %dma_start3A_53 = tpu.memref_slice %arg4[%mul3A_2] : memref<320000xi32, #tpu.memory_space<hbm>> -> memref<128xi32, #tpu.memory_space<hbm>>
      tpu.enqueue_dma source(%dma_start3A_53 : memref<128xi32, #tpu.memory_space<hbm>>) target(%arg13 : memref<128xi32, #tpu.memory_space<vmem>>) target_semaphore(%arg19 : memref<!tpu.dma_semaphore, #tpu.memory_space<semaphore_mem>>)
    } else {
    }
    %eq3A_8 = arith.constant 1 : i32
    %eq3A_9 = arith.cmpi eq, %arg0, %eq3A_8 : i32
    %convert_element_type3A_10 = arith.extui %eq3A_9 : i1 to i32
    %cond3A_11 = arith.constant 0 : i32
    %cond3A_12 = arith.cmpi ne, %convert_element_type3A_10, %cond3A_11 : i32
    scf.if %cond3A_12 {
      %dma_start3A_50 = tpu.memref_slice %arg5[%mul3A_2] : memref<320000xi32, #tpu.memory_space<hbm>> -> memref<128xi32, #tpu.memory_space<hbm>>
      %dma_start3A_51 = tpu.memref_slice %arg5[%mul3A_2] : memref<320000xi32, #tpu.memory_space<hbm>> -> memref<128xi32, #tpu.memory_space<hbm>>
      tpu.enqueue_dma source(%dma_start3A_51 : memref<128xi32, #tpu.memory_space<hbm>>) target(%arg11 : memref<128xi32, #tpu.memory_space<vmem>>) target_semaphore(%arg19 : memref<!tpu.dma_semaphore, #tpu.memory_space<semaphore_mem>>)
      %dma_start3A_52 = tpu.memref_slice %arg6[%mul3A_2] : memref<320000xi32, #tpu.memory_space<hbm>> -> memref<128xi32, #tpu.memory_space<hbm>>
      %dma_start3A_53 = tpu.memref_slice %arg6[%mul3A_2] : memref<320000xi32, #tpu.memory_space<hbm>> -> memref<128xi32, #tpu.memory_space<hbm>>
      tpu.enqueue_dma source(%dma_start3A_53 : memref<128xi32, #tpu.memory_space<hbm>>) target(%arg13 : memref<128xi32, #tpu.memory_space<vmem>>) target_semaphore(%arg19 : memref<!tpu.dma_semaphore, #tpu.memory_space<semaphore_mem>>)
    } else {
    }
    %scan3A = arith.constant 0 : i32
    %scan3A_13 = arith.constant 0 : i32
    %scan3A_14 = arith.constant 78 : i32
    %scan3A_15 = arith.addi %scan3A_13, %scan3A_14 : i32
    %scan3A_16 = arith.constant 1 : i32
    scf.for %scan3A_50 = %scan3A_13 to %scan3A_15 step %scan3A_16  : i32 {
      %mul3A_51 = arith.constant 2 : i32
      %mul3A_52 = arith.muli %scan3A_50, %mul3A_51 : i32
      %add3A_53 = arith.constant 0 : i32
      %add3A_54 = arith.addi %mul3A_52, %add3A_53 : i32
      %mul3A_55 = arith.constant 128 : i32
      %mul3A_56 = arith.muli %add3A_54, %mul3A_55 : i32
      %add3A_57 = arith.addi %mul3A_2, %mul3A_56 : i32
      %add3A_58 = arith.constant 1 : i32
      %add3A_59 = arith.addi %add3A_54, %add3A_58 : i32
      %lt3A = arith.constant 156 : i32
      %lt3A_60 = arith.cmpi slt, %add3A_59, %lt3A : i32
      %convert_element_type3A_61 = arith.extui %lt3A_60 : i1 to i32
      %cond3A_62 = arith.constant 0 : i32
      %cond3A_63 = arith.cmpi ne, %convert_element_type3A_61, %cond3A_62 : i32
      scf.if %cond3A_63 {
        %add3A_93 = arith.constant 128 : i32
        %add3A_94 = arith.addi %add3A_57, %add3A_93 : i32
        %dma_start3A_95 = arith.constant 0 : i32
        %dma_start3A_96 = tpu.memref_slice %arg2[%add3A_94, %dma_start3A_95] : memref<320000x128xf32, #tpu.memory_space<hbm>> -> memref<128x128xf32, #tpu.memory_space<hbm>>
        %dma_start3A_97 = arith.constant 0 : i32
        %dma_start3A_98 = tpu.memref_slice %arg2[%add3A_94, %dma_start3A_97] : memref<320000x128xf32, #tpu.memory_space<hbm>> -> memref<128x128xf32, #tpu.memory_space<hbm>>
        tpu.enqueue_dma source(%dma_start3A_98 : memref<128x128xf32, #tpu.memory_space<hbm>>) target(%arg16 : memref<128x128xf32, #tpu.memory_space<vmem>>) target_semaphore(%arg20 : memref<!tpu.dma_semaphore, #tpu.memory_space<semaphore_mem>>)
        %eq3A_99 = arith.constant 0 : i32
        %eq3A_100 = arith.cmpi eq, %arg0, %eq3A_99 : i32
        %convert_element_type3A_101 = arith.extui %eq3A_100 : i1 to i32
        %cond3A_102 = arith.constant 0 : i32
        %cond3A_103 = arith.cmpi ne, %convert_element_type3A_101, %cond3A_102 : i32
        scf.if %cond3A_103 {
          %dma_start3A_109 = tpu.memref_slice %arg3[%add3A_94] : memref<320000xi32, #tpu.memory_space<hbm>> -> memref<128xi32, #tpu.memory_space<hbm>>
          %dma_start3A_110 = tpu.memref_slice %arg3[%add3A_94] : memref<320000xi32, #tpu.memory_space<hbm>> -> memref<128xi32, #tpu.memory_space<hbm>>
          tpu.enqueue_dma source(%dma_start3A_110 : memref<128xi32, #tpu.memory_space<hbm>>) target(%arg12 : memref<128xi32, #tpu.memory_space<vmem>>) target_semaphore(%arg20 : memref<!tpu.dma_semaphore, #tpu.memory_space<semaphore_mem>>)
          %dma_start3A_111 = tpu.memref_slice %arg4[%add3A_94] : memref<320000xi32, #tpu.memory_space<hbm>> -> memref<128xi32, #tpu.memory_space<hbm>>
          %dma_start3A_112 = tpu.memref_slice %arg4[%add3A_94] : memref<320000xi32, #tpu.memory_space<hbm>> -> memref<128xi32, #tpu.memory_space<hbm>>
          tpu.enqueue_dma source(%dma_start3A_112 : memref<128xi32, #tpu.memory_space<hbm>>) target(%arg14 : memref<128xi32, #tpu.memory_space<vmem>>) target_semaphore(%arg20 : memref<!tpu.dma_semaphore, #tpu.memory_space<semaphore_mem>>)
        } else {
        }
        %eq3A_104 = arith.constant 1 : i32
        %eq3A_105 = arith.cmpi eq, %arg0, %eq3A_104 : i32
        %convert_element_type3A_106 = arith.extui %eq3A_105 : i1 to i32
        %cond3A_107 = arith.constant 0 : i32
        %cond3A_108 = arith.cmpi ne, %convert_element_type3A_106, %cond3A_107 : i32
        scf.if %cond3A_108 {
          %dma_start3A_109 = tpu.memref_slice %arg5[%add3A_94] : memref<320000xi32, #tpu.memory_space<hbm>> -> memref<128xi32, #tpu.memory_space<hbm>>
          %dma_start3A_110 = tpu.memref_slice %arg5[%add3A_94] : memref<320000xi32, #tpu.memory_space<hbm>> -> memref<128xi32, #tpu.memory_space<hbm>>
          tpu.enqueue_dma source(%dma_start3A_110 : memref<128xi32, #tpu.memory_space<hbm>>) target(%arg12 : memref<128xi32, #tpu.memory_space<vmem>>) target_semaphore(%arg20 : memref<!tpu.dma_semaphore, #tpu.memory_space<semaphore_mem>>)
          %dma_start3A_111 = tpu.memref_slice %arg6[%add3A_94] : memref<320000xi32, #tpu.memory_space<hbm>> -> memref<128xi32, #tpu.memory_space<hbm>>
          %dma_start3A_112 = tpu.memref_slice %arg6[%add3A_94] : memref<320000xi32, #tpu.memory_space<hbm>> -> memref<128xi32, #tpu.memory_space<hbm>>
          tpu.enqueue_dma source(%dma_start3A_112 : memref<128xi32, #tpu.memory_space<hbm>>) target(%arg14 : memref<128xi32, #tpu.memory_space<vmem>>) target_semaphore(%arg20 : memref<!tpu.dma_semaphore, #tpu.memory_space<semaphore_mem>>)
        } else {
        }
      } else {
      }
      %dma_wait3A = arith.constant 0 : i32
      %dma_wait3A_64 = tpu.memref_slice %arg2[%add3A_57, %dma_wait3A] : memref<320000x128xf32, #tpu.memory_space<hbm>> -> memref<128x128xf32, #tpu.memory_space<hbm>>
      %dma_wait3A_65 = arith.constant 0 : i32
      %dma_wait3A_66 = tpu.memref_slice %arg2[%add3A_57, %dma_wait3A_65] : memref<320000x128xf32, #tpu.memory_space<hbm>> -> memref<128x128xf32, #tpu.memory_space<hbm>>
      tpu.wait_dma2 semaphore(%arg19 : memref<!tpu.dma_semaphore, #tpu.memory_space<semaphore_mem>>) src(%dma_wait3A_66 : memref<128x128xf32, #tpu.memory_space<hbm>>) dst(%arg15 : memref<128x128xf32, #tpu.memory_space<vmem>>)
      %dma_wait3A_67 = tpu.memref_slice %arg3[%add3A_57] : memref<320000xi32, #tpu.memory_space<hbm>> -> memref<128xi32, #tpu.memory_space<hbm>>
      %dma_wait3A_68 = tpu.memref_slice %arg3[%add3A_57] : memref<320000xi32, #tpu.memory_space<hbm>> -> memref<128xi32, #tpu.memory_space<hbm>>
      tpu.wait_dma2 semaphore(%arg19 : memref<!tpu.dma_semaphore, #tpu.memory_space<semaphore_mem>>) src(%dma_wait3A_68 : memref<128xi32, #tpu.memory_space<hbm>>) dst(%arg11 : memref<128xi32, #tpu.memory_space<vmem>>)
      %dma_wait3A_69 = tpu.memref_slice %arg4[%add3A_57] : memref<320000xi32, #tpu.memory_space<hbm>> -> memref<128xi32, #tpu.memory_space<hbm>>
      %dma_wait3A_70 = tpu.memref_slice %arg4[%add3A_57] : memref<320000xi32, #tpu.memory_space<hbm>> -> memref<128xi32, #tpu.memory_space<hbm>>
      tpu.wait_dma2 semaphore(%arg19 : memref<!tpu.dma_semaphore, #tpu.memory_space<semaphore_mem>>) src(%dma_wait3A_70 : memref<128xi32, #tpu.memory_space<hbm>>) dst(%arg13 : memref<128xi32, #tpu.memory_space<vmem>>)
      "tpu.region"() ({
        %run_scoped3A = tpu.sem_alloc : memref<!tpu.dma_semaphore, #tpu.memory_space<semaphore_mem>>
        %dma_start3A_93 = arith.constant 0 : i32
        %dma_start3A_94 = arith.constant 0 : i32
        %dma_start3A_95 = tpu.memref_slice %arg10[%dma_start3A_93, %dma_start3A_94] : memref<5248x128xf32, #tpu.memory_space<vmem_shared>> -> memref<5248x128xf32, #tpu.memory_space<vmem_shared>>
        tpu.enqueue_indirect_dma source(%arg15 : memref<128x128xf32, #tpu.memory_space<vmem>>) target(%dma_start3A_95 : memref<5248x128xf32, #tpu.memory_space<vmem_shared>>) offsets(%arg11 : memref<128xi32, #tpu.memory_space<vmem>>) semaphore(%run_scoped3A : memref<!tpu.dma_semaphore, #tpu.memory_space<semaphore_mem>>) {add = true}
        %dma_wait3A_96 = arith.constant 0 : i32
        %dma_wait3A_97 = arith.constant 0 : i32
        %dma_wait3A_98 = tpu.memref_slice %arg10[%dma_wait3A_96, %dma_wait3A_97] : memref<5248x128xf32, #tpu.memory_space<vmem_shared>> -> memref<5248x128xf32, #tpu.memory_space<vmem_shared>>
        tpu.wait_indirect_dma semaphore(%run_scoped3A : memref<!tpu.dma_semaphore, #tpu.memory_space<semaphore_mem>>) src(%arg15 : memref<128x128xf32, #tpu.memory_space<vmem>>) dst(%dma_wait3A_98 : memref<5248x128xf32, #tpu.memory_space<vmem_shared>>)
        tpu.yield
      }) : () -> ()
      "tpu.region"() ({
        %run_scoped3A = tpu.sem_alloc : memref<!tpu.dma_semaphore, #tpu.memory_space<semaphore_mem>>
        %dma_start3A_93 = arith.constant 0 : i32
        %dma_start3A_94 = arith.constant 0 : i32
        %dma_start3A_95 = tpu.memref_slice %arg10[%dma_start3A_93, %dma_start3A_94] : memref<5248x128xf32, #tpu.memory_space<vmem_shared>> -> memref<5248x128xf32, #tpu.memory_space<vmem_shared>>
        tpu.enqueue_indirect_dma source(%arg15 : memref<128x128xf32, #tpu.memory_space<vmem>>) target(%dma_start3A_95 : memref<5248x128xf32, #tpu.memory_space<vmem_shared>>) offsets(%arg13 : memref<128xi32, #tpu.memory_space<vmem>>) semaphore(%run_scoped3A : memref<!tpu.dma_semaphore, #tpu.memory_space<semaphore_mem>>) {add = true}
        %dma_wait3A_96 = arith.constant 0 : i32
        %dma_wait3A_97 = arith.constant 0 : i32
        %dma_wait3A_98 = tpu.memref_slice %arg10[%dma_wait3A_96, %dma_wait3A_97] : memref<5248x128xf32, #tpu.memory_space<vmem_shared>> -> memref<5248x128xf32, #tpu.memory_space<vmem_shared>>
        tpu.wait_indirect_dma semaphore(%run_scoped3A : memref<!tpu.dma_semaphore, #tpu.memory_space<semaphore_mem>>) src(%arg15 : memref<128x128xf32, #tpu.memory_space<vmem>>) dst(%dma_wait3A_98 : memref<5248x128xf32, #tpu.memory_space<vmem_shared>>)
        tpu.yield
      }) : () -> ()
      %mul3A_71 = arith.constant 2 : i32
      %mul3A_72 = arith.muli %scan3A_50, %mul3A_71 : i32
      %add3A_73 = arith.constant 1 : i32
      %add3A_74 = arith.addi %mul3A_72, %add3A_73 : i32
      %mul3A_75 = arith.constant 128 : i32
      %mul3A_76 = arith.muli %add3A_74, %mul3A_75 : i32
      %add3A_77 = arith.addi %mul3A_2, %mul3A_76 : i32
      %add3A_78 = arith.constant 1 : i32
      %add3A_79 = arith.addi %add3A_74, %add3A_78 : i32
      %lt3A_80 = arith.constant 156 : i32
      %lt3A_81 = arith.cmpi slt, %add3A_79, %lt3A_80 : i32
      %convert_element_type3A_82 = arith.extui %lt3A_81 : i1 to i32
      %cond3A_83 = arith.constant 0 : i32
      %cond3A_84 = arith.cmpi ne, %convert_element_type3A_82, %cond3A_83 : i32
      scf.if %cond3A_84 {
        %add3A_93 = arith.constant 128 : i32
        %add3A_94 = arith.addi %add3A_77, %add3A_93 : i32
        %dma_start3A_95 = arith.constant 0 : i32
        %dma_start3A_96 = tpu.memref_slice %arg2[%add3A_94, %dma_start3A_95] : memref<320000x128xf32, #tpu.memory_space<hbm>> -> memref<128x128xf32, #tpu.memory_space<hbm>>
        %dma_start3A_97 = arith.constant 0 : i32
        %dma_start3A_98 = tpu.memref_slice %arg2[%add3A_94, %dma_start3A_97] : memref<320000x128xf32, #tpu.memory_space<hbm>> -> memref<128x128xf32, #tpu.memory_space<hbm>>
        tpu.enqueue_dma source(%dma_start3A_98 : memref<128x128xf32, #tpu.memory_space<hbm>>) target(%arg15 : memref<128x128xf32, #tpu.memory_space<vmem>>) target_semaphore(%arg19 : memref<!tpu.dma_semaphore, #tpu.memory_space<semaphore_mem>>)
        %eq3A_99 = arith.constant 0 : i32
        %eq3A_100 = arith.cmpi eq, %arg0, %eq3A_99 : i32
        %convert_element_type3A_101 = arith.extui %eq3A_100 : i1 to i32
        %cond3A_102 = arith.constant 0 : i32
        %cond3A_103 = arith.cmpi ne, %convert_element_type3A_101, %cond3A_102 : i32
        scf.if %cond3A_103 {
          %dma_start3A_109 = tpu.memref_slice %arg3[%add3A_94] : memref<320000xi32, #tpu.memory_space<hbm>> -> memref<128xi32, #tpu.memory_space<hbm>>
          %dma_start3A_110 = tpu.memref_slice %arg3[%add3A_94] : memref<320000xi32, #tpu.memory_space<hbm>> -> memref<128xi32, #tpu.memory_space<hbm>>
          tpu.enqueue_dma source(%dma_start3A_110 : memref<128xi32, #tpu.memory_space<hbm>>) target(%arg11 : memref<128xi32, #tpu.memory_space<vmem>>) target_semaphore(%arg19 : memref<!tpu.dma_semaphore, #tpu.memory_space<semaphore_mem>>)
          %dma_start3A_111 = tpu.memref_slice %arg4[%add3A_94] : memref<320000xi32, #tpu.memory_space<hbm>> -> memref<128xi32, #tpu.memory_space<hbm>>
          %dma_start3A_112 = tpu.memref_slice %arg4[%add3A_94] : memref<320000xi32, #tpu.memory_space<hbm>> -> memref<128xi32, #tpu.memory_space<hbm>>
          tpu.enqueue_dma source(%dma_start3A_112 : memref<128xi32, #tpu.memory_space<hbm>>) target(%arg13 : memref<128xi32, #tpu.memory_space<vmem>>) target_semaphore(%arg19 : memref<!tpu.dma_semaphore, #tpu.memory_space<semaphore_mem>>)
        } else {
        }
        %eq3A_104 = arith.constant 1 : i32
        %eq3A_105 = arith.cmpi eq, %arg0, %eq3A_104 : i32
        %convert_element_type3A_106 = arith.extui %eq3A_105 : i1 to i32
        %cond3A_107 = arith.constant 0 : i32
        %cond3A_108 = arith.cmpi ne, %convert_element_type3A_106, %cond3A_107 : i32
        scf.if %cond3A_108 {
          %dma_start3A_109 = tpu.memref_slice %arg5[%add3A_94] : memref<320000xi32, #tpu.memory_space<hbm>> -> memref<128xi32, #tpu.memory_space<hbm>>
          %dma_start3A_110 = tpu.memref_slice %arg5[%add3A_94] : memref<320000xi32, #tpu.memory_space<hbm>> -> memref<128xi32, #tpu.memory_space<hbm>>
          tpu.enqueue_dma source(%dma_start3A_110 : memref<128xi32, #tpu.memory_space<hbm>>) target(%arg11 : memref<128xi32, #tpu.memory_space<vmem>>) target_semaphore(%arg19 : memref<!tpu.dma_semaphore, #tpu.memory_space<semaphore_mem>>)
          %dma_start3A_111 = tpu.memref_slice %arg6[%add3A_94] : memref<320000xi32, #tpu.memory_space<hbm>> -> memref<128xi32, #tpu.memory_space<hbm>>
          %dma_start3A_112 = tpu.memref_slice %arg6[%add3A_94] : memref<320000xi32, #tpu.memory_space<hbm>> -> memref<128xi32, #tpu.memory_space<hbm>>
          tpu.enqueue_dma source(%dma_start3A_112 : memref<128xi32, #tpu.memory_space<hbm>>) target(%arg13 : memref<128xi32, #tpu.memory_space<vmem>>) target_semaphore(%arg19 : memref<!tpu.dma_semaphore, #tpu.memory_space<semaphore_mem>>)
        } else {
        }
      } else {
      }
      %dma_wait3A_85 = arith.constant 0 : i32
      %dma_wait3A_86 = tpu.memref_slice %arg2[%add3A_77, %dma_wait3A_85] : memref<320000x128xf32, #tpu.memory_space<hbm>> -> memref<128x128xf32, #tpu.memory_space<hbm>>
      %dma_wait3A_87 = arith.constant 0 : i32
      %dma_wait3A_88 = tpu.memref_slice %arg2[%add3A_77, %dma_wait3A_87] : memref<320000x128xf32, #tpu.memory_space<hbm>> -> memref<128x128xf32, #tpu.memory_space<hbm>>
      tpu.wait_dma2 semaphore(%arg20 : memref<!tpu.dma_semaphore, #tpu.memory_space<semaphore_mem>>) src(%dma_wait3A_88 : memref<128x128xf32, #tpu.memory_space<hbm>>) dst(%arg16 : memref<128x128xf32, #tpu.memory_space<vmem>>)
      %dma_wait3A_89 = tpu.memref_slice %arg3[%add3A_77] : memref<320000xi32, #tpu.memory_space<hbm>> -> memref<128xi32, #tpu.memory_space<hbm>>
      %dma_wait3A_90 = tpu.memref_slice %arg3[%add3A_77] : memref<320000xi32, #tpu.memory_space<hbm>> -> memref<128xi32, #tpu.memory_space<hbm>>
      tpu.wait_dma2 semaphore(%arg20 : memref<!tpu.dma_semaphore, #tpu.memory_space<semaphore_mem>>) src(%dma_wait3A_90 : memref<128xi32, #tpu.memory_space<hbm>>) dst(%arg12 : memref<128xi32, #tpu.memory_space<vmem>>)
      %dma_wait3A_91 = tpu.memref_slice %arg4[%add3A_77] : memref<320000xi32, #tpu.memory_space<hbm>> -> memref<128xi32, #tpu.memory_space<hbm>>
      %dma_wait3A_92 = tpu.memref_slice %arg4[%add3A_77] : memref<320000xi32, #tpu.memory_space<hbm>> -> memref<128xi32, #tpu.memory_space<hbm>>
      tpu.wait_dma2 semaphore(%arg20 : memref<!tpu.dma_semaphore, #tpu.memory_space<semaphore_mem>>) src(%dma_wait3A_92 : memref<128xi32, #tpu.memory_space<hbm>>) dst(%arg14 : memref<128xi32, #tpu.memory_space<vmem>>)
      "tpu.region"() ({
        %run_scoped3A = tpu.sem_alloc : memref<!tpu.dma_semaphore, #tpu.memory_space<semaphore_mem>>
        %dma_start3A_93 = arith.constant 0 : i32
        %dma_start3A_94 = arith.constant 0 : i32
        %dma_start3A_95 = tpu.memref_slice %arg10[%dma_start3A_93, %dma_start3A_94] : memref<5248x128xf32, #tpu.memory_space<vmem_shared>> -> memref<5248x128xf32, #tpu.memory_space<vmem_shared>>
        tpu.enqueue_indirect_dma source(%arg16 : memref<128x128xf32, #tpu.memory_space<vmem>>) target(%dma_start3A_95 : memref<5248x128xf32, #tpu.memory_space<vmem_shared>>) offsets(%arg12 : memref<128xi32, #tpu.memory_space<vmem>>) semaphore(%run_scoped3A : memref<!tpu.dma_semaphore, #tpu.memory_space<semaphore_mem>>) {add = true}
        %dma_wait3A_96 = arith.constant 0 : i32
        %dma_wait3A_97 = arith.constant 0 : i32
        %dma_wait3A_98 = tpu.memref_slice %arg10[%dma_wait3A_96, %dma_wait3A_97] : memref<5248x128xf32, #tpu.memory_space<vmem_shared>> -> memref<5248x128xf32, #tpu.memory_space<vmem_shared>>
        tpu.wait_indirect_dma semaphore(%run_scoped3A : memref<!tpu.dma_semaphore, #tpu.memory_space<semaphore_mem>>) src(%arg16 : memref<128x128xf32, #tpu.memory_space<vmem>>) dst(%dma_wait3A_98 : memref<5248x128xf32, #tpu.memory_space<vmem_shared>>)
        tpu.yield
      }) : () -> ()
      "tpu.region"() ({
        %run_scoped3A = tpu.sem_alloc : memref<!tpu.dma_semaphore, #tpu.memory_space<semaphore_mem>>
        %dma_start3A_93 = arith.constant 0 : i32
        %dma_start3A_94 = arith.constant 0 : i32
        %dma_start3A_95 = tpu.memref_slice %arg10[%dma_start3A_93, %dma_start3A_94] : memref<5248x128xf32, #tpu.memory_space<vmem_shared>> -> memref<5248x128xf32, #tpu.memory_space<vmem_shared>>
        tpu.enqueue_indirect_dma source(%arg16 : memref<128x128xf32, #tpu.memory_space<vmem>>) target(%dma_start3A_95 : memref<5248x128xf32, #tpu.memory_space<vmem_shared>>) offsets(%arg14 : memref<128xi32, #tpu.memory_space<vmem>>) semaphore(%run_scoped3A : memref<!tpu.dma_semaphore, #tpu.memory_space<semaphore_mem>>) {add = true}
        %dma_wait3A_96 = arith.constant 0 : i32
        %dma_wait3A_97 = arith.constant 0 : i32
        %dma_wait3A_98 = tpu.memref_slice %arg10[%dma_wait3A_96, %dma_wait3A_97] : memref<5248x128xf32, #tpu.memory_space<vmem_shared>> -> memref<5248x128xf32, #tpu.memory_space<vmem_shared>>
        tpu.wait_indirect_dma semaphore(%run_scoped3A : memref<!tpu.dma_semaphore, #tpu.memory_space<semaphore_mem>>) src(%arg16 : memref<128x128xf32, #tpu.memory_space<vmem>>) dst(%dma_wait3A_98 : memref<5248x128xf32, #tpu.memory_space<vmem_shared>>)
        tpu.yield
      }) : () -> ()
    }
    %scan3A_17 = arith.constant 78 : i32
    %add3A = arith.constant 19968 : i32
    %add3A_18 = arith.addi %mul3A_2, %add3A : i32
    "tpu.region"() ({
      %run_scoped3A = tpu.sem_alloc : memref<!tpu.dma_semaphore, #tpu.memory_space<semaphore_mem>>
      %dma_start3A_50 = arith.constant 0 : i32
      %dma_start3A_51 = tpu.memref_slice %arg2[%add3A_18, %dma_start3A_50] : memref<320000x128xf32, #tpu.memory_space<hbm>> -> memref<32x128xf32, #tpu.memory_space<hbm>>
      %dma_start3A_52 = arith.constant 0 : i32
      %dma_start3A_53 = tpu.memref_slice %arg2[%add3A_18, %dma_start3A_52] : memref<320000x128xf32, #tpu.memory_space<hbm>> -> memref<32x128xf32, #tpu.memory_space<hbm>>
      tpu.enqueue_dma source(%dma_start3A_53 : memref<32x128xf32, #tpu.memory_space<hbm>>) target(%arg18 : memref<32x128xf32, #tpu.memory_space<vmem>>) target_semaphore(%run_scoped3A : memref<!tpu.dma_semaphore, #tpu.memory_space<semaphore_mem>>)
      %dma_wait3A = arith.constant 0 : i32
      %dma_wait3A_54 = tpu.memref_slice %arg2[%add3A_18, %dma_wait3A] : memref<320000x128xf32, #tpu.memory_space<hbm>> -> memref<32x128xf32, #tpu.memory_space<hbm>>
      %dma_wait3A_55 = arith.constant 0 : i32
      %dma_wait3A_56 = tpu.memref_slice %arg2[%add3A_18, %dma_wait3A_55] : memref<320000x128xf32, #tpu.memory_space<hbm>> -> memref<32x128xf32, #tpu.memory_space<hbm>>
      tpu.wait_dma2 semaphore(%run_scoped3A : memref<!tpu.dma_semaphore, #tpu.memory_space<semaphore_mem>>) src(%dma_wait3A_56 : memref<32x128xf32, #tpu.memory_space<hbm>>) dst(%arg18 : memref<32x128xf32, #tpu.memory_space<vmem>>)
      tpu.yield
    }) : () -> ()
    %eq3A_19 = arith.constant 0 : i32
    %eq3A_20 = arith.cmpi eq, %arg0, %eq3A_19 : i32
    %convert_element_type3A_21 = arith.extui %eq3A_20 : i1 to i32
    %cond3A_22 = arith.constant 0 : i32
    %cond3A_23 = arith.cmpi ne, %convert_element_type3A_21, %cond3A_22 : i32
    scf.if %cond3A_23 {
      "tpu.region"() ({
        %run_scoped3A = tpu.sem_alloc : memref<!tpu.dma_semaphore, #tpu.memory_space<semaphore_mem>>
        %dma_start3A_50 = tpu.memref_slice %arg3[%add3A_18] : memref<320000xi32, #tpu.memory_space<hbm>> -> memref<32xi32, #tpu.memory_space<hbm>>
        %dma_start3A_51 = tpu.memref_slice %arg3[%add3A_18] : memref<320000xi32, #tpu.memory_space<hbm>> -> memref<32xi32, #tpu.memory_space<hbm>>
        tpu.enqueue_dma source(%dma_start3A_51 : memref<32xi32, #tpu.memory_space<hbm>>) target(%arg17 : memref<32xi32, #tpu.memory_space<vmem>>) target_semaphore(%run_scoped3A : memref<!tpu.dma_semaphore, #tpu.memory_space<semaphore_mem>>)
        %dma_wait3A = tpu.memref_slice %arg3[%add3A_18] : memref<320000xi32, #tpu.memory_space<hbm>> -> memref<32xi32, #tpu.memory_space<hbm>>
        %dma_wait3A_52 = tpu.memref_slice %arg3[%add3A_18] : memref<320000xi32, #tpu.memory_space<hbm>> -> memref<32xi32, #tpu.memory_space<hbm>>
        tpu.wait_dma2 semaphore(%run_scoped3A : memref<!tpu.dma_semaphore, #tpu.memory_space<semaphore_mem>>) src(%dma_wait3A_52 : memref<32xi32, #tpu.memory_space<hbm>>) dst(%arg17 : memref<32xi32, #tpu.memory_space<vmem>>)
        tpu.yield
      }) : () -> ()
    } else {
    }
    %eq3A_24 = arith.constant 1 : i32
    %eq3A_25 = arith.cmpi eq, %arg0, %eq3A_24 : i32
    %convert_element_type3A_26 = arith.extui %eq3A_25 : i1 to i32
    %cond3A_27 = arith.constant 0 : i32
    %cond3A_28 = arith.cmpi ne, %convert_element_type3A_26, %cond3A_27 : i32
    scf.if %cond3A_28 {
      "tpu.region"() ({
        %run_scoped3A = tpu.sem_alloc : memref<!tpu.dma_semaphore, #tpu.memory_space<semaphore_mem>>
        %dma_start3A_50 = tpu.memref_slice %arg5[%add3A_18] : memref<320000xi32, #tpu.memory_space<hbm>> -> memref<32xi32, #tpu.memory_space<hbm>>
        %dma_start3A_51 = tpu.memref_slice %arg5[%add3A_18] : memref<320000xi32, #tpu.memory_space<hbm>> -> memref<32xi32, #tpu.memory_space<hbm>>
        tpu.enqueue_dma source(%dma_start3A_51 : memref<32xi32, #tpu.memory_space<hbm>>) target(%arg17 : memref<32xi32, #tpu.memory_space<vmem>>) target_semaphore(%run_scoped3A : memref<!tpu.dma_semaphore, #tpu.memory_space<semaphore_mem>>)
        %dma_wait3A = tpu.memref_slice %arg5[%add3A_18] : memref<320000xi32, #tpu.memory_space<hbm>> -> memref<32xi32, #tpu.memory_space<hbm>>
        %dma_wait3A_52 = tpu.memref_slice %arg5[%add3A_18] : memref<320000xi32, #tpu.memory_space<hbm>> -> memref<32xi32, #tpu.memory_space<hbm>>
        tpu.wait_dma2 semaphore(%run_scoped3A : memref<!tpu.dma_semaphore, #tpu.memory_space<semaphore_mem>>) src(%dma_wait3A_52 : memref<32xi32, #tpu.memory_space<hbm>>) dst(%arg17 : memref<32xi32, #tpu.memory_space<vmem>>)
        tpu.yield
      }) : () -> ()
    } else {
    }
    "tpu.region"() ({
      %run_scoped3A = tpu.sem_alloc : memref<!tpu.dma_semaphore, #tpu.memory_space<semaphore_mem>>
      %dma_start3A_50 = arith.constant 0 : i32
      %dma_start3A_51 = arith.constant 0 : i32
      %dma_start3A_52 = tpu.memref_slice %arg10[%dma_start3A_50, %dma_start3A_51] : memref<5248x128xf32, #tpu.memory_space<vmem_shared>> -> memref<5248x128xf32, #tpu.memory_space<vmem_shared>>
      tpu.enqueue_indirect_dma source(%arg18 : memref<32x128xf32, #tpu.memory_space<vmem>>) target(%dma_start3A_52 : memref<5248x128xf32, #tpu.memory_space<vmem_shared>>) offsets(%arg17 : memref<32xi32, #tpu.memory_space<vmem>>) semaphore(%run_scoped3A : memref<!tpu.dma_semaphore, #tpu.memory_space<semaphore_mem>>) {add = true}
      %dma_wait3A = arith.constant 0 : i32
      %dma_wait3A_53 = arith.constant 0 : i32
      %dma_wait3A_54 = tpu.memref_slice %arg10[%dma_wait3A, %dma_wait3A_53] : memref<5248x128xf32, #tpu.memory_space<vmem_shared>> -> memref<5248x128xf32, #tpu.memory_space<vmem_shared>>
      tpu.wait_indirect_dma semaphore(%run_scoped3A : memref<!tpu.dma_semaphore, #tpu.memory_space<semaphore_mem>>) src(%arg18 : memref<32x128xf32, #tpu.memory_space<vmem>>) dst(%dma_wait3A_54 : memref<5248x128xf32, #tpu.memory_space<vmem_shared>>)
      tpu.yield
    }) : () -> ()
    %eq3A_29 = arith.constant 0 : i32
    %eq3A_30 = arith.cmpi eq, %arg0, %eq3A_29 : i32
    %convert_element_type3A_31 = arith.extui %eq3A_30 : i1 to i32
    %cond3A_32 = arith.constant 0 : i32
    %cond3A_33 = arith.cmpi ne, %convert_element_type3A_31, %cond3A_32 : i32
    scf.if %cond3A_33 {
      "tpu.region"() ({
        %run_scoped3A = tpu.sem_alloc : memref<!tpu.dma_semaphore, #tpu.memory_space<semaphore_mem>>
        %dma_start3A_50 = tpu.memref_slice %arg4[%add3A_18] : memref<320000xi32, #tpu.memory_space<hbm>> -> memref<32xi32, #tpu.memory_space<hbm>>
        %dma_start3A_51 = tpu.memref_slice %arg4[%add3A_18] : memref<320000xi32, #tpu.memory_space<hbm>> -> memref<32xi32, #tpu.memory_space<hbm>>
        tpu.enqueue_dma source(%dma_start3A_51 : memref<32xi32, #tpu.memory_space<hbm>>) target(%arg17 : memref<32xi32, #tpu.memory_space<vmem>>) target_semaphore(%run_scoped3A : memref<!tpu.dma_semaphore, #tpu.memory_space<semaphore_mem>>)
        %dma_wait3A = tpu.memref_slice %arg4[%add3A_18] : memref<320000xi32, #tpu.memory_space<hbm>> -> memref<32xi32, #tpu.memory_space<hbm>>
        %dma_wait3A_52 = tpu.memref_slice %arg4[%add3A_18] : memref<320000xi32, #tpu.memory_space<hbm>> -> memref<32xi32, #tpu.memory_space<hbm>>
        tpu.wait_dma2 semaphore(%run_scoped3A : memref<!tpu.dma_semaphore, #tpu.memory_space<semaphore_mem>>) src(%dma_wait3A_52 : memref<32xi32, #tpu.memory_space<hbm>>) dst(%arg17 : memref<32xi32, #tpu.memory_space<vmem>>)
        tpu.yield
      }) : () -> ()
    } else {
    }
    %eq3A_34 = arith.constant 1 : i32
    %eq3A_35 = arith.cmpi eq, %arg0, %eq3A_34 : i32
    %convert_element_type3A_36 = arith.extui %eq3A_35 : i1 to i32
    %cond3A_37 = arith.constant 0 : i32
    %cond3A_38 = arith.cmpi ne, %convert_element_type3A_36, %cond3A_37 : i32
    scf.if %cond3A_38 {
      "tpu.region"() ({
        %run_scoped3A = tpu.sem_alloc : memref<!tpu.dma_semaphore, #tpu.memory_space<semaphore_mem>>
        %dma_start3A_50 = tpu.memref_slice %arg6[%add3A_18] : memref<320000xi32, #tpu.memory_space<hbm>> -> memref<32xi32, #tpu.memory_space<hbm>>
        %dma_start3A_51 = tpu.memref_slice %arg6[%add3A_18] : memref<320000xi32, #tpu.memory_space<hbm>> -> memref<32xi32, #tpu.memory_space<hbm>>
        tpu.enqueue_dma source(%dma_start3A_51 : memref<32xi32, #tpu.memory_space<hbm>>) target(%arg17 : memref<32xi32, #tpu.memory_space<vmem>>) target_semaphore(%run_scoped3A : memref<!tpu.dma_semaphore, #tpu.memory_space<semaphore_mem>>)
        %dma_wait3A = tpu.memref_slice %arg6[%add3A_18] : memref<320000xi32, #tpu.memory_space<hbm>> -> memref<32xi32, #tpu.memory_space<hbm>>
        %dma_wait3A_52 = tpu.memref_slice %arg6[%add3A_18] : memref<320000xi32, #tpu.memory_space<hbm>> -> memref<32xi32, #tpu.memory_space<hbm>>
        tpu.wait_dma2 semaphore(%run_scoped3A : memref<!tpu.dma_semaphore, #tpu.memory_space<semaphore_mem>>) src(%dma_wait3A_52 : memref<32xi32, #tpu.memory_space<hbm>>) dst(%arg17 : memref<32xi32, #tpu.memory_space<vmem>>)
        tpu.yield
      }) : () -> ()
    } else {
    }
    "tpu.region"() ({
      %run_scoped3A = tpu.sem_alloc : memref<!tpu.dma_semaphore, #tpu.memory_space<semaphore_mem>>
      %dma_start3A_50 = arith.constant 0 : i32
      %dma_start3A_51 = arith.constant 0 : i32
      %dma_start3A_52 = tpu.memref_slice %arg10[%dma_start3A_50, %dma_start3A_51] : memref<5248x128xf32, #tpu.memory_space<vmem_shared>> -> memref<5248x128xf32, #tpu.memory_space<vmem_shared>>
      tpu.enqueue_indirect_dma source(%arg18 : memref<32x128xf32, #tpu.memory_space<vmem>>) target(%dma_start3A_52 : memref<5248x128xf32, #tpu.memory_space<vmem_shared>>) offsets(%arg17 : memref<32xi32, #tpu.memory_space<vmem>>) semaphore(%run_scoped3A : memref<!tpu.dma_semaphore, #tpu.memory_space<semaphore_mem>>) {add = true}
      %dma_wait3A = arith.constant 0 : i32
      %dma_wait3A_53 = arith.constant 0 : i32
      %dma_wait3A_54 = tpu.memref_slice %arg10[%dma_wait3A, %dma_wait3A_53] : memref<5248x128xf32, #tpu.memory_space<vmem_shared>> -> memref<5248x128xf32, #tpu.memory_space<vmem_shared>>
      tpu.wait_indirect_dma semaphore(%run_scoped3A : memref<!tpu.dma_semaphore, #tpu.memory_space<semaphore_mem>>) src(%arg18 : memref<32x128xf32, #tpu.memory_space<vmem>>) dst(%dma_wait3A_54 : memref<5248x128xf32, #tpu.memory_space<vmem_shared>>)
      tpu.yield
    }) : () -> ()
    %barrier3A_39 = arith.constant 0 : index
    tpu.barrier barrier_id(%barrier3A_39)
    %eq3A_40 = arith.constant 0 : i32
    %eq3A_41 = arith.cmpi eq, %arg0, %eq3A_40 : i32
    %convert_element_type3A_42 = arith.extui %eq3A_41 : i1 to i32
    %cond3A_43 = arith.constant 0 : i32
    %cond3A_44 = arith.cmpi ne, %convert_element_type3A_42, %cond3A_43 : i32
    scf.if %cond3A_44 {
      "tpu.region"() ({
        %run_scoped3A = tpu.sem_alloc : memref<!tpu.dma_semaphore, #tpu.memory_space<semaphore_mem>>
        %dma_start3A_50 = arith.constant 0 : i32
        %dma_start3A_51 = tpu.memref_slice %arg8[%mul3A_0, %dma_start3A_50] : memref<5248x128xf32, #tpu.memory_space<hbm>> -> memref<328x128xf32, #tpu.memory_space<hbm>>
        %dma_start3A_52 = arith.constant 0 : i32
        %dma_start3A_53 = tpu.memref_slice %arg10[%mul3A_0, %dma_start3A_52] : memref<5248x128xf32, #tpu.memory_space<vmem_shared>> -> memref<328x128xf32, #tpu.memory_space<vmem_shared>>
        tpu.enqueue_dma source(%dma_start3A_53 : memref<328x128xf32, #tpu.memory_space<vmem_shared>>) target(%dma_start3A_51 : memref<328x128xf32, #tpu.memory_space<hbm>>) target_semaphore(%run_scoped3A : memref<!tpu.dma_semaphore, #tpu.memory_space<semaphore_mem>>)
        %dma_wait3A = arith.constant 0 : i32
        %dma_wait3A_54 = tpu.memref_slice %arg8[%mul3A_0, %dma_wait3A] : memref<5248x128xf32, #tpu.memory_space<hbm>> -> memref<328x128xf32, #tpu.memory_space<hbm>>
        %dma_wait3A_55 = arith.constant 0 : i32
        %dma_wait3A_56 = tpu.memref_slice %arg10[%mul3A_0, %dma_wait3A_55] : memref<5248x128xf32, #tpu.memory_space<vmem_shared>> -> memref<328x128xf32, #tpu.memory_space<vmem_shared>>
        tpu.wait_dma2 semaphore(%run_scoped3A : memref<!tpu.dma_semaphore, #tpu.memory_space<semaphore_mem>>) src(%dma_wait3A_56 : memref<328x128xf32, #tpu.memory_space<vmem_shared>>) dst(%dma_wait3A_54 : memref<328x128xf32, #tpu.memory_space<hbm>>)
        tpu.yield
      }) : () -> ()
    } else {
    }
    %eq3A_45 = arith.constant 1 : i32
    %eq3A_46 = arith.cmpi eq, %arg0, %eq3A_45 : i32
    %convert_element_type3A_47 = arith.extui %eq3A_46 : i1 to i32
    %cond3A_48 = arith.constant 0 : i32
    %cond3A_49 = arith.cmpi ne, %convert_element_type3A_47, %cond3A_48 : i32
    scf.if %cond3A_49 {
      "tpu.region"() ({
        %run_scoped3A = tpu.sem_alloc : memref<!tpu.dma_semaphore, #tpu.memory_space<semaphore_mem>>
        %dma_start3A_50 = arith.constant 0 : i32
        %dma_start3A_51 = tpu.memref_slice %arg9[%mul3A_0, %dma_start3A_50] : memref<5248x128xf32, #tpu.memory_space<hbm>> -> memref<328x128xf32, #tpu.memory_space<hbm>>
        %dma_start3A_52 = arith.constant 0 : i32
        %dma_start3A_53 = tpu.memref_slice %arg10[%mul3A_0, %dma_start3A_52] : memref<5248x128xf32, #tpu.memory_space<vmem_shared>> -> memref<328x128xf32, #tpu.memory_space<vmem_shared>>
        tpu.enqueue_dma source(%dma_start3A_53 : memref<328x128xf32, #tpu.memory_space<vmem_shared>>) target(%dma_start3A_51 : memref<328x128xf32, #tpu.memory_space<hbm>>) target_semaphore(%run_scoped3A : memref<!tpu.dma_semaphore, #tpu.memory_space<semaphore_mem>>)
        %dma_wait3A = arith.constant 0 : i32
        %dma_wait3A_54 = tpu.memref_slice %arg9[%mul3A_0, %dma_wait3A] : memref<5248x128xf32, #tpu.memory_space<hbm>> -> memref<328x128xf32, #tpu.memory_space<hbm>>
        %dma_wait3A_55 = arith.constant 0 : i32
        %dma_wait3A_56 = tpu.memref_slice %arg10[%mul3A_0, %dma_wait3A_55] : memref<5248x128xf32, #tpu.memory_space<vmem_shared>> -> memref<328x128xf32, #tpu.memory_space<vmem_shared>>
        tpu.wait_dma2 semaphore(%run_scoped3A : memref<!tpu.dma_semaphore, #tpu.memory_space<semaphore_mem>>) src(%dma_wait3A_56 : memref<328x128xf32, #tpu.memory_space<vmem_shared>>) dst(%dma_wait3A_54 : memref<328x128xf32, #tpu.memory_space<hbm>>)
        tpu.yield
      }) : () -> ()
    } else {
    }
    return
  }
}

module attributes {stable_mosaic.version = 14 : i64} {
  func.func @_prep_body(%arg0: i32, %arg1: memref<1024x128xf32, #tpu.memory_space<vmem>>, %arg2: memref<128x128xf32, #tpu.memory_space<vmem>>, %arg3: memref<128x128xf32, #tpu.memory_space<vmem>>, %arg4: memref<1024x128xf32, #tpu.memory_space<vmem>>, %arg5: memref<1024x128xf32, #tpu.memory_space<vmem>>) attributes {dimension_semantics = [#tpu.dimension_semantics<parallel>], iteration_bounds = array<i64: 10>, scalar_prefetch = 0 : i64, scratch_operands = 0 : i64, tpu.core_type = #tpu.core_type<tc>, window_params = [{transform_indices = @transform_0, window_bounds = array<i64: 1024, 128>}, {pipeline_mode = #tpu.pipeline_mode<synchronous>, transform_indices = @transform_1, window_bounds = array<i64: 128, 128>}, {pipeline_mode = #tpu.pipeline_mode<synchronous>, transform_indices = @transform_2, window_bounds = array<i64: 128, 128>}, {transform_indices = @transform_3, window_bounds = array<i64: 1024, 128>}, {transform_indices = @transform_4, window_bounds = array<i64: 1024, 128>}]} {
    %get3A = arith.constant 0 : index
    %get3A_0 = arith.constant 0 : index
    %get3A_1 = vector.load %arg1[%get3A, %get3A_0] : memref<1024x128xf32, #tpu.memory_space<vmem>>, vector<1024x128xf32>
    %get3A_2 = arith.constant 0 : index
    %get3A_3 = arith.constant 0 : index
    %get3A_4 = vector.load %arg2[%get3A_2, %get3A_3] : memref<128x128xf32, #tpu.memory_space<vmem>>, vector<128x128xf32>
    %dot_general3A = arith.constant dense<0.000000e+00> : vector<1024x128xf32>
    %dot_general3A_5 = tpu.matmul %get3A_1, %get3A_4, %dot_general3A {dimension_numbers = #tpu.dot_dimension_numbers<[1], [0], [0], [1], [0, 0, 1, 1], [], []>, transpose_lhs_hint = false} : vector<1024x128xf32>, vector<128x128xf32>, vector<1024x128xf32> -> vector<1024x128xf32>
    %swap3A = arith.constant 0 : index
    %swap3A_6 = arith.constant 0 : index
    %swap3A_7 = vector.load %arg4[%swap3A, %swap3A_6] : memref<1024x128xf32, #tpu.memory_space<vmem>>, vector<1024x128xf32>
    tpu.vector_store %arg4[%swap3A, %swap3A_6], %dot_general3A_5 {strides = array<i32>} : memref<1024x128xf32, #tpu.memory_space<vmem>>, vector<1024x128xf32>,
    %get3A_8 = arith.constant 0 : index
    %get3A_9 = arith.constant 0 : index
    %get3A_10 = vector.load %arg3[%get3A_8, %get3A_9] : memref<128x128xf32, #tpu.memory_space<vmem>>, vector<128x128xf32>
    %dot_general3A_11 = arith.constant dense<0.000000e+00> : vector<1024x128xf32>
    %dot_general3A_12 = tpu.matmul %get3A_1, %get3A_10, %dot_general3A_11 {dimension_numbers = #tpu.dot_dimension_numbers<[1], [0], [0], [1], [0, 0, 1, 1], [], []>, transpose_lhs_hint = false} : vector<1024x128xf32>, vector<128x128xf32>, vector<1024x128xf32> -> vector<1024x128xf32>
    %swap3A_13 = arith.constant 0 : index
    %swap3A_14 = arith.constant 0 : index
    %swap3A_15 = vector.load %arg5[%swap3A_13, %swap3A_14] : memref<1024x128xf32, #tpu.memory_space<vmem>>, vector<1024x128xf32>
    tpu.vector_store %arg5[%swap3A_13, %swap3A_14], %dot_general3A_12 {strides = array<i32>} : memref<1024x128xf32, #tpu.memory_space<vmem>>, vector<1024x128xf32>,
    return
  }
  func.func @transform_0(%arg0: i32) -> (i32, i32) {
    %c0_i32 = arith.constant 0 : i32
    %c0_i32_0 = arith.constant 0 : i32
    return %arg0, %c0_i32 : i32, i32
  }
  func.func @transform_1(%arg0: i32) -> (i32, i32) {
    %c0_i32 = arith.constant 0 : i32
    %c0_i32_0 = arith.constant 0 : i32
    %c0_i32_1 = arith.constant 0 : i32
    return %c0_i32, %c0_i32_0 : i32, i32
  }
  func.func @transform_2(%arg0: i32) -> (i32, i32) {
    %c0_i32 = arith.constant 0 : i32
    %c0_i32_0 = arith.constant 0 : i32
    %c0_i32_1 = arith.constant 0 : i32
    return %c0_i32, %c0_i32_0 : i32, i32
  }
  func.func @transform_3(%arg0: i32) -> (i32, i32) {
    %c0_i32 = arith.constant 0 : i32
    %c0_i32_0 = arith.constant 0 : i32
    return %arg0, %c0_i32 : i32, i32
  }
  func.func @transform_4(%arg0: i32) -> (i32, i32) {
    %c0_i32 = arith.constant 0 : i32
    %c0_i32_0 = arith.constant 0 : i32
    return %arg0, %c0_i32 : i32, i32
  }
}

module attributes {stable_mosaic.version = 14 : i64} {
  func.func @_q_body(%arg0: memref<1x768xf32, #tpu.memory_space<vmem>>, %arg1: memref<768x128xf32, #tpu.memory_space<vmem>>, %arg2: memref<1x128xf32, #tpu.memory_space<vmem>>, %arg3: memref<128x128xf32, #tpu.memory_space<vmem>>, %arg4: memref<1x128xf32, #tpu.memory_space<vmem>>, %arg5: memref<128x128xf32, #tpu.memory_space<vmem>>, %arg6: memref<1x128xf32, #tpu.memory_space<vmem>>, %arg7: memref<1x128xf32, #tpu.memory_space<vmem>>, %arg8: memref<1x128xf32, #tpu.memory_space<vmem>>) attributes {dimension_semantics = [], scalar_prefetch = 0 : i64, scratch_operands = 0 : i64, tpu.core_type = #tpu.core_type<tc>} {
    %get3A = arith.constant 0 : index
    %get3A_0 = arith.constant 0 : index
    %get3A_1 = vector.load %arg0[%get3A, %get3A_0] : memref<1x768xf32, #tpu.memory_space<vmem>>, vector<1x768xf32>
    %get3A_2 = arith.constant 0 : index
    %get3A_3 = arith.constant 0 : index
    %get3A_4 = vector.load %arg1[%get3A_2, %get3A_3] : memref<768x128xf32, #tpu.memory_space<vmem>>, vector<768x128xf32>
    %dot_general3A = arith.constant dense<0.000000e+00> : vector<1x128xf32>
    %dot_general3A_5 = tpu.matmul %get3A_1, %get3A_4, %dot_general3A {dimension_numbers = #tpu.dot_dimension_numbers<[1], [0], [0], [1], [0, 0, 1, 1], [], []>, transpose_lhs_hint = false} : vector<1x768xf32>, vector<768x128xf32>, vector<1x128xf32> -> vector<1x128xf32>
    %get3A_6 = arith.constant 0 : index
    %get3A_7 = arith.constant 0 : index
    %get3A_8 = vector.load %arg2[%get3A_6, %get3A_7] : memref<1x128xf32, #tpu.memory_space<vmem>>, vector<1x128xf32>
    %add3A = arith.addf %dot_general3A_5, %get3A_8 : vector<1x128xf32>
    %get3A_9 = arith.constant 0 : index
    %get3A_10 = arith.constant 0 : index
    %get3A_11 = vector.load %arg3[%get3A_9, %get3A_10] : memref<128x128xf32, #tpu.memory_space<vmem>>, vector<128x128xf32>
    %dot_general3A_12 = arith.constant dense<0.000000e+00> : vector<1x128xf32>
    %dot_general3A_13 = tpu.matmul %add3A, %get3A_11, %dot_general3A_12 {dimension_numbers = #tpu.dot_dimension_numbers<[1], [0], [0], [1], [0, 0, 1, 1], [], []>, transpose_lhs_hint = false} : vector<1x128xf32>, vector<128x128xf32>, vector<1x128xf32> -> vector<1x128xf32>
    %get3A_14 = arith.constant 0 : index
    %get3A_15 = arith.constant 0 : index
    %get3A_16 = vector.load %arg4[%get3A_14, %get3A_15] : memref<1x128xf32, #tpu.memory_space<vmem>>, vector<1x128xf32>
    %add3A_17 = arith.addf %dot_general3A_13, %get3A_16 : vector<1x128xf32>
    %swap3A = arith.constant 0 : index
    %swap3A_18 = arith.constant 0 : index
    %swap3A_19 = vector.load %arg7[%swap3A, %swap3A_18] : memref<1x128xf32, #tpu.memory_space<vmem>>, vector<1x128xf32>
    tpu.vector_store %arg7[%swap3A, %swap3A_18], %add3A_17 {strides = array<i32>} : memref<1x128xf32, #tpu.memory_space<vmem>>, vector<1x128xf32>,
    %get3A_20 = arith.constant 0 : index
    %get3A_21 = arith.constant 0 : index
    %get3A_22 = vector.load %arg5[%get3A_20, %get3A_21] : memref<128x128xf32, #tpu.memory_space<vmem>>, vector<128x128xf32>
    %dot_general3A_23 = arith.constant dense<0.000000e+00> : vector<1x128xf32>
    %dot_general3A_24 = tpu.matmul %add3A, %get3A_22, %dot_general3A_23 {dimension_numbers = #tpu.dot_dimension_numbers<[1], [0], [0], [1], [0, 0, 1, 1], [], []>, transpose_lhs_hint = false} : vector<1x128xf32>, vector<128x128xf32>, vector<1x128xf32> -> vector<1x128xf32>
    %get3A_25 = arith.constant 0 : index
    %get3A_26 = arith.constant 0 : index
    %get3A_27 = vector.load %arg6[%get3A_25, %get3A_26] : memref<1x128xf32, #tpu.memory_space<vmem>>, vector<1x128xf32>
    %add3A_28 = arith.addf %dot_general3A_24, %get3A_27 : vector<1x128xf32>
    %swap3A_29 = arith.constant 0 : index
    %swap3A_30 = arith.constant 0 : index
    %swap3A_31 = vector.load %arg8[%swap3A_29, %swap3A_30] : memref<1x128xf32, #tpu.memory_space<vmem>>, vector<1x128xf32>
    tpu.vector_store %arg8[%swap3A_29, %swap3A_30], %add3A_28 {strides = array<i32>} : memref<1x128xf32, #tpu.memory_space<vmem>>, vector<1x128xf32>,
    return
  }
}

module attributes {stable_mosaic.version = 14 : i64} {
  func.func @_edge_body(%arg0: i32, %arg1: memref<2000x128xf32, #tpu.memory_space<vmem>>, %arg2: memref<2000x128xf32, #tpu.memory_space<vmem>>, %arg3: memref<2000x128xf32, #tpu.memory_space<vmem>>, %arg4: memref<128x128xf32, #tpu.memory_space<vmem>>, %arg5: memref<128x128xf32, #tpu.memory_space<vmem>>, %arg6: memref<1x128xf32, #tpu.memory_space<vmem>>, %arg7: memref<1x128xf32, #tpu.memory_space<vmem>>, %arg8: memref<2000x128xf32, #tpu.memory_space<vmem>>) attributes {dimension_semantics = [#tpu.dimension_semantics<parallel>], iteration_bounds = array<i64: 160>, scalar_prefetch = 0 : i64, scratch_operands = 0 : i64, tpu.core_type = #tpu.core_type<tc>, window_params = [{transform_indices = @transform_0, window_bounds = array<i64: 2000, 128>}, {transform_indices = @transform_1, window_bounds = array<i64: 2000, 128>}, {transform_indices = @transform_2, window_bounds = array<i64: 2000, 128>}, {pipeline_mode = #tpu.pipeline_mode<synchronous>, transform_indices = @transform_3, window_bounds = array<i64: 128, 128>}, {pipeline_mode = #tpu.pipeline_mode<synchronous>, transform_indices = @transform_4, window_bounds = array<i64: 128, 128>}, {pipeline_mode = #tpu.pipeline_mode<synchronous>, transform_indices = @transform_5, window_bounds = array<i64: 1, 128>}, {pipeline_mode = #tpu.pipeline_mode<synchronous>, transform_indices = @transform_6, window_bounds = array<i64: 1, 128>}, {transform_indices = @transform_7, window_bounds = array<i64: 2000, 128>}]} {
    %get3A = arith.constant 0 : index
    %get3A_0 = arith.constant 0 : index
    %get3A_1 = vector.load %arg1[%get3A, %get3A_0] : memref<2000x128xf32, #tpu.memory_space<vmem>>, vector<2000x128xf32>
    %get3A_2 = arith.constant 0 : index
    %get3A_3 = arith.constant 0 : index
    %get3A_4 = vector.load %arg2[%get3A_2, %get3A_3] : memref<2000x128xf32, #tpu.memory_space<vmem>>, vector<2000x128xf32>
    %add3A = arith.addf %get3A_1, %get3A_4 : vector<2000x128xf32>
    %get3A_5 = arith.constant 0 : index
    %get3A_6 = arith.constant 0 : index
    %get3A_7 = vector.load %arg6[%get3A_5, %get3A_6] : memref<1x128xf32, #tpu.memory_space<vmem>>, vector<1x128xf32>
    %add3A_8 = vector.broadcast %get3A_7 : vector<1x128xf32> to vector<2000x128xf32>
    %add3A_9 = arith.addf %add3A, %add3A_8 : vector<2000x128xf32>
    %get3A_10 = arith.constant 0 : index
    %get3A_11 = arith.constant 0 : index
    %get3A_12 = vector.load %arg3[%get3A_10, %get3A_11] : memref<2000x128xf32, #tpu.memory_space<vmem>>, vector<2000x128xf32>
    %get3A_13 = arith.constant 0 : index
    %get3A_14 = arith.constant 0 : index
    %get3A_15 = vector.load %arg4[%get3A_13, %get3A_14] : memref<128x128xf32, #tpu.memory_space<vmem>>, vector<128x128xf32>
    %dot_general3A = arith.constant dense<0.000000e+00> : vector<2000x128xf32>
    %dot_general3A_16 = tpu.matmul %get3A_12, %get3A_15, %dot_general3A {dimension_numbers = #tpu.dot_dimension_numbers<[1], [0], [0], [1], [0, 0, 1, 1], [], []>, transpose_lhs_hint = false} : vector<2000x128xf32>, vector<128x128xf32>, vector<2000x128xf32> -> vector<2000x128xf32>
    %add3A_17 = arith.addf %add3A_9, %dot_general3A_16 : vector<2000x128xf32>
    %max3A = arith.constant 0.000000e+00 : f32
    %max3A_18 = vector.broadcast %max3A : f32 to vector<2000x128xf32>
    %max3A_19 = arith.maximumf %add3A_17, %max3A_18 : vector<2000x128xf32>
    %get3A_20 = arith.constant 0 : index
    %get3A_21 = arith.constant 0 : index
    %get3A_22 = vector.load %arg5[%get3A_20, %get3A_21] : memref<128x128xf32, #tpu.memory_space<vmem>>, vector<128x128xf32>
    %dot_general3A_23 = arith.constant dense<0.000000e+00> : vector<2000x128xf32>
    %dot_general3A_24 = tpu.matmul %max3A_19, %get3A_22, %dot_general3A_23 {dimension_numbers = #tpu.dot_dimension_numbers<[1], [0], [0], [1], [0, 0, 1, 1], [], []>, transpose_lhs_hint = false} : vector<2000x128xf32>, vector<128x128xf32>, vector<2000x128xf32> -> vector<2000x128xf32>
    %get3A_25 = arith.constant 0 : index
    %get3A_26 = arith.constant 0 : index
    %get3A_27 = vector.load %arg7[%get3A_25, %get3A_26] : memref<1x128xf32, #tpu.memory_space<vmem>>, vector<1x128xf32>
    %add3A_28 = vector.broadcast %get3A_27 : vector<1x128xf32> to vector<2000x128xf32>
    %add3A_29 = arith.addf %dot_general3A_24, %add3A_28 : vector<2000x128xf32>
    %swap3A = arith.constant 0 : index
    %swap3A_30 = arith.constant 0 : index
    %swap3A_31 = vector.load %arg8[%swap3A, %swap3A_30] : memref<2000x128xf32, #tpu.memory_space<vmem>>, vector<2000x128xf32>
    tpu.vector_store %arg8[%swap3A, %swap3A_30], %add3A_29 {strides = array<i32>} : memref<2000x128xf32, #tpu.memory_space<vmem>>, vector<2000x128xf32>,
    return
  }
  func.func @transform_0(%arg0: i32) -> (i32, i32) {
    %c0_i32 = arith.constant 0 : i32
    %c0_i32_0 = arith.constant 0 : i32
    return %arg0, %c0_i32 : i32, i32
  }
  func.func @transform_1(%arg0: i32) -> (i32, i32) {
    %c0_i32 = arith.constant 0 : i32
    %c0_i32_0 = arith.constant 0 : i32
    return %arg0, %c0_i32 : i32, i32
  }
  func.func @transform_2(%arg0: i32) -> (i32, i32) {
    %c0_i32 = arith.constant 0 : i32
    %c0_i32_0 = arith.constant 0 : i32
    return %arg0, %c0_i32 : i32, i32
  }
  func.func @transform_3(%arg0: i32) -> (i32, i32) {
    %c0_i32 = arith.constant 0 : i32
    %c0_i32_0 = arith.constant 0 : i32
    %c0_i32_1 = arith.constant 0 : i32
    return %c0_i32, %c0_i32_0 : i32, i32
  }
  func.func @transform_4(%arg0: i32) -> (i32, i32) {
    %c0_i32 = arith.constant 0 : i32
    %c0_i32_0 = arith.constant 0 : i32
    %c0_i32_1 = arith.constant 0 : i32
    return %c0_i32, %c0_i32_0 : i32, i32
  }
  func.func @transform_5(%arg0: i32) -> (i32, i32) {
    %c0_i32 = arith.constant 0 : i32
    %c0_i32_0 = arith.constant 0 : i32
    %c0_i32_1 = arith.constant 0 : i32
    return %c0_i32, %c0_i32_0 : i32, i32
  }
  func.func @transform_6(%arg0: i32) -> (i32, i32) {
    %c0_i32 = arith.constant 0 : i32
    %c0_i32_0 = arith.constant 0 : i32
    %c0_i32_1 = arith.constant 0 : i32
    return %c0_i32, %c0_i32_0 : i32, i32
  }
  func.func @transform_7(%arg0: i32) -> (i32, i32) {
    %c0_i32 = arith.constant 0 : i32
    %c0_i32_0 = arith.constant 0 : i32
    return %arg0, %c0_i32 : i32, i32
  }
}

module attributes {stable_mosaic.version = 14 : i64} {
  func.func @_node_prep_body(%arg0: i32, %arg1: memref<1024x128xf32, #tpu.memory_space<vmem>>, %arg2: memref<1024x128xf32, #tpu.memory_space<vmem>>, %arg3: memref<1024x128xf32, #tpu.memory_space<vmem>>, %arg4: memref<128x128xf32, #tpu.memory_space<vmem>>, %arg5: memref<128x128xf32, #tpu.memory_space<vmem>>, %arg6: memref<1x128xf32, #tpu.memory_space<vmem>>, %arg7: memref<128x128xf32, #tpu.memory_space<vmem>>, %arg8: memref<1x128xf32, #tpu.memory_space<vmem>>, %arg9: memref<128x128xf32, #tpu.memory_space<vmem>>, %arg10: memref<128x128xf32, #tpu.memory_space<vmem>>, %arg11: memref<1024x128xf32, #tpu.memory_space<vmem>>, %arg12: memref<1024x128xf32, #tpu.memory_space<vmem>>, %arg13: memref<1024x128xf32, #tpu.memory_space<vmem>>) attributes {dimension_semantics = [#tpu.dimension_semantics<parallel>], iteration_bounds = array<i64: 10>, scalar_prefetch = 0 : i64, scratch_operands = 0 : i64, tpu.core_type = #tpu.core_type<tc>, window_params = [{transform_indices = @transform_0, window_bounds = array<i64: 1024, 128>}, {transform_indices = @transform_1, window_bounds = array<i64: 1024, 128>}, {transform_indices = @transform_2, window_bounds = array<i64: 1024, 128>}, {pipeline_mode = #tpu.pipeline_mode<synchronous>, transform_indices = @transform_3, window_bounds = array<i64: 128, 128>}, {pipeline_mode = #tpu.pipeline_mode<synchronous>, transform_indices = @transform_4, window_bounds = array<i64: 128, 128>}, {pipeline_mode = #tpu.pipeline_mode<synchronous>, transform_indices = @transform_5, window_bounds = array<i64: 1, 128>}, {pipeline_mode = #tpu.pipeline_mode<synchronous>, transform_indices = @transform_6, window_bounds = array<i64: 128, 128>}, {pipeline_mode = #tpu.pipeline_mode<synchronous>, transform_indices = @transform_7, window_bounds = array<i64: 1, 128>}, {pipeline_mode = #tpu.pipeline_mode<synchronous>, transform_indices = @transform_8, window_bounds = array<i64: 128, 128>}, {pipeline_mode = #tpu.pipeline_mode<synchronous>, transform_indices = @transform_9, window_bounds = array<i64: 128, 128>}, {transform_indices = @transform_10, window_bounds = array<i64: 1024, 128>}, {transform_indices = @transform_11, window_bounds = array<i64: 1024, 128>}, {transform_indices = @transform_12, window_bounds = array<i64: 1024, 128>}]} {
    %get3A = arith.constant 0 : index
    %get3A_0 = arith.constant 0 : index
    %get3A_1 = vector.load %arg1[%get3A, %get3A_0] : memref<1024x128xf32, #tpu.memory_space<vmem>>, vector<1024x128xf32>
    %lt3A = arith.constant 5 : i32
    %lt3A_2 = arith.cmpi slt, %arg0, %lt3A : i32
    %get3A_3 = arith.constant 0 : index
    %get3A_4 = arith.constant 0 : index
    %get3A_5 = vector.load %arg2[%get3A_3, %get3A_4] : memref<1024x128xf32, #tpu.memory_space<vmem>>, vector<1024x128xf32>
    %get3A_6 = arith.constant 0 : index
    %get3A_7 = arith.constant 0 : index
    %get3A_8 = vector.load %arg3[%get3A_6, %get3A_7] : memref<1024x128xf32, #tpu.memory_space<vmem>>, vector<1024x128xf32>
    %select_n3A = arith.select %lt3A_2, %get3A_5, %get3A_8 : vector<1024x128xf32>
    %get3A_9 = arith.constant 0 : index
    %get3A_10 = arith.constant 0 : index
    %get3A_11 = vector.load %arg4[%get3A_9, %get3A_10] : memref<128x128xf32, #tpu.memory_space<vmem>>, vector<128x128xf32>
    %dot_general3A = arith.constant dense<0.000000e+00> : vector<1024x128xf32>
    %dot_general3A_12 = tpu.matmul %get3A_1, %get3A_11, %dot_general3A {dimension_numbers = #tpu.dot_dimension_numbers<[1], [0], [0], [1], [0, 0, 1, 1], [], []>, transpose_lhs_hint = false} : vector<1024x128xf32>, vector<128x128xf32>, vector<1024x128xf32> -> vector<1024x128xf32>
    %get3A_13 = arith.constant 0 : index
    %get3A_14 = arith.constant 0 : index
    %get3A_15 = vector.load %arg5[%get3A_13, %get3A_14] : memref<128x128xf32, #tpu.memory_space<vmem>>, vector<128x128xf32>
    %dot_general3A_16 = arith.constant dense<0.000000e+00> : vector<1024x128xf32>
    %dot_general3A_17 = tpu.matmul %select_n3A, %get3A_15, %dot_general3A_16 {dimension_numbers = #tpu.dot_dimension_numbers<[1], [0], [0], [1], [0, 0, 1, 1], [], []>, transpose_lhs_hint = false} : vector<1024x128xf32>, vector<128x128xf32>, vector<1024x128xf32> -> vector<1024x128xf32>
    %add3A = arith.addf %dot_general3A_12, %dot_general3A_17 : vector<1024x128xf32>
    %get3A_18 = arith.constant 0 : index
    %get3A_19 = arith.constant 0 : index
    %get3A_20 = vector.load %arg6[%get3A_18, %get3A_19] : memref<1x128xf32, #tpu.memory_space<vmem>>, vector<1x128xf32>
    %add3A_21 = vector.broadcast %get3A_20 : vector<1x128xf32> to vector<1024x128xf32>
    %add3A_22 = arith.addf %add3A, %add3A_21 : vector<1024x128xf32>
    %max3A = arith.constant 0.000000e+00 : f32
    %max3A_23 = vector.broadcast %max3A : f32 to vector<1024x128xf32>
    %max3A_24 = arith.maximumf %add3A_22, %max3A_23 : vector<1024x128xf32>
    %get3A_25 = arith.constant 0 : index
    %get3A_26 = arith.constant 0 : index
    %get3A_27 = vector.load %arg7[%get3A_25, %get3A_26] : memref<128x128xf32, #tpu.memory_space<vmem>>, vector<128x128xf32>
    %dot_general3A_28 = arith.constant dense<0.000000e+00> : vector<1024x128xf32>
    %dot_general3A_29 = tpu.matmul %max3A_24, %get3A_27, %dot_general3A_28 {dimension_numbers = #tpu.dot_dimension_numbers<[1], [0], [0], [1], [0, 0, 1, 1], [], []>, transpose_lhs_hint = false} : vector<1024x128xf32>, vector<128x128xf32>, vector<1024x128xf32> -> vector<1024x128xf32>
    %get3A_30 = arith.constant 0 : index
    %get3A_31 = arith.constant 0 : index
    %get3A_32 = vector.load %arg8[%get3A_30, %get3A_31] : memref<1x128xf32, #tpu.memory_space<vmem>>, vector<1x128xf32>
    %add3A_33 = vector.broadcast %get3A_32 : vector<1x128xf32> to vector<1024x128xf32>
    %add3A_34 = arith.addf %dot_general3A_29, %add3A_33 : vector<1024x128xf32>
    %swap3A = arith.constant 0 : index
    %swap3A_35 = arith.constant 0 : index
    %swap3A_36 = vector.load %arg11[%swap3A, %swap3A_35] : memref<1024x128xf32, #tpu.memory_space<vmem>>, vector<1024x128xf32>
    tpu.vector_store %arg11[%swap3A, %swap3A_35], %add3A_34 {strides = array<i32>} : memref<1024x128xf32, #tpu.memory_space<vmem>>, vector<1024x128xf32>,
    %get3A_37 = arith.constant 0 : index
    %get3A_38 = arith.constant 0 : index
    %get3A_39 = vector.load %arg9[%get3A_37, %get3A_38] : memref<128x128xf32, #tpu.memory_space<vmem>>, vector<128x128xf32>
    %dot_general3A_40 = arith.constant dense<0.000000e+00> : vector<1024x128xf32>
    %dot_general3A_41 = tpu.matmul %add3A_34, %get3A_39, %dot_general3A_40 {dimension_numbers = #tpu.dot_dimension_numbers<[1], [0], [0], [1], [0, 0, 1, 1], [], []>, transpose_lhs_hint = false} : vector<1024x128xf32>, vector<128x128xf32>, vector<1024x128xf32> -> vector<1024x128xf32>
    %swap3A_42 = arith.constant 0 : index
    %swap3A_43 = arith.constant 0 : index
    %swap3A_44 = vector.load %arg12[%swap3A_42, %swap3A_43] : memref<1024x128xf32, #tpu.memory_space<vmem>>, vector<1024x128xf32>
    tpu.vector_store %arg12[%swap3A_42, %swap3A_43], %dot_general3A_41 {strides = array<i32>} : memref<1024x128xf32, #tpu.memory_space<vmem>>, vector<1024x128xf32>,
    %get3A_45 = arith.constant 0 : index
    %get3A_46 = arith.constant 0 : index
    %get3A_47 = vector.load %arg10[%get3A_45, %get3A_46] : memref<128x128xf32, #tpu.memory_space<vmem>>, vector<128x128xf32>
    %dot_general3A_48 = arith.constant dense<0.000000e+00> : vector<1024x128xf32>
    %dot_general3A_49 = tpu.matmul %add3A_34, %get3A_47, %dot_general3A_48 {dimension_numbers = #tpu.dot_dimension_numbers<[1], [0], [0], [1], [0, 0, 1, 1], [], []>, transpose_lhs_hint = false} : vector<1024x128xf32>, vector<128x128xf32>, vector<1024x128xf32> -> vector<1024x128xf32>
    %swap3A_50 = arith.constant 0 : index
    %swap3A_51 = arith.constant 0 : index
    %swap3A_52 = vector.load %arg13[%swap3A_50, %swap3A_51] : memref<1024x128xf32, #tpu.memory_space<vmem>>, vector<1024x128xf32>
    tpu.vector_store %arg13[%swap3A_50, %swap3A_51], %dot_general3A_49 {strides = array<i32>} : memref<1024x128xf32, #tpu.memory_space<vmem>>, vector<1024x128xf32>,
    return
  }
  func.func @transform_0(%arg0: i32) -> (i32, i32) {
    %c0_i32 = arith.constant 0 : i32
    %c0_i32_0 = arith.constant 0 : i32
    return %arg0, %c0_i32 : i32, i32
  }
  func.func @transform_1(%arg0: i32) -> (i32, i32) {
    %min3A = arith.constant 4 : i32
    %min3A_0 = arith.minsi %arg0, %min3A : i32
    %c0_i32 = arith.constant 0 : i32
    %c0_i32_1 = arith.constant 0 : i32
    return %min3A_0, %c0_i32 : i32, i32
  }
  func.func @transform_2(%arg0: i32) -> (i32, i32) {
    %max3A = arith.constant 5 : i32
    %max3A_0 = arith.maxsi %arg0, %max3A : i32
    %sub3A = arith.constant 5 : i32
    %sub3A_1 = arith.subi %max3A_0, %sub3A : i32
    %c0_i32 = arith.constant 0 : i32
    %c0_i32_2 = arith.constant 0 : i32
    return %sub3A_1, %c0_i32 : i32, i32
  }
  func.func @transform_3(%arg0: i32) -> (i32, i32) {
    %c0_i32 = arith.constant 0 : i32
    %c0_i32_0 = arith.constant 0 : i32
    %c0_i32_1 = arith.constant 0 : i32
    return %c0_i32, %c0_i32_0 : i32, i32
  }
  func.func @transform_4(%arg0: i32) -> (i32, i32) {
    %c0_i32 = arith.constant 0 : i32
    %c0_i32_0 = arith.constant 0 : i32
    %c0_i32_1 = arith.constant 0 : i32
    return %c0_i32, %c0_i32_0 : i32, i32
  }
  func.func @transform_5(%arg0: i32) -> (i32, i32) {
    %c0_i32 = arith.constant 0 : i32
    %c0_i32_0 = arith.constant 0 : i32
    %c0_i32_1 = arith.constant 0 : i32
    return %c0_i32, %c0_i32_0 : i32, i32
  }
  func.func @transform_6(%arg0: i32) -> (i32, i32) {
    %c0_i32 = arith.constant 0 : i32
    %c0_i32_0 = arith.constant 0 : i32
    %c0_i32_1 = arith.constant 0 : i32
    return %c0_i32, %c0_i32_0 : i32, i32
  }
  func.func @transform_7(%arg0: i32) -> (i32, i32) {
    %c0_i32 = arith.constant 0 : i32
    %c0_i32_0 = arith.constant 0 : i32
    %c0_i32_1 = arith.constant 0 : i32
    return %c0_i32, %c0_i32_0 : i32, i32
  }
  func.func @transform_8(%arg0: i32) -> (i32, i32) {
    %c0_i32 = arith.constant 0 : i32
    %c0_i32_0 = arith.constant 0 : i32
    %c0_i32_1 = arith.constant 0 : i32
    return %c0_i32, %c0_i32_0 : i32, i32
  }
  func.func @transform_9(%arg0: i32) -> (i32, i32) {
    %c0_i32 = arith.constant 0 : i32
    %c0_i32_0 = arith.constant 0 : i32
    %c0_i32_1 = arith.constant 0 : i32
    return %c0_i32, %c0_i32_0 : i32, i32
  }
  func.func @transform_10(%arg0: i32) -> (i32, i32) {
    %c0_i32 = arith.constant 0 : i32
    %c0_i32_0 = arith.constant 0 : i32
    return %arg0, %c0_i32 : i32, i32
  }
  func.func @transform_11(%arg0: i32) -> (i32, i32) {
    %c0_i32 = arith.constant 0 : i32
    %c0_i32_0 = arith.constant 0 : i32
    return %arg0, %c0_i32 : i32, i32
  }
  func.func @transform_12(%arg0: i32) -> (i32, i32) {
    %c0_i32 = arith.constant 0 : i32
    %c0_i32_0 = arith.constant 0 : i32
    return %arg0, %c0_i32 : i32, i32
  }
}

module attributes {stable_mosaic.version = 14 : i64} {
  func.func @_edge_score_body(%arg0: i32, %arg1: memref<2000x128xf32, #tpu.memory_space<vmem>>, %arg2: memref<2000x128xf32, #tpu.memory_space<vmem>>, %arg3: memref<2000x128xf32, #tpu.memory_space<vmem>>, %arg4: memref<128x128xf32, #tpu.memory_space<vmem>>, %arg5: memref<128x128xf32, #tpu.memory_space<vmem>>, %arg6: memref<1x128xf32, #tpu.memory_space<vmem>>, %arg7: memref<1x128xf32, #tpu.memory_space<vmem>>, %arg8: memref<128x1xf32, #tpu.memory_space<vmem>>, %arg9: memref<1x1xf32, #tpu.memory_space<vmem>>, %arg10: memref<2000x128xf32, #tpu.memory_space<vmem>>, %arg11: memref<2000x1xf32, #tpu.memory_space<vmem>>) attributes {dimension_semantics = [#tpu.dimension_semantics<parallel>], iteration_bounds = array<i64: 160>, scalar_prefetch = 0 : i64, scratch_operands = 0 : i64, tpu.core_type = #tpu.core_type<tc>, window_params = [{transform_indices = @transform_0, window_bounds = array<i64: 2000, 128>}, {transform_indices = @transform_1, window_bounds = array<i64: 2000, 128>}, {transform_indices = @transform_2, window_bounds = array<i64: 2000, 128>}, {pipeline_mode = #tpu.pipeline_mode<synchronous>, transform_indices = @transform_3, window_bounds = array<i64: 128, 128>}, {pipeline_mode = #tpu.pipeline_mode<synchronous>, transform_indices = @transform_4, window_bounds = array<i64: 128, 128>}, {pipeline_mode = #tpu.pipeline_mode<synchronous>, transform_indices = @transform_5, window_bounds = array<i64: 1, 128>}, {pipeline_mode = #tpu.pipeline_mode<synchronous>, transform_indices = @transform_6, window_bounds = array<i64: 1, 128>}, {pipeline_mode = #tpu.pipeline_mode<synchronous>, transform_indices = @transform_7, window_bounds = array<i64: 128, 1>}, {pipeline_mode = #tpu.pipeline_mode<synchronous>, transform_indices = @transform_8, window_bounds = array<i64: 1, 1>}, {transform_indices = @transform_9, window_bounds = array<i64: 2000, 128>}, {transform_indices = @transform_10, window_bounds = array<i64: 2000, 1>}]} {
    %get3A = arith.constant 0 : index
    %get3A_0 = arith.constant 0 : index
    %get3A_1 = vector.load %arg1[%get3A, %get3A_0] : memref<2000x128xf32, #tpu.memory_space<vmem>>, vector<2000x128xf32>
    %get3A_2 = arith.constant 0 : index
    %get3A_3 = arith.constant 0 : index
    %get3A_4 = vector.load %arg2[%get3A_2, %get3A_3] : memref<2000x128xf32, #tpu.memory_space<vmem>>, vector<2000x128xf32>
    %add3A = arith.addf %get3A_1, %get3A_4 : vector<2000x128xf32>
    %get3A_5 = arith.constant 0 : index
    %get3A_6 = arith.constant 0 : index
    %get3A_7 = vector.load %arg6[%get3A_5, %get3A_6] : memref<1x128xf32, #tpu.memory_space<vmem>>, vector<1x128xf32>
    %add3A_8 = vector.broadcast %get3A_7 : vector<1x128xf32> to vector<2000x128xf32>
    %add3A_9 = arith.addf %add3A, %add3A_8 : vector<2000x128xf32>
    %get3A_10 = arith.constant 0 : index
    %get3A_11 = arith.constant 0 : index
    %get3A_12 = vector.load %arg3[%get3A_10, %get3A_11] : memref<2000x128xf32, #tpu.memory_space<vmem>>, vector<2000x128xf32>
    %get3A_13 = arith.constant 0 : index
    %get3A_14 = arith.constant 0 : index
    %get3A_15 = vector.load %arg4[%get3A_13, %get3A_14] : memref<128x128xf32, #tpu.memory_space<vmem>>, vector<128x128xf32>
    %dot_general3A = arith.constant dense<0.000000e+00> : vector<2000x128xf32>
    %dot_general3A_16 = tpu.matmul %get3A_12, %get3A_15, %dot_general3A {dimension_numbers = #tpu.dot_dimension_numbers<[1], [0], [0], [1], [0, 0, 1, 1], [], []>, transpose_lhs_hint = false} : vector<2000x128xf32>, vector<128x128xf32>, vector<2000x128xf32> -> vector<2000x128xf32>
    %add3A_17 = arith.addf %add3A_9, %dot_general3A_16 : vector<2000x128xf32>
    %max3A = arith.constant 0.000000e+00 : f32
    %max3A_18 = vector.broadcast %max3A : f32 to vector<2000x128xf32>
    %max3A_19 = arith.maximumf %add3A_17, %max3A_18 : vector<2000x128xf32>
    %get3A_20 = arith.constant 0 : index
    %get3A_21 = arith.constant 0 : index
    %get3A_22 = vector.load %arg5[%get3A_20, %get3A_21] : memref<128x128xf32, #tpu.memory_space<vmem>>, vector<128x128xf32>
    %dot_general3A_23 = arith.constant dense<0.000000e+00> : vector<2000x128xf32>
    %dot_general3A_24 = tpu.matmul %max3A_19, %get3A_22, %dot_general3A_23 {dimension_numbers = #tpu.dot_dimension_numbers<[1], [0], [0], [1], [0, 0, 1, 1], [], []>, transpose_lhs_hint = false} : vector<2000x128xf32>, vector<128x128xf32>, vector<2000x128xf32> -> vector<2000x128xf32>
    %get3A_25 = arith.constant 0 : index
    %get3A_26 = arith.constant 0 : index
    %get3A_27 = vector.load %arg7[%get3A_25, %get3A_26] : memref<1x128xf32, #tpu.memory_space<vmem>>, vector<1x128xf32>
    %add3A_28 = vector.broadcast %get3A_27 : vector<1x128xf32> to vector<2000x128xf32>
    %add3A_29 = arith.addf %dot_general3A_24, %add3A_28 : vector<2000x128xf32>
    %swap3A = arith.constant 0 : index
    %swap3A_30 = arith.constant 0 : index
    %swap3A_31 = vector.load %arg10[%swap3A, %swap3A_30] : memref<2000x128xf32, #tpu.memory_space<vmem>>, vector<2000x128xf32>
    tpu.vector_store %arg10[%swap3A, %swap3A_30], %add3A_29 {strides = array<i32>} : memref<2000x128xf32, #tpu.memory_space<vmem>>, vector<2000x128xf32>,
    %get3A_32 = arith.constant 0 : index
    %get3A_33 = arith.constant 0 : index
    %get3A_34 = vector.load %arg8[%get3A_32, %get3A_33] : memref<128x1xf32, #tpu.memory_space<vmem>>, vector<128x1xf32>
    %dot_general3A_35 = arith.constant dense<0.000000e+00> : vector<2000x1xf32>
    %dot_general3A_36 = tpu.matmul %add3A_29, %get3A_34, %dot_general3A_35 {dimension_numbers = #tpu.dot_dimension_numbers<[1], [0], [0], [1], [0, 0, 1, 1], [], []>, transpose_lhs_hint = false} : vector<2000x128xf32>, vector<128x1xf32>, vector<2000x1xf32> -> vector<2000x1xf32>
    %get3A_37 = arith.constant 0 : index
    %get3A_38 = arith.constant 0 : index
    %get3A_39 = vector.load %arg9[%get3A_37, %get3A_38] : memref<1x1xf32, #tpu.memory_space<vmem>>, vector<1x1xf32>
    %add3A_40 = vector.broadcast %get3A_39 : vector<1x1xf32> to vector<2000x1xf32>
    %add3A_41 = arith.addf %dot_general3A_36, %add3A_40 : vector<2000x1xf32>
    %logistic3A = arith.negf %add3A_41 : vector<2000x1xf32>
    %logistic3A_42 = math.exp %logistic3A : vector<2000x1xf32>
    %logistic3A_43 = arith.constant 1.000000e+00 : f32
    %logistic3A_44 = vector.broadcast %logistic3A_43 : f32 to vector<2000x1xf32>
    %logistic3A_45 = arith.addf %logistic3A_44, %logistic3A_42 : vector<2000x1xf32>
    %logistic3A_46 = arith.divf %logistic3A_44, %logistic3A_45 : vector<2000x1xf32>
    %swap3A_47 = arith.constant 0 : index
    %swap3A_48 = arith.constant 0 : index
    %swap3A_49 = vector.load %arg11[%swap3A_47, %swap3A_48] : memref<2000x1xf32, #tpu.memory_space<vmem>>, vector<2000x1xf32>
    tpu.vector_store %arg11[%swap3A_47, %swap3A_48], %logistic3A_46 {strides = array<i32>} : memref<2000x1xf32, #tpu.memory_space<vmem>>, vector<2000x1xf32>,
    return
  }
  func.func @transform_0(%arg0: i32) -> (i32, i32) {
    %c0_i32 = arith.constant 0 : i32
    %c0_i32_0 = arith.constant 0 : i32
    return %arg0, %c0_i32 : i32, i32
  }
  func.func @transform_1(%arg0: i32) -> (i32, i32) {
    %c0_i32 = arith.constant 0 : i32
    %c0_i32_0 = arith.constant 0 : i32
    return %arg0, %c0_i32 : i32, i32
  }
  func.func @transform_2(%arg0: i32) -> (i32, i32) {
    %c0_i32 = arith.constant 0 : i32
    %c0_i32_0 = arith.constant 0 : i32
    return %arg0, %c0_i32 : i32, i32
  }
  func.func @transform_3(%arg0: i32) -> (i32, i32) {
    %c0_i32 = arith.constant 0 : i32
    %c0_i32_0 = arith.constant 0 : i32
    %c0_i32_1 = arith.constant 0 : i32
    return %c0_i32, %c0_i32_0 : i32, i32
  }
  func.func @transform_4(%arg0: i32) -> (i32, i32) {
    %c0_i32 = arith.constant 0 : i32
    %c0_i32_0 = arith.constant 0 : i32
    %c0_i32_1 = arith.constant 0 : i32
    return %c0_i32, %c0_i32_0 : i32, i32
  }
  func.func @transform_5(%arg0: i32) -> (i32, i32) {
    %c0_i32 = arith.constant 0 : i32
    %c0_i32_0 = arith.constant 0 : i32
    %c0_i32_1 = arith.constant 0 : i32
    return %c0_i32, %c0_i32_0 : i32, i32
  }
  func.func @transform_6(%arg0: i32) -> (i32, i32) {
    %c0_i32 = arith.constant 0 : i32
    %c0_i32_0 = arith.constant 0 : i32
    %c0_i32_1 = arith.constant 0 : i32
    return %c0_i32, %c0_i32_0 : i32, i32
  }
  func.func @transform_7(%arg0: i32) -> (i32, i32) {
    %c0_i32 = arith.constant 0 : i32
    %c0_i32_0 = arith.constant 0 : i32
    %c0_i32_1 = arith.constant 0 : i32
    return %c0_i32, %c0_i32_0 : i32, i32
  }
  func.func @transform_8(%arg0: i32) -> (i32, i32) {
    %c0_i32 = arith.constant 0 : i32
    %c0_i32_0 = arith.constant 0 : i32
    %c0_i32_1 = arith.constant 0 : i32
    return %c0_i32, %c0_i32_0 : i32, i32
  }
  func.func @transform_9(%arg0: i32) -> (i32, i32) {
    %c0_i32 = arith.constant 0 : i32
    %c0_i32_0 = arith.constant 0 : i32
    return %arg0, %c0_i32 : i32, i32
  }
  func.func @transform_10(%arg0: i32) -> (i32, i32) {
    %c0_i32 = arith.constant 0 : i32
    %c0_i32_0 = arith.constant 0 : i32
    return %arg0, %c0_i32 : i32, i32
  }
}

module attributes {stable_mosaic.version = 14 : i64} {
  func.func @_node_final_body(%arg0: i32, %arg1: memref<1024x128xf32, #tpu.memory_space<vmem>>, %arg2: memref<1024x128xf32, #tpu.memory_space<vmem>>, %arg3: memref<1024x128xf32, #tpu.memory_space<vmem>>, %arg4: memref<128x128xf32, #tpu.memory_space<vmem>>, %arg5: memref<128x128xf32, #tpu.memory_space<vmem>>, %arg6: memref<1x128xf32, #tpu.memory_space<vmem>>, %arg7: memref<128x128xf32, #tpu.memory_space<vmem>>, %arg8: memref<1x128xf32, #tpu.memory_space<vmem>>, %arg9: memref<128x1xf32, #tpu.memory_space<vmem>>, %arg10: memref<1x1xf32, #tpu.memory_space<vmem>>, %arg11: memref<1024x1xf32, #tpu.memory_space<vmem>>) attributes {dimension_semantics = [#tpu.dimension_semantics<parallel>], iteration_bounds = array<i64: 10>, scalar_prefetch = 0 : i64, scratch_operands = 0 : i64, tpu.core_type = #tpu.core_type<tc>, window_params = [{transform_indices = @transform_0, window_bounds = array<i64: 1024, 128>}, {transform_indices = @transform_1, window_bounds = array<i64: 1024, 128>}, {transform_indices = @transform_2, window_bounds = array<i64: 1024, 128>}, {pipeline_mode = #tpu.pipeline_mode<synchronous>, transform_indices = @transform_3, window_bounds = array<i64: 128, 128>}, {pipeline_mode = #tpu.pipeline_mode<synchronous>, transform_indices = @transform_4, window_bounds = array<i64: 128, 128>}, {pipeline_mode = #tpu.pipeline_mode<synchronous>, transform_indices = @transform_5, window_bounds = array<i64: 1, 128>}, {pipeline_mode = #tpu.pipeline_mode<synchronous>, transform_indices = @transform_6, window_bounds = array<i64: 128, 128>}, {pipeline_mode = #tpu.pipeline_mode<synchronous>, transform_indices = @transform_7, window_bounds = array<i64: 1, 128>}, {pipeline_mode = #tpu.pipeline_mode<synchronous>, transform_indices = @transform_8, window_bounds = array<i64: 128, 1>}, {pipeline_mode = #tpu.pipeline_mode<synchronous>, transform_indices = @transform_9, window_bounds = array<i64: 1, 1>}, {transform_indices = @transform_10, window_bounds = array<i64: 1024, 1>}]} {
    %get3A = arith.constant 0 : index
    %get3A_0 = arith.constant 0 : index
    %get3A_1 = vector.load %arg1[%get3A, %get3A_0] : memref<1024x128xf32, #tpu.memory_space<vmem>>, vector<1024x128xf32>
    %lt3A = arith.constant 5 : i32
    %lt3A_2 = arith.cmpi slt, %arg0, %lt3A : i32
    %get3A_3 = arith.constant 0 : index
    %get3A_4 = arith.constant 0 : index
    %get3A_5 = vector.load %arg2[%get3A_3, %get3A_4] : memref<1024x128xf32, #tpu.memory_space<vmem>>, vector<1024x128xf32>
    %get3A_6 = arith.constant 0 : index
    %get3A_7 = arith.constant 0 : index
    %get3A_8 = vector.load %arg3[%get3A_6, %get3A_7] : memref<1024x128xf32, #tpu.memory_space<vmem>>, vector<1024x128xf32>
    %select_n3A = arith.select %lt3A_2, %get3A_5, %get3A_8 : vector<1024x128xf32>
    %get3A_9 = arith.constant 0 : index
    %get3A_10 = arith.constant 0 : index
    %get3A_11 = vector.load %arg4[%get3A_9, %get3A_10] : memref<128x128xf32, #tpu.memory_space<vmem>>, vector<128x128xf32>
    %dot_general3A = arith.constant dense<0.000000e+00> : vector<1024x128xf32>
    %dot_general3A_12 = tpu.matmul %get3A_1, %get3A_11, %dot_general3A {dimension_numbers = #tpu.dot_dimension_numbers<[1], [0], [0], [1], [0, 0, 1, 1], [], []>, transpose_lhs_hint = false} : vector<1024x128xf32>, vector<128x128xf32>, vector<1024x128xf32> -> vector<1024x128xf32>
    %get3A_13 = arith.constant 0 : index
    %get3A_14 = arith.constant 0 : index
    %get3A_15 = vector.load %arg5[%get3A_13, %get3A_14] : memref<128x128xf32, #tpu.memory_space<vmem>>, vector<128x128xf32>
    %dot_general3A_16 = arith.constant dense<0.000000e+00> : vector<1024x128xf32>
    %dot_general3A_17 = tpu.matmul %select_n3A, %get3A_15, %dot_general3A_16 {dimension_numbers = #tpu.dot_dimension_numbers<[1], [0], [0], [1], [0, 0, 1, 1], [], []>, transpose_lhs_hint = false} : vector<1024x128xf32>, vector<128x128xf32>, vector<1024x128xf32> -> vector<1024x128xf32>
    %add3A = arith.addf %dot_general3A_12, %dot_general3A_17 : vector<1024x128xf32>
    %get3A_18 = arith.constant 0 : index
    %get3A_19 = arith.constant 0 : index
    %get3A_20 = vector.load %arg6[%get3A_18, %get3A_19] : memref<1x128xf32, #tpu.memory_space<vmem>>, vector<1x128xf32>
    %add3A_21 = vector.broadcast %get3A_20 : vector<1x128xf32> to vector<1024x128xf32>
    %add3A_22 = arith.addf %add3A, %add3A_21 : vector<1024x128xf32>
    %max3A = arith.constant 0.000000e+00 : f32
    %max3A_23 = vector.broadcast %max3A : f32 to vector<1024x128xf32>
    %max3A_24 = arith.maximumf %add3A_22, %max3A_23 : vector<1024x128xf32>
    %get3A_25 = arith.constant 0 : index
    %get3A_26 = arith.constant 0 : index
    %get3A_27 = vector.load %arg7[%get3A_25, %get3A_26] : memref<128x128xf32, #tpu.memory_space<vmem>>, vector<128x128xf32>
    %dot_general3A_28 = arith.constant dense<0.000000e+00> : vector<1024x128xf32>
    %dot_general3A_29 = tpu.matmul %max3A_24, %get3A_27, %dot_general3A_28 {dimension_numbers = #tpu.dot_dimension_numbers<[1], [0], [0], [1], [0, 0, 1, 1], [], []>, transpose_lhs_hint = false} : vector<1024x128xf32>, vector<128x128xf32>, vector<1024x128xf32> -> vector<1024x128xf32>
    %get3A_30 = arith.constant 0 : index
    %get3A_31 = arith.constant 0 : index
    %get3A_32 = vector.load %arg8[%get3A_30, %get3A_31] : memref<1x128xf32, #tpu.memory_space<vmem>>, vector<1x128xf32>
    %add3A_33 = vector.broadcast %get3A_32 : vector<1x128xf32> to vector<1024x128xf32>
    %add3A_34 = arith.addf %dot_general3A_29, %add3A_33 : vector<1024x128xf32>
    %get3A_35 = arith.constant 0 : index
    %get3A_36 = arith.constant 0 : index
    %get3A_37 = vector.load %arg9[%get3A_35, %get3A_36] : memref<128x1xf32, #tpu.memory_space<vmem>>, vector<128x1xf32>
    %dot_general3A_38 = arith.constant dense<0.000000e+00> : vector<1024x1xf32>
    %dot_general3A_39 = tpu.matmul %add3A_34, %get3A_37, %dot_general3A_38 {dimension_numbers = #tpu.dot_dimension_numbers<[1], [0], [0], [1], [0, 0, 1, 1], [], []>, transpose_lhs_hint = false} : vector<1024x128xf32>, vector<128x1xf32>, vector<1024x1xf32> -> vector<1024x1xf32>
    %get3A_40 = arith.constant 0 : index
    %get3A_41 = arith.constant 0 : index
    %get3A_42 = vector.load %arg10[%get3A_40, %get3A_41] : memref<1x1xf32, #tpu.memory_space<vmem>>, vector<1x1xf32>
    %add3A_43 = vector.broadcast %get3A_42 : vector<1x1xf32> to vector<1024x1xf32>
    %add3A_44 = arith.addf %dot_general3A_39, %add3A_43 : vector<1024x1xf32>
    %logistic3A = arith.negf %add3A_44 : vector<1024x1xf32>
    %logistic3A_45 = math.exp %logistic3A : vector<1024x1xf32>
    %logistic3A_46 = arith.constant 1.000000e+00 : f32
    %logistic3A_47 = vector.broadcast %logistic3A_46 : f32 to vector<1024x1xf32>
    %logistic3A_48 = arith.addf %logistic3A_47, %logistic3A_45 : vector<1024x1xf32>
    %logistic3A_49 = arith.divf %logistic3A_47, %logistic3A_48 : vector<1024x1xf32>
    %swap3A = arith.constant 0 : index
    %swap3A_50 = arith.constant 0 : index
    %swap3A_51 = vector.load %arg11[%swap3A, %swap3A_50] : memref<1024x1xf32, #tpu.memory_space<vmem>>, vector<1024x1xf32>
    tpu.vector_store %arg11[%swap3A, %swap3A_50], %logistic3A_49 {strides = array<i32>} : memref<1024x1xf32, #tpu.memory_space<vmem>>, vector<1024x1xf32>,
    return
  }
  func.func @transform_0(%arg0: i32) -> (i32, i32) {
    %c0_i32 = arith.constant 0 : i32
    %c0_i32_0 = arith.constant 0 : i32
    return %arg0, %c0_i32 : i32, i32
  }
  func.func @transform_1(%arg0: i32) -> (i32, i32) {
    %min3A = arith.constant 4 : i32
    %min3A_0 = arith.minsi %arg0, %min3A : i32
    %c0_i32 = arith.constant 0 : i32
    %c0_i32_1 = arith.constant 0 : i32
    return %min3A_0, %c0_i32 : i32, i32
  }
  func.func @transform_2(%arg0: i32) -> (i32, i32) {
    %max3A = arith.constant 5 : i32
    %max3A_0 = arith.maxsi %arg0, %max3A : i32
    %sub3A = arith.constant 5 : i32
    %sub3A_1 = arith.subi %max3A_0, %sub3A : i32
    %c0_i32 = arith.constant 0 : i32
    %c0_i32_2 = arith.constant 0 : i32
    return %sub3A_1, %c0_i32 : i32, i32
  }
  func.func @transform_3(%arg0: i32) -> (i32, i32) {
    %c0_i32 = arith.constant 0 : i32
    %c0_i32_0 = arith.constant 0 : i32
    %c0_i32_1 = arith.constant 0 : i32
    return %c0_i32, %c0_i32_0 : i32, i32
  }
  func.func @transform_4(%arg0: i32) -> (i32, i32) {
    %c0_i32 = arith.constant 0 : i32
    %c0_i32_0 = arith.constant 0 : i32
    %c0_i32_1 = arith.constant 0 : i32
    return %c0_i32, %c0_i32_0 : i32, i32
  }
  func.func @transform_5(%arg0: i32) -> (i32, i32) {
    %c0_i32 = arith.constant 0 : i32
    %c0_i32_0 = arith.constant 0 : i32
    %c0_i32_1 = arith.constant 0 : i32
    return %c0_i32, %c0_i32_0 : i32, i32
  }
  func.func @transform_6(%arg0: i32) -> (i32, i32) {
    %c0_i32 = arith.constant 0 : i32
    %c0_i32_0 = arith.constant 0 : i32
    %c0_i32_1 = arith.constant 0 : i32
    return %c0_i32, %c0_i32_0 : i32, i32
  }
  func.func @transform_7(%arg0: i32) -> (i32, i32) {
    %c0_i32 = arith.constant 0 : i32
    %c0_i32_0 = arith.constant 0 : i32
    %c0_i32_1 = arith.constant 0 : i32
    return %c0_i32, %c0_i32_0 : i32, i32
  }
  func.func @transform_8(%arg0: i32) -> (i32, i32) {
    %c0_i32 = arith.constant 0 : i32
    %c0_i32_0 = arith.constant 0 : i32
    %c0_i32_1 = arith.constant 0 : i32
    return %c0_i32, %c0_i32_0 : i32, i32
  }
  func.func @transform_9(%arg0: i32) -> (i32, i32) {
    %c0_i32 = arith.constant 0 : i32
    %c0_i32_0 = arith.constant 0 : i32
    %c0_i32_1 = arith.constant 0 : i32
    return %c0_i32, %c0_i32_0 : i32, i32
  }
  func.func @transform_10(%arg0: i32) -> (i32, i32) {
    %c0_i32 = arith.constant 0 : i32
    %c0_i32_0 = arith.constant 0 : i32
    return %arg0, %c0_i32 : i32, i32
  }
}

</mosaic_0001>

<sc_bundles>
// kernel: kernel.12.cloned.1.call-start
scs
__scs_entry_jumppad:
0x0: {  	(pc) =	sbr.rel $0x88, $3  }
0x1: {  	(tag) =	ssettag $0x0;
	lr =	simm.s32 $0x1  }
0x2: {  	[smem:$0x3F87] =	sst lr;
	_ =	strace $0xD0000000  }
0x3: {  	_ = 	snop  }
0x4: {  	_ = 	snop  }
0x5: {  	_ = 	snop  }
0x6: {  	_ = 	snop  }
0x7: {  	_ = 	snop  }
__scs_overlays_trampoline_lowered:
0x8: {  	[smem:$0x3F96] =	sst s0  }
0x9: {  	[smem:$0x3F97] =	sst s1  }
0xa: {  	[smem:$0x3F98] =	sst s2  }
0xb: {  	[smem:$0x3F99] =	sst s3  }
0xc: {  	[smem:$0x3F9A] =	sst s4  }
0xd: {  	[smem:$0x3F9B] =	sst s5  }
0xe: {  	[smem:$0x3F9C] =	sst s6  }
0xf: {  	[smem:$0x3F9D] =	sst s7  }
0x10: {  	[smem:$0x3F9E] =	sst s8  }
0x11: {  	[smem:$0x3F9F] =	sst s9;
	s0 =	simm.s32 @!p0 $0x0  }
0x12: {  	s1 =	sld [smem:$0x3F85];
	s0 =	simm.s32 @p0 $0x1  }
0x13: {  	[smem:$0x3FA0] =	sst s0;
	s0 =	simm.s32 @!p1 $0x0  }
0x14: {  	s2 =	sld [smem:$0x3F84];
	s0 =	simm.s32 @p1 $0x1  }
0x15: {  	[smem:$0x3FA1] =	sst s0;
	s0 =	simm.s32 @!p2 $0x0  }
0x16: {  	s3 =	sld [smem:$0x3FDB];
	s0 =	simm.s32 @p2 $0x1  }
0x17: {  	s4 =	simm.s32 $0x1BF5;
	[smem:$0x3FA3] =	sst s0  }
0x18: {  	s0 =	sld [smem:$0x3F86];
	_ =	swait.ge [sflag:s4], $0x0  }
0x19: {  	s7 =	sld [smem:$0x3F87]  }
0x1a: {  	s8 =	sadd.s32 $0xFFFFE003, lr  }
0x1b: {  	s9 =	sadd.s32 $0xFFFFFEF7, lr;
	s5 =	simm.s32 $0xFFFFFFFF;
	p2 =	slt.u32 s8, $0xFFFFF086  }
0x1c: {  	p1 =	slt.u32 s9, $0xF7A;
	s5 =	simm.s32 @!p2 $0x0  }
0x1d: {  	s5 =	simm.s32 @p1 $0x1;
	p0 =	seq.s32 s7, s2  }
0x1e: {  	s7 =	smul.u32 @!p0 $0xF7A, s2;
	p2 =	seq.s32 @!p0 s5, $0x0  }
0x1f: {  	s9 =	smul.u32 $0xF7A, s1;
	s8 =	simm.s32 @!p0 $0x1BF5;
	p2 =	por !p2, p0  }
0x20: {  	[sflag:s8] =	ssyncset.s32 @!p0 $0xFFFFF086;
	s6 =	sadd.s32 @!p0 s3, s7;
	s7 =	simm.s32 @!p0 $0x108  }
0x21: {  	s3 =	sadd.s32 s3, s9;
	s6 =	sadd.s32 @!p0 $0x88, s6;
	s7 =	simm.s32 @p2 $0x1082  }
0x22: {  	[simem:s7], [sflag:s8] =	dma.local @!p0 [hbm:s6], $0xF7A  }
0x23: {  	s9 =	sor.u32 $0xD0000000, s2;
	s6 =	simm.s32 $0x108;
	_ =	swait.ge @!p0 [sflag:s8], $0x0  }
0x24: {  	s3 =	sadd.s32 $0x88, s3;
	s6 =	simm.s32 @!p1 $0x1082;
	[sflag:s4] =	ssyncset.s32 $0xFFFFF086  }
0x25: {  	[simem:s6], [sflag:s4] =	dma.local [hbm:s3], $0xF7A  }
0x26: {  	[smem:$0x3F87] =	sst s1;
	(tag) =	ssettag s2;
	_ =	strace s9  }
0x27: {  	s1 =	sld [smem:$0x3F97]  }
0x28: {  	s2 =	sld [smem:$0x3F98]  }
0x29: {  	s4 =	sld [smem:$0x3F9A]  }
0x2a: {  	p0 =	seq.s32 s5, $0x0;
	s5 =	sld [smem:$0x3F9B]  }
0x2b: {  	s6 =	sld [smem:$0x3F9C]  }
0x2c: {  	s7 =	sld [smem:$0x3F9D]  }
0x2d: {  	s3 =	simm.s32 $0x108;
	s8 =	sld [smem:$0x3F9E]  }
0x2e: {  	s3 =	simm.s32 @!p0 $0x1082;
	s9 =	sld [smem:$0x3F9F]  }
0x2f: {  	lr =	sadd.s32 s0, s3;
	s0 =	sld [smem:$0x3F96]  }
0x30: {  	s3 =	sld [smem:$0x3F99]  }
0x31: {  	[smem:$0x3FA2] =	sst s10  }
0x32: {  	s10 =	sld [smem:$0x3FA0];
	_ =	sdelay $0x3  }
0x33: {  	p0 =	seq.s32 s10, $0x1;
	s10 =	sld [smem:$0x3FA2];
	_ =	sdelay $0x3  }
0x34: {  	[smem:$0x3FA2] =	sst s10  }
0x35: {  	s10 =	sld [smem:$0x3FA1];
	_ =	sdelay $0x3  }
0x36: {  	p1 =	seq.s32 s10, $0x1;
	s10 =	sld [smem:$0x3FA2];
	_ =	sdelay $0x3  }
0x37: {  	[smem:$0x3FA2] =	sst s10  }
0x38: {  	s10 =	sld [smem:$0x3FA3]  }
0x39: {  	_ = 	snop;
	(pc) =	sbr.ind lr, $3  }
0x3a: {  	_ = 	snop  }
0x3b: {  	_ = 	snop  }
0x3c: {  	p2 =	seq.s32 s10, $0x1;
	s10 =	sld [smem:$0x3FA2]  }
0x3d: {  	_ =	shalt  }
0x3e: {  	_ =	shalt  }
0x3f: {  	_ =	shalt  }
0x40: {  	_ =	shalt  }
0x41: {  	_ =	shalt  }
0x42: {  	_ =	shalt  }
0x43: {  	_ =	shalt  }
0x44: {  	_ =	shalt  }
0x45: {  	_ =	shalt  }
0x46: {  	_ =	shalt  }
0x47: {  	_ =	shalt  }
0x48: {  	_ =	shalt  }
0x49: {  	_ =	shalt  }
0x4a: {  	_ =	shalt  }
0x4b: {  	_ =	shalt  }
0x4c: {  	_ =	shalt  }
0x4d: {  	_ =	shalt  }
0x4e: {  	_ =	shalt  }
0x4f: {  	_ =	shalt  }
0x50: {  	_ =	shalt  }
0x51: {  	_ =	shalt  }
0x52: {  	_ =	shalt  }
0x53: {  	_ =	shalt  }
0x54: {  	_ =	shalt  }
0x55: {  	_ =	shalt  }
0x56: {  	_ =	shalt  }
0x57: {  	_ =	shalt  }
0x58: {  	_ =	shalt  }
0x59: {  	_ =	shalt  }
0x5a: {  	_ =	shalt  }
0x5b: {  	_ =	shalt  }
0x5c: {  	_ =	shalt  }
0x5d: {  	_ =	shalt  }
0x5e: {  	_ =	shalt  }
0x5f: {  	_ =	shalt  }
0x60: {  	_ =	shalt  }
0x61: {  	_ =	shalt  }
0x62: {  	_ =	shalt  }
0x63: {  	_ =	shalt  }
0x64: {  	_ =	shalt  }
0x65: {  	_ =	shalt  }
0x66: {  	_ =	shalt  }
0x67: {  	_ =	shalt  }
0x68: {  	_ =	shalt  }
0x69: {  	_ =	shalt  }
0x6a: {  	_ =	shalt  }
0x6b: {  	_ =	shalt  }
0x6c: {  	_ =	shalt  }
0x6d: {  	_ =	shalt  }
0x6e: {  	_ =	shalt  }
0x6f: {  	_ =	shalt  }
0x70: {  	_ =	shalt  }
0x71: {  	_ =	shalt  }
0x72: {  	_ =	shalt  }
0x73: {  	_ =	shalt  }
0x74: {  	_ =	shalt  }
0x75: {  	_ =	shalt  }
0x76: {  	_ =	shalt  }
0x77: {  	_ =	shalt  }
0x78: {  	_ =	shalt  }
0x79: {  	_ =	shalt  }
0x7a: {  	_ =	shalt  }
0x7b: {  	_ =	shalt  }
0x7c: {  	_ =	shalt  }
0x7d: {  	_ =	shalt  }
0x7e: {  	_ =	shalt  }
0x7f: {  	_ =	shalt  }
0x80: {  	_ =	shalt  }
0x81: {  	_ =	shalt  }
0x82: {  	_ =	shalt  }
0x83: {  	_ =	shalt  }
0x84: {  	_ =	shalt  }
0x85: {  	_ =	shalt  }
0x86: {  	_ =	shalt  }
0x87: {  	_ =	shalt  }
.Lfunc_end0:
.L_simem_size_0:
called_computation_lowered:
.L_overlay_start_0:
0x88: {  	s2 =	sld [smem:$0x3FD9]  }
0x89: {  	s3 =	sld [smem:$0x3FFE];
	_ =	sdelay $0x1  }
0x8a: {  	s1 =	srdreg.scid  }
0x8b: {  	s0 =	sand.u32 $0x1, s1  }
0x8c: {  	s16 =	sshll.u32 s0, $0xA;
	s2 =	sadd.s32 s3, s2  }
0x8d: {  	s2 =	sadd.s32 s2, s16  }
0x8e: {  	[smem:$0x3FAE] =	sst s2  }
0x8f: {  	_ = 	snop  }
0x90: {  	(tm) =	ssettm $0x1  }
0x91: {  	s17 =	sld [smem:$0x3FFB];
	_ =	sdelay $0x3  }
0x92: {  	_ =	strace s17  }
0x93: {  	s2 =	sld [smem:$0x3FFC];
	_ =	sdelay $0x3  }
0x94: {  	_ =	strace s2  }
0x95: {  	s2 =	sld [smem:$0x3FFD];
	_ =	sdelay $0x3  }
0x96: {  	_ =	strace s2  }
0x97: {  	_ =	strace $0x8FFFFFFF  }
0x98: {  	s18 =	sld [smem:$0x3FDB];
	_ =	sdelay $0x1  }
0x99: {  	s19 =	simm.s32 $_scs_section_size  }
0x9a: {  	s4 =	simm.s32 $_size__tile_overlayer_lowered;
	s5 =	simm.s32 $_tile_overlayer_lowered  }
0x9b: {  	s22 =	simm.s32 $0x1BFF;
	s21 =	sshll.u32 s5, $0x1;
	s2 =	sadd.s32 s19, s18  }
0x9c: {  	s6 =	simm.s32 $0x0;
	s20 =	sshll.u32 s4, $0x1;
	s4 =	sadd.s32 s21, s2  }
0x9d: {  	[timem:s6], [sflag:s22] =	dma.local [hbm:s4], s20  }
0x9e: {  	_ =	swait.ge [sflag:s22], s20  }
0x9f: {  	s3 =	ssub.s32 $0x0, s20;
	[sflag:s22] =	ssyncset.done $0x0  }
0xa0: {  	[sflag:s22] =	ssyncadd.s32 s3;
	_ =	sdelay $0x1  }
0xa1: {  	s23 =	simm.s32 $0x1B8B  }
0xa2: {  	_ =	swait.ge [sflag:s23], $0x1  }
0xa3: {  	[sflag:s23] =	ssyncset.done $0x0  }
0xa4: {  	s25 =	simm.s32 $0x1B8E;
	s24 =	sld [smem:$0x3FFE];
	[sflag:s23] =	ssyncadd.s32 $0xFFFFFFFF  }
0xa5: {  	s26 =	simm.s32 $execute0_lowered;
	[smem:$0x3FD2] =	sst s25  }
0xa6: {  	s4 =	sshll.u32 s26, $0x1;
	_ =	strace $0x80000046;
	[dreg:$0x1] =	wrdreg $0xFFFFFFFF  }
0xa7: {  	s28 =	simm.s32 $_size_execute0_lowered;
	s2 =	sadd.s32 s2, s4;
	[dreg:$0x0] =	wrdreg $0x0  }
0xa8: {  	s4 =	sshll.u32 s28, $0x1;
	[dreg:$0x2] =	wrdreg s2  }
0xa9: {  	[dreg:$0x3] =	wrdreg s4  }
0xaa: {  	[dreg:$0x4] =	wrdreg $0xC0  }
0xab: {  	_ =	task [dreg:s6], $0x5FFFF  }
0xac: {  	[dreg:$0x1] =	wrdreg $0xFFFFFFFF  }
0xad: {  	[dreg:$0x0] =	wrdreg $0x60  }
0xae: {  	[dreg:$0x2] =	wrdreg s24  }
0xaf: {  	[dreg:$0x3] =	wrdreg $0x0  }
0xb0: {  	[dreg:$0x4] =	wrdreg $0x9  }
0xb1: {  	_ =	task.clear_ibuf [dreg:s6], $0x5FFFF;
	_ =	strace $0x90000046  }
0xb2: {  	s29 =	simm.s32 $0x9;
	_ =	strace $0x80000048  }
0xb3: {  	_ =	swait.ge [sflag:s29], $0x1  }
0xb4: {  	[sflag:s29] =	ssyncadd.s32 $0xFFFFFFFF  }
0xb5: {  	_ =	strace $0x90000048  }
0xb6: {  	_ =	sfence  }
0xb7: {  	s30 =	sld [smem:$0x0];
	_ =	sdelay $0x2  }
0xb8: {  	s31 =	sshll.u32 s1, $0xD;
	s1 =	sshrl.u32 s1, $0x2  }
0xb9: {  	s3 =	sand.u32 $0x4000, s31;
	s1 =	sadd.s32 s1, s30  }
0xba: {  	s0 =	sor.u32 s3, s0;
	s1 =	sshll.u32 s1, $0x11  }
0xbb: {  	s0 =	sor.u32 s1, s0  }
0xbc: {  	s0 =	sadd.s32 $0x8F2B, s0  }
0xbd: {  	[sflag:s0] =	ssyncadd.remote.s32 $0x1  }
0xbe: {  	_ =	sfence.sel $0xFFFF  }
0xbf: {  	[dreg:$0x0] =	wrdreg $0xFFFFFFFF;
	(pc) =	sbr.abs _section_cstart, $3  }
0xc0: {  	[dreg:$0x1] =	wrdreg $0xFFFFFFFF  }
0xc1: {  	_ =	task.clear_ibuf [dreg:s6], $0x2FFFF;
	_ =	strace $0x9FFFFFFF  }
0xc2: {  	(tm) =	ssettm $0x7FFFFFFF  }
0xc3: {  	_ =	shalt  }
tec
execute0_lowered:
.L_overlay_start_1:
0x0: {  	(tag) =	ssettag $0x1  }
0x1: {  	s4 =	rddreg [dreg:$0x0]  }
0x2: {  	s1 =	rddreg [dreg:$0x1]  }
0x3: {  	s0 =	rddreg [dreg:$0x2]  }
0x4: {  	s2 =	simm.s32 $0x0;
	s8 =	srdreg.scid;
	s3 =	stileid.u32  }
0x5: {  	s16 =	simm.s32 $0x14080;
	s17 =	simm.s32 $0x18100;
	s18 =	simm.s32 $0x1  }
0x6: {  	s19 =	simm.s32 $0x2;
	s20 =	simm.s32 $0x3;
	s21 =	simm.s32 $0x4  }
0x7: {  	s22 =	simm.s32 $0x0;
	[smem:$0x7FF] =	sst s2;
	s5 =	sadd.s32 $0x1C200, s4  }
0x8: {  	s6 =	sadd.s32 $0x44200, s4;
	s7 =	sadd.s32 $0x7200, s4;
	s10 =	smul.u32 $0x50000, s3  }
0x9: {  	s9 =	sadd.s32 $0x11200, s4;
	s8 =	sand.u32 $0x1, s8;
	s15 =	smul.u32 $0x5000, s3  }
0xa: {  	s11 =	sadd.s32 $0x6C200, s4;
	s12 =	sadd.s32 $0x56C200, s4;
	s26 =	smul.u32 $0x2800, s3  }
0xb: {  	s29 =	smul.u32 $0xA00, s3;
	s30 =	sshll.u32 s3, $0x6;
	_ =	strace $0x80000047  }
0xc: {  	s25 =	ssub.s32 $0x2, s8;
	p0 =	seq.s32 s8, $0x0;
	s8 =	sor.u32 $0x1C05, s30  }
0xd: {  	s13 =	sshrl.u32 s25, $0x1;
	s14 =	sshrl.u32 s10, $0x2;
	s28 =	sshrl.u32 s15, $0x3  }
0xe: {  	s9 =	smov.u32 @p0 s7;
	s6 =	smov.u32 @p0 s5;
	s12 =	smov.u32 @p0 s11  }
.Ltmp0:
0xf: {  	s15 =	simm.s32 $0x14100;
	s13 =	ssub.s32 s25, s13;
	(pc) =	sbr.rel .LBB2_1-.Ltmp0, $4  }
0x10: {  	s14 =	sadd.s32 s14, s1;
	s4 =	sadd.s32 s9, s28;
	s6 =	sadd.s32 s6, s26  }
0x11: {  	s31 =	sadd.s32 s29, s9;
	s9 =	sadd.s32 s10, s12;
	s12 =	simm.s32 $0x5  }
0x12: {  	s5 =	smax.u32 s13, $0x1;
	s7 =	sadd.s32 $0x10, s4;
	s10 =	sadd.s32 $0x30, s31  }
0x13: {  	s11 =	sshrl.u32 s14, $0x3;
	s13 =	simm.s32 $0x14000;
	s14 =	simm.s32 $0x80  }
.LBB2_4:
0x14: {  	s22 =	sadd.s32 $0x1, s22  }
0x15: {  	_ =	swait.ge [sflag:s20], $0x4000;
	p0 =	sne.s32 s22, s5  }
.Ltmp1:
0x16: {  	[sflag:s20] =	ssyncset.done $0x0;
	(pc) =	sbr.rel @!p0 .LBB2_5-.Ltmp1, $4  }
0x17: {  	[sflag:s20] =	ssyncadd.s32 $0xFFFFC000  }
0x18: {  	_ =	swait.ge [sflag:s21], $0x4000  }
0x19: {  	[sflag:s21] =	ssyncset.done $0x0  }
0x1a: {  	[sflag:s21] =	ssyncadd.s32 $0xFFFFC000  }
.LBB2_1:
0x1b: {  	[spmem:s11], [sflag:s8] =	dma.local [hbm:s6], $0x2800  }
0x1c: {  	_ =	swait.ge [sflag:s12], $0x2800  }
0x1d: {  	[sflag:s12] =	ssyncset.done $0x0  }
0x1e: {  	[sflag:s12] =	ssyncadd.s32 $0xFFFFD800  }
0x1f: {  	[bflag:$0x0] =	sbarrier.arrive $0xFFFF  }
0x20: {  	[tilespmem:s13], [sflag:$0x5] =	stream.linear.gather [hbm4b:s4+s2], $0x80, $0x38;
	[tilespmem:$0x1C100] =	vst v63  }
0x21: {  	_ =	swait.ge [sflag:s12], $0x80  }
0x22: {  	[sflag:s12] =	ssyncset.done $0x0  }
0x23: {  	[sflag:s12] =	ssyncadd.s32 $0xFFFFFF80  }
0x24: {  	[tilespmem:s15], [sflag:$0x1] =	stream.indirect.gather [spmem:s1], $0x80, s13, s14, $0xb8;
	[tilespmem:$0x1C100] =	vst v63  }
0x25: {  	_ = 	snop  }
0x26: {  	[tilespmem:s16], [sflag:$0x5] =	stream.linear.gather [hbm4b:s7+s2], $0x80, $0x38;
	[tilespmem:$0x1C100] =	vst v63  }
0x27: {  	_ =	swait.ge [sflag:s12], $0x80  }
0x28: {  	[sflag:s12] =	ssyncset.done $0x0  }
0x29: {  	s23 =	smov.u32 s10;
	s24 =	simm.s32 $0x0;
	[sflag:s12] =	ssyncadd.s32 $0xFFFFFF80  }
0x2a: {  	[tilespmem:s17], [sflag:$0x2] =	stream.indirect.gather [spmem:s1], $0x80, s16, s14, $0xb8;
	[tilespmem:$0x1C100] =	vst v63  }
.LBB2_2:
0x2b: {  	_ =	swait.ge [sflag:s18], $0x4000  }
0x2c: {  	p0 =	seq.s32 s24, $0x4F000;
	[sflag:s18] =	ssyncset.done $0x0  }
0x2d: {  	s25 =	sadd.s32 s24, s9;
	s26 =	simm.s32 @!p0 $0x3;
	[sflag:s18] =	ssyncadd.s32 $0xFFFFC000  }
0x2e: {  	[hbm4b:s25+s2] =	stream.linear.scatter [tilespmem:s15], [sflag:$0x3], $0x4000, $0x38;
	[tilespmem:$0x1C100] =	vst v63  }
0x2f: {  	_ =	swait.ge @!p0 [sflag:s26], $0x4000  }
0x30: {  	s28 =	simm.s32 @!p0 $0x0;
	[sflag:s26] =	ssyncset.done @!p0 $0x0  }
0x31: {  	s29 =	simm.s32 @!p0 $0x14000;
	[sflag:s26] =	ssyncadd.s32 @!p0 $0xFFFFC000;
	s26 =	sadd.s32 @!p0 $0xFFFFFFF0, s23  }
0x32: {  	[tilespmem:s29], [sflag:$0x5] =	stream.linear.gather @!p0 [hbm4b:s26+s28], $0x80, $0x38;
	[tilespmem:$0x1C100] =	vst v63  }
0x33: {  	s26 =	simm.s32 @!p0 $0x5  }
0x34: {  	_ =	swait.ge @!p0 [sflag:s26], $0x80  }
0x35: {  	[sflag:s26] =	ssyncset.done @!p0 $0x0  }
0x36: {  	s28 =	simm.s32 @!p0 $0x14100;
	[sflag:s26] =	ssyncadd.s32 @!p0 $0xFFFFFF80;
	s26 =	simm.s32 @!p0 $0x80  }
0x37: {  	[tilespmem:s28], [sflag:$0x1] =	stream.indirect.gather @!p0 [spmem:s1], $0x80, s29, s26, $0xb8;
	[tilespmem:$0x1C100] =	vst v63  }
.Ltmp2:
0x38: {  	_ = 	snop;
	(pc) =	sbr.rel @p0 .LBB2_4-.Ltmp2, $4  }
0x39: {  	_ =	swait.ge [sflag:s19], $0x4000  }
0x3a: {  	[sflag:s19] =	ssyncset.done $0x0  }
0x3b: {  	s25 =	sadd.s32 $0x800, s25;
	[sflag:s19] =	ssyncadd.s32 $0xFFFFC000  }
0x3c: {  	[hbm4b:s25+s2] =	stream.linear.scatter [tilespmem:s17], [sflag:$0x4], $0x4000, $0x38;
	[tilespmem:$0x1C100] =	vst v63  }
0x3d: {  	_ =	swait.ge [sflag:s21], $0x4000  }
0x3e: {  	[sflag:s21] =	ssyncset.done $0x0  }
0x3f: {  	[sflag:s21] =	ssyncadd.s32 $0xFFFFC000  }
0x40: {  	[tilespmem:s16], [sflag:$0x5] =	stream.linear.gather [hbm4b:s23+s2], $0x80, $0x38;
	[tilespmem:$0x1C100] =	vst v63  }
.Ltmp3:
0x41: {  	_ = 	snop;
	(pc) =	sbr.rel .LBB2_2-.Ltmp3, $4  }
0x42: {  	_ =	swait.ge [sflag:s12], $0x80  }
0x43: {  	[sflag:s12] =	ssyncset.done $0x0  }
0x44: {  	s24 =	sadd.s32 $0x1000, s24;
	s23 =	sadd.s32 $0x20, s23;
	[sflag:s12] =	ssyncadd.s32 $0xFFFFFF80  }
0x45: {  	[tilespmem:s17], [sflag:$0x2] =	stream.indirect.gather [spmem:s1], $0x80, s16, s14, $0xb8;
	[tilespmem:$0x1C100] =	vst v63  }
.LBB2_5:
0x46: {  	_ =	sfence.sel $0x180000  }
0x47: {  	[bflag:$0x0] =	sbarrier.arrive $0xFFFF  }
0x48: {  	p0 =	sne.s32 s3, $0x0;
	_ =	strace $0x90000047  }
0x49: {  	s0 =	sadd.s32 @!p0 $0x100000, s0;
	[bflag:$0x2] =	sbarrier.arrive $0xFFFF  }
0x4a: {  	[sflag:s0] =	ssyncadd.tile.s32 @!p0 $0x1;
	_ =	shalt  }
.Lfunc_end2:
_tile_overlayer_lowered:
.L_overlay_start_2:
0x4b: {  	(tag) =	ssettag $0x2  }
0x4c: {  	s0 =	rddreg [dreg:$0x0];
	s2 =	stileid.u32  }
0x4d: {  	s1 =	rddreg [dreg:$0x1];
	p0 =	sne.s32 s2, $0x0  }
0x4e: {  	s3 =	rddreg [dreg:$0x2];
	[bflag:$0x3] =	sbarrier.arrive $0xFFFF;
	s2 =	simm.s32 @!p0 $0x1C05  }
0x4f: {  	[timem:s3], [sflag:s2] =	dma.local @!p0 [hbm:s0], s1  }
0x50: {  	s0 =	simm.s32 @!p0 $0x5  }
0x51: {  	_ =	swait.ge @!p0 [sflag:s0], s1  }
0x52: {  	s1 =	ssub.s32 @!p0 $0x0, s1;
	[sflag:s0] =	ssyncset.done @!p0 $0x0  }
0x53: {  	[sflag:s0] =	ssyncadd.s32 @!p0 s1  }
0x54: {  	[bflag:$0x3] =	sbarrier.arrive $0xFFFF  }
0x55: {  	_ =	shalt  }

// kernel: kernel.15.cloned.1.call-start
scs
__scs_entry_jumppad:
0x0: {  	(pc) =	sbr.rel $0x88, $3  }
0x1: {  	(tag) =	ssettag $0x0;
	lr =	simm.s32 $0x1  }
0x2: {  	[smem:$0x3F87] =	sst lr;
	_ =	strace $0xD0000000  }
0x3: {  	_ = 	snop  }
0x4: {  	_ = 	snop  }
0x5: {  	_ = 	snop  }
0x6: {  	_ = 	snop  }
0x7: {  	_ = 	snop  }
__scs_overlays_trampoline_lowered:
0x8: {  	[smem:$0x3F96] =	sst s0  }
0x9: {  	[smem:$0x3F97] =	sst s1  }
0xa: {  	[smem:$0x3F98] =	sst s2  }
0xb: {  	[smem:$0x3F99] =	sst s3  }
0xc: {  	[smem:$0x3F9A] =	sst s4  }
0xd: {  	[smem:$0x3F9B] =	sst s5  }
0xe: {  	[smem:$0x3F9C] =	sst s6  }
0xf: {  	[smem:$0x3F9D] =	sst s7  }
0x10: {  	[smem:$0x3F9E] =	sst s8  }
0x11: {  	[smem:$0x3F9F] =	sst s9;
	s0 =	simm.s32 @!p0 $0x0  }
0x12: {  	s1 =	sld [smem:$0x3F85];
	s0 =	simm.s32 @p0 $0x1  }
0x13: {  	[smem:$0x3FA0] =	sst s0;
	s0 =	simm.s32 @!p1 $0x0  }
0x14: {  	s2 =	sld [smem:$0x3F84];
	s0 =	simm.s32 @p1 $0x1  }
0x15: {  	[smem:$0x3FA1] =	sst s0;
	s0 =	simm.s32 @!p2 $0x0  }
0x16: {  	s3 =	sld [smem:$0x3FDB];
	s0 =	simm.s32 @p2 $0x1  }
0x17: {  	s4 =	simm.s32 $0x1BF5;
	[smem:$0x3FA3] =	sst s0  }
0x18: {  	s0 =	sld [smem:$0x3F86];
	_ =	swait.ge [sflag:s4], $0x0  }
0x19: {  	s7 =	sld [smem:$0x3F87]  }
0x1a: {  	s8 =	sadd.s32 $0xFFFFE003, lr  }
0x1b: {  	s9 =	sadd.s32 $0xFFFFFEF7, lr;
	s5 =	simm.s32 $0xFFFFFFFF;
	p2 =	slt.u32 s8, $0xFFFFF086  }
0x1c: {  	p1 =	slt.u32 s9, $0xF7A;
	s5 =	simm.s32 @!p2 $0x0  }
0x1d: {  	s5 =	simm.s32 @p1 $0x1;
	p0 =	seq.s32 s7, s2  }
0x1e: {  	s7 =	smul.u32 @!p0 $0xF7A, s2;
	p2 =	seq.s32 @!p0 s5, $0x0  }
0x1f: {  	s9 =	smul.u32 $0xF7A, s1;
	s8 =	simm.s32 @!p0 $0x1BF5;
	p2 =	por !p2, p0  }
0x20: {  	[sflag:s8] =	ssyncset.s32 @!p0 $0xFFFFF086;
	s6 =	sadd.s32 @!p0 s3, s7;
	s7 =	simm.s32 @!p0 $0x108  }
0x21: {  	s3 =	sadd.s32 s3, s9;
	s6 =	sadd.s32 @!p0 $0x88, s6;
	s7 =	simm.s32 @p2 $0x1082  }
0x22: {  	[simem:s7], [sflag:s8] =	dma.local @!p0 [hbm:s6], $0xF7A  }
0x23: {  	s9 =	sor.u32 $0xD0000000, s2;
	s6 =	simm.s32 $0x108;
	_ =	swait.ge @!p0 [sflag:s8], $0x0  }
0x24: {  	s3 =	sadd.s32 $0x88, s3;
	s6 =	simm.s32 @!p1 $0x1082;
	[sflag:s4] =	ssyncset.s32 $0xFFFFF086  }
0x25: {  	[simem:s6], [sflag:s4] =	dma.local [hbm:s3], $0xF7A  }
0x26: {  	[smem:$0x3F87] =	sst s1;
	(tag) =	ssettag s2;
	_ =	strace s9  }
0x27: {  	s1 =	sld [smem:$0x3F97]  }
0x28: {  	s2 =	sld [smem:$0x3F98]  }
0x29: {  	s4 =	sld [smem:$0x3F9A]  }
0x2a: {  	p0 =	seq.s32 s5, $0x0;
	s5 =	sld [smem:$0x3F9B]  }
0x2b: {  	s6 =	sld [smem:$0x3F9C]  }
0x2c: {  	s7 =	sld [smem:$0x3F9D]  }
0x2d: {  	s3 =	simm.s32 $0x108;
	s8 =	sld [smem:$0x3F9E]  }
0x2e: {  	s3 =	simm.s32 @!p0 $0x1082;
	s9 =	sld [smem:$0x3F9F]  }
0x2f: {  	lr =	sadd.s32 s0, s3;
	s0 =	sld [smem:$0x3F96]  }
0x30: {  	s3 =	sld [smem:$0x3F99]  }
0x31: {  	[smem:$0x3FA2] =	sst s10  }
0x32: {  	s10 =	sld [smem:$0x3FA0];
	_ =	sdelay $0x3  }
0x33: {  	p0 =	seq.s32 s10, $0x1;
	s10 =	sld [smem:$0x3FA2];
	_ =	sdelay $0x3  }
0x34: {  	[smem:$0x3FA2] =	sst s10  }
0x35: {  	s10 =	sld [smem:$0x3FA1];
	_ =	sdelay $0x3  }
0x36: {  	p1 =	seq.s32 s10, $0x1;
	s10 =	sld [smem:$0x3FA2];
	_ =	sdelay $0x3  }
0x37: {  	[smem:$0x3FA2] =	sst s10  }
0x38: {  	s10 =	sld [smem:$0x3FA3]  }
0x39: {  	_ = 	snop;
	(pc) =	sbr.ind lr, $3  }
0x3a: {  	_ = 	snop  }
0x3b: {  	_ = 	snop  }
0x3c: {  	p2 =	seq.s32 s10, $0x1;
	s10 =	sld [smem:$0x3FA2]  }
0x3d: {  	_ =	shalt  }
0x3e: {  	_ =	shalt  }
0x3f: {  	_ =	shalt  }
0x40: {  	_ =	shalt  }
0x41: {  	_ =	shalt  }
0x42: {  	_ =	shalt  }
0x43: {  	_ =	shalt  }
0x44: {  	_ =	shalt  }
0x45: {  	_ =	shalt  }
0x46: {  	_ =	shalt  }
0x47: {  	_ =	shalt  }
0x48: {  	_ =	shalt  }
0x49: {  	_ =	shalt  }
0x4a: {  	_ =	shalt  }
0x4b: {  	_ =	shalt  }
0x4c: {  	_ =	shalt  }
0x4d: {  	_ =	shalt  }
0x4e: {  	_ =	shalt  }
0x4f: {  	_ =	shalt  }
0x50: {  	_ =	shalt  }
0x51: {  	_ =	shalt  }
0x52: {  	_ =	shalt  }
0x53: {  	_ =	shalt  }
0x54: {  	_ =	shalt  }
0x55: {  	_ =	shalt  }
0x56: {  	_ =	shalt  }
0x57: {  	_ =	shalt  }
0x58: {  	_ =	shalt  }
0x59: {  	_ =	shalt  }
0x5a: {  	_ =	shalt  }
0x5b: {  	_ =	shalt  }
0x5c: {  	_ =	shalt  }
0x5d: {  	_ =	shalt  }
0x5e: {  	_ =	shalt  }
0x5f: {  	_ =	shalt  }
0x60: {  	_ =	shalt  }
0x61: {  	_ =	shalt  }
0x62: {  	_ =	shalt  }
0x63: {  	_ =	shalt  }
0x64: {  	_ =	shalt  }
0x65: {  	_ =	shalt  }
0x66: {  	_ =	shalt  }
0x67: {  	_ =	shalt  }
0x68: {  	_ =	shalt  }
0x69: {  	_ =	shalt  }
0x6a: {  	_ =	shalt  }
0x6b: {  	_ =	shalt  }
0x6c: {  	_ =	shalt  }
0x6d: {  	_ =	shalt  }
0x6e: {  	_ =	shalt  }
0x6f: {  	_ =	shalt  }
0x70: {  	_ =	shalt  }
0x71: {  	_ =	shalt  }
0x72: {  	_ =	shalt  }
0x73: {  	_ =	shalt  }
0x74: {  	_ =	shalt  }
0x75: {  	_ =	shalt  }
0x76: {  	_ =	shalt  }
0x77: {  	_ =	shalt  }
0x78: {  	_ =	shalt  }
0x79: {  	_ =	shalt  }
0x7a: {  	_ =	shalt  }
0x7b: {  	_ =	shalt  }
0x7c: {  	_ =	shalt  }
0x7d: {  	_ =	shalt  }
0x7e: {  	_ =	shalt  }
0x7f: {  	_ =	shalt  }
0x80: {  	_ =	shalt  }
0x81: {  	_ =	shalt  }
0x82: {  	_ =	shalt  }
0x83: {  	_ =	shalt  }
0x84: {  	_ =	shalt  }
0x85: {  	_ =	shalt  }
0x86: {  	_ =	shalt  }
0x87: {  	_ =	shalt  }
.Lfunc_end0:
.L_simem_size_0:
called_computation.1_lowered:
.L_overlay_start_0:
0x88: {  	s2 =	sld [smem:$0x3FD9]  }
0x89: {  	s3 =	sld [smem:$0x3FFE];
	_ =	sdelay $0x1  }
0x8a: {  	s1 =	srdreg.scid  }
0x8b: {  	s0 =	sand.u32 $0x1, s1  }
0x8c: {  	s16 =	sshll.u32 s0, $0xA;
	s2 =	sadd.s32 s3, s2  }
0x8d: {  	s2 =	sadd.s32 s2, s16  }
0x8e: {  	[smem:$0x3FAE] =	sst s2  }
0x8f: {  	_ = 	snop  }
0x90: {  	(tm) =	ssettm $0x1  }
0x91: {  	s17 =	sld [smem:$0x3FFB];
	_ =	sdelay $0x3  }
0x92: {  	_ =	strace s17  }
0x93: {  	s2 =	sld [smem:$0x3FFC];
	_ =	sdelay $0x3  }
0x94: {  	_ =	strace s2  }
0x95: {  	s2 =	sld [smem:$0x3FFD];
	_ =	sdelay $0x3  }
0x96: {  	_ =	strace s2  }
0x97: {  	_ =	strace $0x8FFFFFFF  }
0x98: {  	s18 =	sld [smem:$0x3FDB];
	_ =	sdelay $0x1  }
0x99: {  	s19 =	simm.s32 $_scs_section_size  }
0x9a: {  	s4 =	simm.s32 $_size__tile_overlayer_lowered;
	s5 =	simm.s32 $_tile_overlayer_lowered  }
0x9b: {  	s22 =	simm.s32 $0x1BFF;
	s21 =	sshll.u32 s5, $0x1;
	s2 =	sadd.s32 s19, s18  }
0x9c: {  	s6 =	simm.s32 $0x0;
	s20 =	sshll.u32 s4, $0x1;
	s4 =	sadd.s32 s21, s2  }
0x9d: {  	[timem:s6], [sflag:s22] =	dma.local [hbm:s4], s20  }
0x9e: {  	_ =	swait.ge [sflag:s22], s20  }
0x9f: {  	s3 =	ssub.s32 $0x0, s20;
	[sflag:s22] =	ssyncset.done $0x0  }
0xa0: {  	[sflag:s22] =	ssyncadd.s32 s3;
	_ =	sdelay $0x1  }
0xa1: {  	s23 =	simm.s32 $0x1B8B  }
0xa2: {  	_ =	swait.ge [sflag:s23], $0x1  }
0xa3: {  	[sflag:s23] =	ssyncset.done $0x0  }
0xa4: {  	s25 =	simm.s32 $0x1B8E;
	s24 =	sld [smem:$0x3FFE];
	[sflag:s23] =	ssyncadd.s32 $0xFFFFFFFF  }
0xa5: {  	s26 =	simm.s32 $execute0_lowered;
	[smem:$0x3FD2] =	sst s25  }
0xa6: {  	s4 =	sshll.u32 s26, $0x1;
	_ =	strace $0x80000049;
	[dreg:$0x1] =	wrdreg $0xFFFFFFFF  }
0xa7: {  	s28 =	simm.s32 $_size_execute0_lowered;
	s2 =	sadd.s32 s2, s4;
	[dreg:$0x0] =	wrdreg $0x0  }
0xa8: {  	s4 =	sshll.u32 s28, $0x1;
	[dreg:$0x2] =	wrdreg s2  }
0xa9: {  	[dreg:$0x3] =	wrdreg s4  }
0xaa: {  	[dreg:$0x4] =	wrdreg $0xC0  }
0xab: {  	_ =	task [dreg:s6], $0x5FFFF  }
0xac: {  	[dreg:$0x1] =	wrdreg $0xFFFFFFFF  }
0xad: {  	[dreg:$0x0] =	wrdreg $0x60  }
0xae: {  	[dreg:$0x2] =	wrdreg s24  }
0xaf: {  	[dreg:$0x3] =	wrdreg $0x0  }
0xb0: {  	[dreg:$0x4] =	wrdreg $0x9  }
0xb1: {  	_ =	task.clear_ibuf [dreg:s6], $0x5FFFF;
	_ =	strace $0x90000049  }
0xb2: {  	s29 =	simm.s32 $0x9;
	_ =	strace $0x8000004B  }
0xb3: {  	_ =	swait.ge [sflag:s29], $0x1  }
0xb4: {  	[sflag:s29] =	ssyncadd.s32 $0xFFFFFFFF  }
0xb5: {  	_ =	strace $0x9000004B  }
0xb6: {  	_ =	sfence  }
0xb7: {  	s30 =	sld [smem:$0x0];
	_ =	sdelay $0x2  }
0xb8: {  	s31 =	sshll.u32 s1, $0xD;
	s1 =	sshrl.u32 s1, $0x2  }
0xb9: {  	s3 =	sand.u32 $0x4000, s31;
	s1 =	sadd.s32 s1, s30  }
0xba: {  	s0 =	sor.u32 s3, s0;
	s1 =	sshll.u32 s1, $0x11  }
0xbb: {  	s0 =	sor.u32 s1, s0  }
0xbc: {  	s0 =	sadd.s32 $0x8F2B, s0  }
0xbd: {  	[sflag:s0] =	ssyncadd.remote.s32 $0x1  }
0xbe: {  	_ =	sfence.sel $0xFFFF  }
0xbf: {  	[dreg:$0x0] =	wrdreg $0xFFFFFFFF;
	(pc) =	sbr.abs _section_cstart, $3  }
0xc0: {  	[dreg:$0x1] =	wrdreg $0xFFFFFFFF  }
0xc1: {  	_ =	task.clear_ibuf [dreg:s6], $0x2FFFF;
	_ =	strace $0x9FFFFFFF  }
0xc2: {  	(tm) =	ssettm $0x7FFFFFFF  }
0xc3: {  	_ =	shalt  }
tec
execute0_lowered:
.L_overlay_start_1:
0x0: {  	(tag) =	ssettag $0x1  }
0x1: {  	s0 =	rddreg [dreg:$0x0]  }
0x2: {  	s1 =	rddreg [dreg:$0x1]  }
0x3: {  	s3 =	simm.s32 $0x0;
	s14 =	stileid.u32;
	s5 =	srdreg.scid  }
0x4: {  	s28 =	simm.s32 $0x2;
	s29 =	simm.s32 $0x12680;
	s30 =	simm.s32 $0x12600  }
0x5: {  	s31 =	simm.s32 $0x20;
	s2 =	sadd.s32 $0xA93A00, s0;
	s4 =	sadd.s32 $0xA7FE00, s0  }
0x6: {  	[smem:$0x7FF] =	sst s3;
	s7 =	smul.u32 $0x1480, s14;
	s15 =	sadd.s32 $0xA89C00, s0  }
0x7: {  	s8 =	sadd.s32 $0xA76000, s0;
	s16 =	sadd.s32 $0xA6C200, s0;
	s10 =	smul.u32 $0x29000, s14  }
0x8: {  	s9 =	sand.u32 $0x1, s5;
	s11 =	sadd.s32 $0x30A00, s0;
	s13 =	smul.u32 $0x4E20, s14  }
0x9: {  	s25 =	smul.u32 $0x4E200, s14;
	_ =	strace $0x8000004A;
	s5 =	ssub.s32 $0x2, s9  }
0xa: {  	p0 =	seq.s32 s9, $0x0;
	s6 =	sadd.s32 s7, s0;
	s0 =	sadd.s32 $0x45200, s0  }
0xb: {  	s12 =	sshrl.u32 s5, $0x1;
	s24 =	sshrl.u32 s10, $0x2;
	s18 =	sadd.s32 s2, s25  }
0xc: {  	s19 =	sadd.s32 $0x4E00, s13;
	s13 =	sshrl.u32 s13, $0x3;
	s15 =	smov.u32 @p0 s4  }
0xd: {  	s16 =	smov.u32 @p0 s8;
	s25 =	smul.u32 $0x9C4, s14;
	s12 =	ssub.s32 s5, s12  }
0xe: {  	s17 =	sadd.s32 s24, s1;
	s26 =	sadd.s32 $0x1C200, s6;
	s6 =	sshll.u32 s14, $0x6  }
0xf: {  	s20 =	sshll.u32 s19, $0x4;
	s21 =	sshrl.u32 s19, $0x3;
	s23 =	sadd.s32 s15, s13  }
0x10: {  	s24 =	sadd.s32 s16, s13;
	s0 =	smov.u32 @p0 s11;
	s14 =	sadd.s32 $0x1000, s18  }
0x11: {  	s19 =	simm.s32 $0xA600;
	[dreg:$0x3] =	wrdreg s26;
	s5 =	sor.u32 $0x1C03, s6  }
0x12: {  	s2 =	sadd.s32 s2, s20;
	s22 =	smax.u32 s12, $0x1;
	[dreg:$0x6] =	wrdreg s23  }
0x13: {  	[dreg:$0x7] =	wrdreg s24;
	s26 =	sadd.s32 s15, s21;
	s13 =	sadd.s32 s0, s7  }
0x14: {  	s12 =	smov.u32 s18;
	s15 =	sadd.s32 s25, s15;
	s17 =	sshrl.u32 s17, $0x3  }
0x15: {  	s18 =	simm.s32 $0x3;
	s20 =	simm.s32 $0xA400;
	[dreg:$0x4] =	wrdreg s2  }
0x16: {  	s23 =	simm.s32 $0xA480;
	s24 =	simm.s32 $0xA580;
	[dreg:$0x5] =	wrdreg s22  }
0x17: {  	s0 =	simm.s32 $0x0;
	[dreg:$0x8] =	wrdreg s26;
	s2 =	sadd.s32 s16, s21  }
0x18: {  	s16 =	sadd.s32 s25, s16;
	s21 =	simm.s32 $0xA500;
	s22 =	simm.s32 $0xE600  }
0x19: {  	s25 =	simm.s32 $0x1;
	s26 =	simm.s32 $0x80;
	[dreg:$0x9] =	wrdreg s2  }
.LBB2_1:
0x1a: {  	s2 =	rddreg [dreg:$0x3]  }
0x1b: {  	[spmem:s17], [sflag:s5] =	dma.local [hbm:s2], $0x1480  }
0x1c: {  	_ =	swait.ge [sflag:s18], $0x1480  }
0x1d: {  	[sflag:s18] =	ssyncset.done $0x0  }
0x1e: {  	[sflag:s18] =	ssyncadd.s32 $0xFFFFEB80  }
0x1f: {  	[bflag:$0x0] =	sbarrier.arrive $0xFFFF  }
0x20: {  	[tilespmem:s19], [sflag:$0x1] =	stream.linear.gather [hbm4b:s12+s3], $0x4000, $0x38;
	[tilespmem:$0x13680] =	vst v63  }
0x21: {  	s6 =	rddreg [dreg:$0x6]  }
0x22: {  	[tilespmem:s20], [sflag:$0x1] =	stream.linear.gather [hbm4b:s6+s3], $0x80, $0x38;
	[tilespmem:$0x13680] =	vst v63  }
0x23: {  	s7 =	rddreg [dreg:$0x7]  }
0x24: {  	[tilespmem:s21], [sflag:$0x1] =	stream.linear.gather [hbm4b:s7+s3], $0x80, $0x38;
	[tilespmem:$0x13680] =	vst v63  }
0x25: {  	s8 =	sadd.s32 $0xFFFFF800, s14;
	s4 =	sadd.s32 $0x0, s15  }
0x26: {  	[tilespmem:s22], [sflag:$0x2] =	stream.linear.gather [hbm4b:s8+s3], $0x4000, $0x38;
	[tilespmem:$0x13680] =	vst v63  }
0x27: {  	s10 =	sadd.s32 $0x0, s16;
	s9 =	sadd.s32 $0x10, s4  }
0x28: {  	[tilespmem:s23], [sflag:$0x2] =	stream.linear.gather [hbm4b:s9+s3], $0x80, $0x38;
	[tilespmem:$0x13680] =	vst v63  }
0x29: {  	s11 =	sadd.s32 $0x10, s10  }
0x2a: {  	[tilespmem:s24], [sflag:$0x2] =	stream.linear.gather [hbm4b:s11+s3], $0x80, $0x38;
	[tilespmem:$0x13680] =	vst v63  }
0x2b: {  	_ =	swait.ge [sflag:s25], $0x4000  }
0x2c: {  	[sflag:s25] =	ssyncset.done $0x0  }
0x2d: {  	[sflag:s25] =	ssyncadd.s32 $0xFFFFC000  }
0x2e: {  	_ =	swait.ge [sflag:s25], $0x80  }
0x2f: {  	[sflag:s25] =	ssyncset.done $0x0  }
0x30: {  	[sflag:s25] =	ssyncadd.s32 $0xFFFFFF80  }
0x31: {  	_ =	swait.ge [sflag:s25], $0x80  }
0x32: {  	[sflag:s25] =	ssyncset.done $0x0  }
0x33: {  	[sflag:s25] =	ssyncadd.s32 $0xFFFFFF80  }
0x34: {  	[spmem:s1] =	stream.indirect.scatter.add.f32 [tilespmem:s19], [sflag:$0x3], $0x80, s20, s26, $0xb8;
	[tilespmem:$0x13680] =	vst v63  }
0x35: {  	_ =	swait.ge [sflag:s18], $0x4000  }
0x36: {  	[sflag:s18] =	ssyncset.done $0x0  }
0x37: {  	[sflag:s18] =	ssyncadd.s32 $0xFFFFC000  }
0x38: {  	[spmem:s1] =	stream.indirect.scatter.add.f32 [tilespmem:s19], [sflag:$0x3], $0x80, s21, s26, $0xb8;
	[tilespmem:$0x13680] =	vst v63  }
0x39: {  	p0 =	por $0x0, $0x0;
	_ =	swait.ge [sflag:s18], $0x4000  }
0x3a: {  	s2 =	simm.s32 @!p0 $0x0;
	[sflag:s18] =	ssyncset.done $0x0  }
0x3b: {  	s4 =	simm.s32 @!p0 $0xA600;
	s7 =	sadd.s32 @!p0 $0x0, s15;
	[sflag:s18] =	ssyncadd.s32 $0xFFFFC000  }
0x3c: {  	[tilespmem:s4], [sflag:$0x1] =	stream.linear.gather @!p0 [hbm4b:s14+s2], $0x4000, $0x38;
	[tilespmem:$0x13680] =	vst v63  }
0x3d: {  	s7 =	sadd.s32 @!p0 $0x20, s7;
	s4 =	simm.s32 @!p0 $0xA400  }
0x3e: {  	[tilespmem:s4], [sflag:$0x1] =	stream.linear.gather @!p0 [hbm4b:s7+s2], $0x80, $0x38;
	[tilespmem:$0x13680] =	vst v63  }
0x3f: {  	s4 =	sadd.s32 @!p0 $0x0, s16  }
0x40: {  	s7 =	simm.s32 @!p0 $0xA500;
	s4 =	sadd.s32 @!p0 $0x20, s4  }
0x41: {  	[tilespmem:s7], [sflag:$0x1] =	stream.linear.gather @!p0 [hbm4b:s4+s2], $0x80, $0x38;
	[tilespmem:$0x13680] =	vst v63  }
0x42: {  	_ =	swait.ge [sflag:s28], $0x4000  }
0x43: {  	[sflag:s28] =	ssyncset.done $0x0  }
0x44: {  	[sflag:s28] =	ssyncadd.s32 $0xFFFFC000  }
0x45: {  	_ =	swait.ge [sflag:s28], $0x80  }
0x46: {  	[sflag:s28] =	ssyncset.done $0x0  }
0x47: {  	[sflag:s28] =	ssyncadd.s32 $0xFFFFFF80  }
0x48: {  	_ =	swait.ge [sflag:s28], $0x80  }
0x49: {  	[sflag:s28] =	ssyncset.done $0x0  }
0x4a: {  	[sflag:s28] =	ssyncadd.s32 $0xFFFFFF80  }
0x4b: {  	[spmem:s1] =	stream.indirect.scatter.add.f32 [tilespmem:s22], [sflag:$0x3], $0x80, s23, s26, $0xb8;
	[tilespmem:$0x13680] =	vst v63  }
0x4c: {  	_ =	swait.ge [sflag:s18], $0x4000  }
0x4d: {  	[sflag:s18] =	ssyncset.done $0x0  }
0x4e: {  	s2 =	simm.s32 $0x20;
	[sflag:s18] =	ssyncadd.s32 $0xFFFFC000  }
0x4f: {  	[spmem:s1] =	stream.indirect.scatter.add.f32 [tilespmem:s22], [sflag:$0x3], $0x80, s24, s26, $0xb8;
	[tilespmem:$0x13680] =	vst v63  }
0x50: {  	s7 =	simm.s32 $0x40;
	s4 =	sadd.s32 $0x1000, s14;
	_ =	swait.ge [sflag:s18], $0x4000  }
.LBB2_2:
0x51: {  	s9 =	sadd.s32 $0xFFFFF800, s4;
	s6 =	sadd.s32 s2, s15;
	[sflag:s18] =	ssyncset.done $0x0  }
0x52: {  	s8 =	smov.u32 s7;
	s7 =	sadd.s32 $0x20, s7;
	[sflag:s18] =	ssyncadd.s32 $0xFFFFC000  }
0x53: {  	[tilespmem:s22], [sflag:$0x2] =	stream.linear.gather [hbm4b:s9+s3], $0x4000, $0x38;
	[tilespmem:$0x13680] =	vst v63  }
0x54: {  	p0 =	sne.s32 s7, $0x9C0;
	s6 =	sadd.s32 $0x10, s6;
	s9 =	sadd.s32 s2, s16  }
0x55: {  	[tilespmem:s23], [sflag:$0x2] =	stream.linear.gather [hbm4b:s6+s3], $0x80, $0x38;
	[tilespmem:$0x13680] =	vst v63  }
0x56: {  	s6 =	sadd.s32 $0x10, s9  }
0x57: {  	[tilespmem:s24], [sflag:$0x2] =	stream.linear.gather [hbm4b:s6+s3], $0x80, $0x38;
	[tilespmem:$0x13680] =	vst v63  }
0x58: {  	_ =	swait.ge [sflag:s25], $0x4000  }
0x59: {  	[sflag:s25] =	ssyncset.done $0x0  }
0x5a: {  	[sflag:s25] =	ssyncadd.s32 $0xFFFFC000  }
0x5b: {  	_ =	swait.ge [sflag:s25], $0x80  }
0x5c: {  	[sflag:s25] =	ssyncset.done $0x0  }
0x5d: {  	[sflag:s25] =	ssyncadd.s32 $0xFFFFFF80  }
0x5e: {  	_ =	swait.ge [sflag:s25], $0x80  }
0x5f: {  	[sflag:s25] =	ssyncset.done $0x0  }
0x60: {  	[sflag:s25] =	ssyncadd.s32 $0xFFFFFF80  }
0x61: {  	[spmem:s1] =	stream.indirect.scatter.add.f32 [tilespmem:s19], [sflag:$0x3], $0x80, s20, s26, $0xb8;
	[tilespmem:$0x13680] =	vst v63  }
0x62: {  	_ =	swait.ge [sflag:s18], $0x4000  }
0x63: {  	[sflag:s18] =	ssyncset.done $0x0  }
0x64: {  	[sflag:s18] =	ssyncadd.s32 $0xFFFFC000  }
0x65: {  	[spmem:s1] =	stream.indirect.scatter.add.f32 [tilespmem:s19], [sflag:$0x3], $0x80, s21, s26, $0xb8;
	[tilespmem:$0x13680] =	vst v63  }
0x66: {  	p1 =	seq.s32 s2, $0x9A0;
	_ =	swait.ge [sflag:s18], $0x4000  }
0x67: {  	s9 =	simm.s32 @!p1 $0xA600;
	s6 =	simm.s32 @!p1 $0x0;
	[sflag:s18] =	ssyncset.done $0x0  }
0x68: {  	s10 =	sadd.s32 @!p1 s2, s15;
	s11 =	simm.s32 @!p1 $0xA400;
	[sflag:s18] =	ssyncadd.s32 $0xFFFFC000  }
0x69: {  	[tilespmem:s9], [sflag:$0x1] =	stream.linear.gather @!p1 [hbm4b:s4+s6], $0x4000, $0x38;
	[tilespmem:$0x13680] =	vst v63  }
0x6a: {  	s2 =	sadd.s32 @!p1 s2, s16;
	s9 =	sadd.s32 @!p1 $0x20, s10;
	s10 =	simm.s32 @!p1 $0xA500  }
0x6b: {  	[tilespmem:s11], [sflag:$0x1] =	stream.linear.gather @!p1 [hbm4b:s9+s6], $0x80, $0x38;
	[tilespmem:$0x13680] =	vst v63  }
0x6c: {  	s9 =	sadd.s32 @!p1 $0x20, s2;
	s2 =	smov.u32 s8  }
0x6d: {  	[tilespmem:s10], [sflag:$0x1] =	stream.linear.gather @!p1 [hbm4b:s9+s6], $0x80, $0x38;
	[tilespmem:$0x13680] =	vst v63  }
0x6e: {  	_ =	swait.ge [sflag:s28], $0x4000  }
0x6f: {  	[sflag:s28] =	ssyncset.done $0x0  }
0x70: {  	[sflag:s28] =	ssyncadd.s32 $0xFFFFC000  }
0x71: {  	_ =	swait.ge [sflag:s28], $0x80  }
0x72: {  	[sflag:s28] =	ssyncset.done $0x0  }
0x73: {  	[sflag:s28] =	ssyncadd.s32 $0xFFFFFF80  }
0x74: {  	_ =	swait.ge [sflag:s28], $0x80  }
0x75: {  	[sflag:s28] =	ssyncset.done $0x0  }
0x76: {  	[sflag:s28] =	ssyncadd.s32 $0xFFFFFF80  }
0x77: {  	[spmem:s1] =	stream.indirect.scatter.add.f32 [tilespmem:s22], [sflag:$0x3], $0x80, s23, s26, $0xb8;
	[tilespmem:$0x13680] =	vst v63  }
.Ltmp0:
0x78: {  	_ =	swait.ge [sflag:s18], $0x4000;
	(pc) =	sbr.rel @p0 .LBB2_2-.Ltmp0, $4  }
0x79: {  	[sflag:s18] =	ssyncset.done $0x0  }
0x7a: {  	[sflag:s18] =	ssyncadd.s32 $0xFFFFC000  }
0x7b: {  	[spmem:s1] =	stream.indirect.scatter.add.f32 [tilespmem:s22], [sflag:$0x3], $0x80, s24, s26, $0xb8;
	[tilespmem:$0x13680] =	vst v63  }
0x7c: {  	s4 =	sadd.s32 $0x1000, s4;
	_ =	swait.ge [sflag:s18], $0x4000  }
0x7d: {  	[sflag:s18] =	ssyncset.done $0x0  }
0x7e: {  	s6 =	sadd.s32 $0xFFFFF800, s4;
	s7 =	sadd.s32 s2, s15;
	[sflag:s18] =	ssyncadd.s32 $0xFFFFC000  }
0x7f: {  	[tilespmem:s22], [sflag:$0x2] =	stream.linear.gather [hbm4b:s6+s3], $0x4000, $0x38;
	[tilespmem:$0x13680] =	vst v63  }
0x80: {  	s11 =	sadd.s32 s2, s16;
	s10 =	sadd.s32 $0x10, s7  }
0x81: {  	[tilespmem:s23], [sflag:$0x2] =	stream.linear.gather [hbm4b:s10+s3], $0x80, $0x38;
	[tilespmem:$0x13680] =	vst v63  }
0x82: {  	s7 =	sadd.s32 $0x10, s11  }
0x83: {  	[tilespmem:s24], [sflag:$0x2] =	stream.linear.gather [hbm4b:s7+s3], $0x80, $0x38;
	[tilespmem:$0x13680] =	vst v63  }
0x84: {  	_ =	swait.ge [sflag:s25], $0x4000  }
0x85: {  	[sflag:s25] =	ssyncset.done $0x0  }
0x86: {  	[sflag:s25] =	ssyncadd.s32 $0xFFFFC000  }
0x87: {  	_ =	swait.ge [sflag:s25], $0x80  }
0x88: {  	[sflag:s25] =	ssyncset.done $0x0  }
0x89: {  	[sflag:s25] =	ssyncadd.s32 $0xFFFFFF80  }
0x8a: {  	_ =	swait.ge [sflag:s25], $0x80  }
0x8b: {  	[sflag:s25] =	ssyncset.done $0x0  }
0x8c: {  	[sflag:s25] =	ssyncadd.s32 $0xFFFFFF80  }
0x8d: {  	[spmem:s1] =	stream.indirect.scatter.add.f32 [tilespmem:s19], [sflag:$0x3], $0x80, s20, s26, $0xb8;
	[tilespmem:$0x13680] =	vst v63  }
0x8e: {  	_ =	swait.ge [sflag:s18], $0x4000  }
0x8f: {  	[sflag:s18] =	ssyncset.done $0x0  }
0x90: {  	[sflag:s18] =	ssyncadd.s32 $0xFFFFC000  }
0x91: {  	[spmem:s1] =	stream.indirect.scatter.add.f32 [tilespmem:s19], [sflag:$0x3], $0x80, s21, s26, $0xb8;
	[tilespmem:$0x13680] =	vst v63  }
0x92: {  	_ =	swait.ge [sflag:s18], $0x4000  }
0x93: {  	p0 =	seq.s32 s2, $0x9A0;
	[sflag:s18] =	ssyncset.done $0x0  }
0x94: {  	s6 =	simm.s32 @!p0 $0x0;
	s7 =	simm.s32 @!p0 $0xA600;
	[sflag:s18] =	ssyncadd.s32 $0xFFFFC000  }
0x95: {  	[tilespmem:s7], [sflag:$0x1] =	stream.linear.gather @!p0 [hbm4b:s4+s6], $0x4000, $0x38;
	[tilespmem:$0x13680] =	vst v63  }
0x96: {  	s4 =	sadd.s32 @!p0 s2, s15  }
0x97: {  	s7 =	simm.s32 @!p0 $0xA400;
	s2 =	sadd.s32 @!p0 s2, s16;
	s4 =	sadd.s32 @!p0 $0x20, s4  }
0x98: {  	[tilespmem:s7], [sflag:$0x1] =	stream.linear.gather @!p0 [hbm4b:s4+s6], $0x80, $0x38;
	[tilespmem:$0x13680] =	vst v63  }
0x99: {  	s2 =	sadd.s32 @!p0 $0x20, s2;
	s4 =	simm.s32 @!p0 $0xA500  }
0x9a: {  	[tilespmem:s4], [sflag:$0x1] =	stream.linear.gather @!p0 [hbm4b:s2+s6], $0x80, $0x38;
	[tilespmem:$0x13680] =	vst v63  }
0x9b: {  	_ =	swait.ge [sflag:s28], $0x4000  }
0x9c: {  	[sflag:s28] =	ssyncset.done $0x0  }
0x9d: {  	[sflag:s28] =	ssyncadd.s32 $0xFFFFC000  }
0x9e: {  	_ =	swait.ge [sflag:s28], $0x80  }
0x9f: {  	[sflag:s28] =	ssyncset.done $0x0  }
0xa0: {  	[sflag:s28] =	ssyncadd.s32 $0xFFFFFF80  }
0xa1: {  	_ =	swait.ge [sflag:s28], $0x80  }
0xa2: {  	[sflag:s28] =	ssyncset.done $0x0  }
0xa3: {  	[sflag:s28] =	ssyncadd.s32 $0xFFFFFF80  }
0xa4: {  	[spmem:s1] =	stream.indirect.scatter.add.f32 [tilespmem:s22], [sflag:$0x3], $0x80, s23, s26, $0xb8;
	[tilespmem:$0x13680] =	vst v63  }
0xa5: {  	_ =	swait.ge [sflag:s18], $0x4000  }
0xa6: {  	[sflag:s18] =	ssyncset.done $0x0  }
0xa7: {  	[sflag:s18] =	ssyncadd.s32 $0xFFFFC000  }
0xa8: {  	[spmem:s1] =	stream.indirect.scatter.add.f32 [tilespmem:s22], [sflag:$0x3], $0x80, s24, s26, $0xb8;
	[tilespmem:$0x13680] =	vst v63  }
0xa9: {  	_ =	swait.ge [sflag:s18], $0x4000  }
0xaa: {  	[sflag:s18] =	ssyncset.done $0x0  }
0xab: {  	s8 =	rddreg [dreg:$0x4];
	[sflag:s18] =	ssyncadd.s32 $0xFFFFC000  }
0xac: {  	[tilespmem:s29], [sflag:$0x3] =	stream.linear.gather [hbm4b:s8+s3], $0x1000, $0x38;
	[tilespmem:$0x13680] =	vst v63  }
0xad: {  	_ =	swait.ge [sflag:s18], $0x1000  }
0xae: {  	[sflag:s18] =	ssyncset.done $0x0  }
0xaf: {  	s9 =	rddreg [dreg:$0x8];
	[sflag:s18] =	ssyncadd.s32 $0xFFFFF000  }
0xb0: {  	[tilespmem:s30], [sflag:$0x3] =	stream.linear.gather [hbm4b:s9+s3], $0x20, $0x38;
	[tilespmem:$0x13680] =	vst v63  }
0xb1: {  	_ =	swait.ge [sflag:s18], $0x20  }
0xb2: {  	[sflag:s18] =	ssyncset.done $0x0  }
0xb3: {  	[sflag:s18] =	ssyncadd.s32 $0xFFFFFFE0  }
0xb4: {  	[spmem:s1] =	stream.indirect.scatter.add.f32 [tilespmem:s29], [sflag:$0x3], $0x80, s30, s31, $0xb8;
	[tilespmem:$0x13680] =	vst v63  }
0xb5: {  	_ =	swait.ge [sflag:s18], $0x1000  }
0xb6: {  	[sflag:s18] =	ssyncset.done $0x0  }
0xb7: {  	s10 =	rddreg [dreg:$0x9];
	[sflag:s18] =	ssyncadd.s32 $0xFFFFF000  }
0xb8: {  	[tilespmem:s30], [sflag:$0x3] =	stream.linear.gather [hbm4b:s10+s3], $0x20, $0x38;
	[tilespmem:$0x13680] =	vst v63  }
0xb9: {  	_ =	swait.ge [sflag:s18], $0x20  }
0xba: {  	[sflag:s18] =	ssyncset.done $0x0  }
0xbb: {  	[sflag:s18] =	ssyncadd.s32 $0xFFFFFFE0  }
0xbc: {  	[spmem:s1] =	stream.indirect.scatter.add.f32 [tilespmem:s29], [sflag:$0x3], $0x80, s30, s31, $0xb8;
	[tilespmem:$0x13680] =	vst v63  }
0xbd: {  	_ =	swait.ge [sflag:s18], $0x1000  }
0xbe: {  	[sflag:s18] =	ssyncset.done $0x0  }
0xbf: {  	[sflag:s18] =	ssyncadd.s32 $0xFFFFF000  }
0xc0: {  	[bflag:$0x0] =	sbarrier.arrive $0xFFFF  }
0xc1: {  	[hbm:s13], [sflag:s5] =	dma.local [spmem:s17], $0x1480  }
0xc2: {  	_ =	swait.ge [sflag:s18], $0x1480  }
0xc3: {  	s0 =	sadd.s32 $0x1, s0;
	s11 =	rddreg [dreg:$0x5]  }
0xc4: {  	p0 =	sne.s32 s0, s11  }
.Ltmp1:
0xc5: {  	_ = 	snop;
	(pc) =	sbr.rel @p0 .LBB2_1-.Ltmp1, $3  }
0xc6: {  	_ =	sdelay $0x1  }
0xc7: {  	[sflag:s18] =	ssyncset.done $0x0  }
0xc8: {  	[sflag:s18] =	ssyncadd.s32 $0xFFFFEB80  }
0xc9: {  	_ =	sfence.sel $0x180000  }
0xca: {  	[bflag:$0x0] =	sbarrier.arrive $0xFFFF  }
0xcb: {  	_ =	strace $0x9000004A  }
0xcc: {  	s0 =	stileid.u32;
	[bflag:$0x2] =	sbarrier.arrive $0xFFFF  }
0xcd: {  	p0 =	sne.s32 s0, $0x0;
	s0 =	rddreg [dreg:$0x2]  }
0xce: {  	s0 =	sadd.s32 @!p0 $0x100000, s0  }
0xcf: {  	[sflag:s0] =	ssyncadd.tile.s32 @!p0 $0x1;
	_ =	shalt  }
.Lfunc_end2:
_tile_overlayer_lowered:
.L_overlay_start_2:
0xd0: {  	(tag) =	ssettag $0x2  }
0xd1: {  	s0 =	rddreg [dreg:$0x0];
	s2 =	stileid.u32  }
0xd2: {  	s1 =	rddreg [dreg:$0x1];
	p0 =	sne.s32 s2, $0x0  }
0xd3: {  	s3 =	rddreg [dreg:$0x2];
	[bflag:$0x3] =	sbarrier.arrive $0xFFFF;
	s2 =	simm.s32 @!p0 $0x1C03  }
0xd4: {  	[timem:s3], [sflag:s2] =	dma.local @!p0 [hbm:s0], s1  }
0xd5: {  	s0 =	simm.s32 @!p0 $0x3  }
0xd6: {  	_ =	swait.ge @!p0 [sflag:s0], s1  }
0xd7: {  	s1 =	ssub.s32 @!p0 $0x0, s1;
	[sflag:s0] =	ssyncset.done @!p0 $0x0  }
0xd8: {  	[sflag:s0] =	ssyncadd.s32 @!p0 s1  }
0xd9: {  	[bflag:$0x3] =	sbarrier.arrive $0xFFFF  }
0xda: {  	_ =	shalt  }

// kernel: kernel.18.cloned.1.call-start
scs
__scs_entry_jumppad:
0x0: {  	(pc) =	sbr.rel $0x88, $3  }
0x1: {  	(tag) =	ssettag $0x0;
	lr =	simm.s32 $0x1  }
0x2: {  	[smem:$0x3F87] =	sst lr;
	_ =	strace $0xD0000000  }
0x3: {  	_ = 	snop  }
0x4: {  	_ = 	snop  }
0x5: {  	_ = 	snop  }
0x6: {  	_ = 	snop  }
0x7: {  	_ = 	snop  }
__scs_overlays_trampoline_lowered:
0x8: {  	[smem:$0x3F96] =	sst s0  }
0x9: {  	[smem:$0x3F97] =	sst s1  }
0xa: {  	[smem:$0x3F98] =	sst s2  }
0xb: {  	[smem:$0x3F99] =	sst s3  }
0xc: {  	[smem:$0x3F9A] =	sst s4  }
0xd: {  	[smem:$0x3F9B] =	sst s5  }
0xe: {  	[smem:$0x3F9C] =	sst s6  }
0xf: {  	[smem:$0x3F9D] =	sst s7  }
0x10: {  	[smem:$0x3F9E] =	sst s8  }
0x11: {  	[smem:$0x3F9F] =	sst s9;
	s0 =	simm.s32 @!p0 $0x0  }
0x12: {  	s1 =	sld [smem:$0x3F85];
	s0 =	simm.s32 @p0 $0x1  }
0x13: {  	[smem:$0x3FA0] =	sst s0;
	s0 =	simm.s32 @!p1 $0x0  }
0x14: {  	s2 =	sld [smem:$0x3F84];
	s0 =	simm.s32 @p1 $0x1  }
0x15: {  	[smem:$0x3FA1] =	sst s0;
	s0 =	simm.s32 @!p2 $0x0  }
0x16: {  	s3 =	sld [smem:$0x3FDB];
	s0 =	simm.s32 @p2 $0x1  }
0x17: {  	s4 =	simm.s32 $0x1BF5;
	[smem:$0x3FA3] =	sst s0  }
0x18: {  	s0 =	sld [smem:$0x3F86];
	_ =	swait.ge [sflag:s4], $0x0  }
0x19: {  	s7 =	sld [smem:$0x3F87]  }
0x1a: {  	s8 =	sadd.s32 $0xFFFFE003, lr  }
0x1b: {  	s9 =	sadd.s32 $0xFFFFFEF7, lr;
	s5 =	simm.s32 $0xFFFFFFFF;
	p2 =	slt.u32 s8, $0xFFFFF086  }
0x1c: {  	p1 =	slt.u32 s9, $0xF7A;
	s5 =	simm.s32 @!p2 $0x0  }
0x1d: {  	s5 =	simm.s32 @p1 $0x1;
	p0 =	seq.s32 s7, s2  }
0x1e: {  	s7 =	smul.u32 @!p0 $0xF7A, s2;
	p2 =	seq.s32 @!p0 s5, $0x0  }
0x1f: {  	s9 =	smul.u32 $0xF7A, s1;
	s8 =	simm.s32 @!p0 $0x1BF5;
	p2 =	por !p2, p0  }
0x20: {  	[sflag:s8] =	ssyncset.s32 @!p0 $0xFFFFF086;
	s6 =	sadd.s32 @!p0 s3, s7;
	s7 =	simm.s32 @!p0 $0x108  }
0x21: {  	s3 =	sadd.s32 s3, s9;
	s6 =	sadd.s32 @!p0 $0x88, s6;
	s7 =	simm.s32 @p2 $0x1082  }
0x22: {  	[simem:s7], [sflag:s8] =	dma.local @!p0 [hbm:s6], $0xF7A  }
0x23: {  	s9 =	sor.u32 $0xD0000000, s2;
	s6 =	simm.s32 $0x108;
	_ =	swait.ge @!p0 [sflag:s8], $0x0  }
0x24: {  	s3 =	sadd.s32 $0x88, s3;
	s6 =	simm.s32 @!p1 $0x1082;
	[sflag:s4] =	ssyncset.s32 $0xFFFFF086  }
0x25: {  	[simem:s6], [sflag:s4] =	dma.local [hbm:s3], $0xF7A  }
0x26: {  	[smem:$0x3F87] =	sst s1;
	(tag) =	ssettag s2;
	_ =	strace s9  }
0x27: {  	s1 =	sld [smem:$0x3F97]  }
0x28: {  	s2 =	sld [smem:$0x3F98]  }
0x29: {  	s4 =	sld [smem:$0x3F9A]  }
0x2a: {  	p0 =	seq.s32 s5, $0x0;
	s5 =	sld [smem:$0x3F9B]  }
0x2b: {  	s6 =	sld [smem:$0x3F9C]  }
0x2c: {  	s7 =	sld [smem:$0x3F9D]  }
0x2d: {  	s3 =	simm.s32 $0x108;
	s8 =	sld [smem:$0x3F9E]  }
0x2e: {  	s3 =	simm.s32 @!p0 $0x1082;
	s9 =	sld [smem:$0x3F9F]  }
0x2f: {  	lr =	sadd.s32 s0, s3;
	s0 =	sld [smem:$0x3F96]  }
0x30: {  	s3 =	sld [smem:$0x3F99]  }
0x31: {  	[smem:$0x3FA2] =	sst s10  }
0x32: {  	s10 =	sld [smem:$0x3FA0];
	_ =	sdelay $0x3  }
0x33: {  	p0 =	seq.s32 s10, $0x1;
	s10 =	sld [smem:$0x3FA2];
	_ =	sdelay $0x3  }
0x34: {  	[smem:$0x3FA2] =	sst s10  }
0x35: {  	s10 =	sld [smem:$0x3FA1];
	_ =	sdelay $0x3  }
0x36: {  	p1 =	seq.s32 s10, $0x1;
	s10 =	sld [smem:$0x3FA2];
	_ =	sdelay $0x3  }
0x37: {  	[smem:$0x3FA2] =	sst s10  }
0x38: {  	s10 =	sld [smem:$0x3FA3]  }
0x39: {  	_ = 	snop;
	(pc) =	sbr.ind lr, $3  }
0x3a: {  	_ = 	snop  }
0x3b: {  	_ = 	snop  }
0x3c: {  	p2 =	seq.s32 s10, $0x1;
	s10 =	sld [smem:$0x3FA2]  }
0x3d: {  	_ =	shalt  }
0x3e: {  	_ =	shalt  }
0x3f: {  	_ =	shalt  }
0x40: {  	_ =	shalt  }
0x41: {  	_ =	shalt  }
0x42: {  	_ =	shalt  }
0x43: {  	_ =	shalt  }
0x44: {  	_ =	shalt  }
0x45: {  	_ =	shalt  }
0x46: {  	_ =	shalt  }
0x47: {  	_ =	shalt  }
0x48: {  	_ =	shalt  }
0x49: {  	_ =	shalt  }
0x4a: {  	_ =	shalt  }
0x4b: {  	_ =	shalt  }
0x4c: {  	_ =	shalt  }
0x4d: {  	_ =	shalt  }
0x4e: {  	_ =	shalt  }
0x4f: {  	_ =	shalt  }
0x50: {  	_ =	shalt  }
0x51: {  	_ =	shalt  }
0x52: {  	_ =	shalt  }
0x53: {  	_ =	shalt  }
0x54: {  	_ =	shalt  }
0x55: {  	_ =	shalt  }
0x56: {  	_ =	shalt  }
0x57: {  	_ =	shalt  }
0x58: {  	_ =	shalt  }
0x59: {  	_ =	shalt  }
0x5a: {  	_ =	shalt  }
0x5b: {  	_ =	shalt  }
0x5c: {  	_ =	shalt  }
0x5d: {  	_ =	shalt  }
0x5e: {  	_ =	shalt  }
0x5f: {  	_ =	shalt  }
0x60: {  	_ =	shalt  }
0x61: {  	_ =	shalt  }
0x62: {  	_ =	shalt  }
0x63: {  	_ =	shalt  }
0x64: {  	_ =	shalt  }
0x65: {  	_ =	shalt  }
0x66: {  	_ =	shalt  }
0x67: {  	_ =	shalt  }
0x68: {  	_ =	shalt  }
0x69: {  	_ =	shalt  }
0x6a: {  	_ =	shalt  }
0x6b: {  	_ =	shalt  }
0x6c: {  	_ =	shalt  }
0x6d: {  	_ =	shalt  }
0x6e: {  	_ =	shalt  }
0x6f: {  	_ =	shalt  }
0x70: {  	_ =	shalt  }
0x71: {  	_ =	shalt  }
0x72: {  	_ =	shalt  }
0x73: {  	_ =	shalt  }
0x74: {  	_ =	shalt  }
0x75: {  	_ =	shalt  }
0x76: {  	_ =	shalt  }
0x77: {  	_ =	shalt  }
0x78: {  	_ =	shalt  }
0x79: {  	_ =	shalt  }
0x7a: {  	_ =	shalt  }
0x7b: {  	_ =	shalt  }
0x7c: {  	_ =	shalt  }
0x7d: {  	_ =	shalt  }
0x7e: {  	_ =	shalt  }
0x7f: {  	_ =	shalt  }
0x80: {  	_ =	shalt  }
0x81: {  	_ =	shalt  }
0x82: {  	_ =	shalt  }
0x83: {  	_ =	shalt  }
0x84: {  	_ =	shalt  }
0x85: {  	_ =	shalt  }
0x86: {  	_ =	shalt  }
0x87: {  	_ =	shalt  }
.Lfunc_end0:
.L_simem_size_0:
called_computation.2_lowered:
.L_overlay_start_0:
0x88: {  	s2 =	sld [smem:$0x3FD9]  }
0x89: {  	s3 =	sld [smem:$0x3FFE];
	_ =	sdelay $0x1  }
0x8a: {  	s1 =	srdreg.scid  }
0x8b: {  	s0 =	sand.u32 $0x1, s1  }
0x8c: {  	s16 =	sshll.u32 s0, $0xA;
	s2 =	sadd.s32 s3, s2  }
0x8d: {  	s2 =	sadd.s32 s2, s16  }
0x8e: {  	[smem:$0x3FAE] =	sst s2  }
0x8f: {  	_ = 	snop  }
0x90: {  	(tm) =	ssettm $0x1  }
0x91: {  	s17 =	sld [smem:$0x3FFB];
	_ =	sdelay $0x3  }
0x92: {  	_ =	strace s17  }
0x93: {  	s2 =	sld [smem:$0x3FFC];
	_ =	sdelay $0x3  }
0x94: {  	_ =	strace s2  }
0x95: {  	s2 =	sld [smem:$0x3FFD];
	_ =	sdelay $0x3  }
0x96: {  	_ =	strace s2  }
0x97: {  	_ =	strace $0x8FFFFFFF  }
0x98: {  	s18 =	sld [smem:$0x3FDB];
	_ =	sdelay $0x1  }
0x99: {  	s19 =	simm.s32 $_scs_section_size  }
0x9a: {  	s4 =	simm.s32 $_size__tile_overlayer_lowered;
	s5 =	simm.s32 $_tile_overlayer_lowered  }
0x9b: {  	s22 =	simm.s32 $0x1BFF;
	s21 =	sshll.u32 s5, $0x1;
	s2 =	sadd.s32 s19, s18  }
0x9c: {  	s6 =	simm.s32 $0x0;
	s20 =	sshll.u32 s4, $0x1;
	s4 =	sadd.s32 s21, s2  }
0x9d: {  	[timem:s6], [sflag:s22] =	dma.local [hbm:s4], s20  }
0x9e: {  	_ =	swait.ge [sflag:s22], s20  }
0x9f: {  	s3 =	ssub.s32 $0x0, s20;
	[sflag:s22] =	ssyncset.done $0x0  }
0xa0: {  	[sflag:s22] =	ssyncadd.s32 s3;
	_ =	sdelay $0x1  }
0xa1: {  	s23 =	simm.s32 $0x1B8B  }
0xa2: {  	_ =	swait.ge [sflag:s23], $0x1  }
0xa3: {  	[sflag:s23] =	ssyncset.done $0x0  }
0xa4: {  	s25 =	simm.s32 $0x1B8E;
	s24 =	sld [smem:$0x3FFE];
	[sflag:s23] =	ssyncadd.s32 $0xFFFFFFFF  }
0xa5: {  	s26 =	simm.s32 $execute0_lowered;
	[smem:$0x3FD2] =	sst s25  }
0xa6: {  	s4 =	sshll.u32 s26, $0x1;
	_ =	strace $0x8000004C;
	[dreg:$0x1] =	wrdreg $0xFFFFFFFF  }
0xa7: {  	s28 =	simm.s32 $_size_execute0_lowered;
	s2 =	sadd.s32 s2, s4;
	[dreg:$0x0] =	wrdreg $0x0  }
0xa8: {  	s4 =	sshll.u32 s28, $0x1;
	[dreg:$0x2] =	wrdreg s2  }
0xa9: {  	[dreg:$0x3] =	wrdreg s4  }
0xaa: {  	[dreg:$0x4] =	wrdreg $0xC0  }
0xab: {  	_ =	task [dreg:s6], $0x5FFFF  }
0xac: {  	[dreg:$0x1] =	wrdreg $0xFFFFFFFF  }
0xad: {  	[dreg:$0x0] =	wrdreg $0x60  }
0xae: {  	[dreg:$0x2] =	wrdreg s24  }
0xaf: {  	[dreg:$0x3] =	wrdreg $0x0  }
0xb0: {  	[dreg:$0x4] =	wrdreg $0x9  }
0xb1: {  	_ =	task.clear_ibuf [dreg:s6], $0x5FFFF;
	_ =	strace $0x9000004C  }
0xb2: {  	s29 =	simm.s32 $0x9;
	_ =	strace $0x8000004E  }
0xb3: {  	_ =	swait.ge [sflag:s29], $0x1  }
0xb4: {  	[sflag:s29] =	ssyncadd.s32 $0xFFFFFFFF  }
0xb5: {  	_ =	strace $0x9000004E  }
0xb6: {  	_ =	sfence  }
0xb7: {  	s30 =	sld [smem:$0x0];
	_ =	sdelay $0x2  }
0xb8: {  	s31 =	sshll.u32 s1, $0xD;
	s1 =	sshrl.u32 s1, $0x2  }
0xb9: {  	s3 =	sand.u32 $0x4000, s31;
	s1 =	sadd.s32 s1, s30  }
0xba: {  	s0 =	sor.u32 s3, s0;
	s1 =	sshll.u32 s1, $0x11  }
0xbb: {  	s0 =	sor.u32 s1, s0  }
0xbc: {  	s0 =	sadd.s32 $0x8F2B, s0  }
0xbd: {  	[sflag:s0] =	ssyncadd.remote.s32 $0x1  }
0xbe: {  	_ =	sfence.sel $0xFFFF  }
0xbf: {  	[dreg:$0x0] =	wrdreg $0xFFFFFFFF;
	(pc) =	sbr.abs _section_cstart, $3  }
0xc0: {  	[dreg:$0x1] =	wrdreg $0xFFFFFFFF  }
0xc1: {  	_ =	task.clear_ibuf [dreg:s6], $0x2FFFF;
	_ =	strace $0x9FFFFFFF  }
0xc2: {  	(tm) =	ssettm $0x7FFFFFFF  }
0xc3: {  	_ =	shalt  }
tec
execute0_lowered:
.L_overlay_start_1:
0x0: {  	(tag) =	ssettag $0x1  }
0x1: {  	s4 =	rddreg [dreg:$0x0]  }
0x2: {  	s1 =	rddreg [dreg:$0x1]  }
0x3: {  	s0 =	rddreg [dreg:$0x2]  }
0x4: {  	s2 =	simm.s32 $0x0;
	s8 =	srdreg.scid;
	s3 =	stileid.u32  }
0x5: {  	s16 =	simm.s32 $0x14080;
	s17 =	simm.s32 $0x18100;
	s18 =	simm.s32 $0x1  }
0x6: {  	s19 =	simm.s32 $0x2;
	s20 =	simm.s32 $0x3;
	s21 =	simm.s32 $0x4  }
0x7: {  	s22 =	simm.s32 $0x0;
	[smem:$0x7FF] =	sst s2;
	s5 =	sadd.s32 $0x58A00, s4  }
0x8: {  	s6 =	sadd.s32 $0x30A00, s4;
	s7 =	sadd.s32 $0x7200, s4;
	s10 =	smul.u32 $0x50000, s3  }
0x9: {  	s9 =	sadd.s32 $0x11200, s4;
	s8 =	sand.u32 $0x1, s8;
	s15 =	smul.u32 $0x5000, s3  }
0xa: {  	s11 =	sadd.s32 $0xA8A00, s4;
	s12 =	sadd.s32 $0xF75A00, s4;
	s26 =	smul.u32 $0x2800, s3  }
0xb: {  	s29 =	smul.u32 $0xA00, s3;
	s30 =	sshll.u32 s3, $0x6;
	_ =	strace $0x8000004D  }
0xc: {  	s25 =	ssub.s32 $0x2, s8;
	p0 =	seq.s32 s8, $0x0;
	s8 =	sor.u32 $0x1C05, s30  }
0xd: {  	s13 =	sshrl.u32 s25, $0x1;
	s14 =	sshrl.u32 s10, $0x2;
	s28 =	sshrl.u32 s15, $0x3  }
0xe: {  	s9 =	smov.u32 @p0 s7;
	s6 =	smov.u32 @p0 s5;
	s12 =	smov.u32 @p0 s11  }
.Ltmp0:
0xf: {  	s15 =	simm.s32 $0x14100;
	s13 =	ssub.s32 s25, s13;
	(pc) =	sbr.rel .LBB2_1-.Ltmp0, $4  }
0x10: {  	s14 =	sadd.s32 s14, s1;
	s4 =	sadd.s32 s9, s28;
	s6 =	sadd.s32 s6, s26  }
0x11: {  	s31 =	sadd.s32 s29, s9;
	s9 =	sadd.s32 s10, s12;
	s12 =	simm.s32 $0x5  }
0x12: {  	s5 =	smax.u32 s13, $0x1;
	s7 =	sadd.s32 $0x10, s4;
	s10 =	sadd.s32 $0x30, s31  }
0x13: {  	s11 =	sshrl.u32 s14, $0x3;
	s13 =	simm.s32 $0x14000;
	s14 =	simm.s32 $0x80  }
.LBB2_4:
0x14: {  	s22 =	sadd.s32 $0x1, s22  }
0x15: {  	_ =	swait.ge [sflag:s20], $0x4000;
	p0 =	sne.s32 s22, s5  }
.Ltmp1:
0x16: {  	[sflag:s20] =	ssyncset.done $0x0;
	(pc) =	sbr.rel @!p0 .LBB2_5-.Ltmp1, $4  }
0x17: {  	[sflag:s20] =	ssyncadd.s32 $0xFFFFC000  }
0x18: {  	_ =	swait.ge [sflag:s21], $0x4000  }
0x19: {  	[sflag:s21] =	ssyncset.done $0x0  }
0x1a: {  	[sflag:s21] =	ssyncadd.s32 $0xFFFFC000  }
.LBB2_1:
0x1b: {  	[spmem:s11], [sflag:s8] =	dma.local [hbm:s6], $0x2800  }
0x1c: {  	_ =	swait.ge [sflag:s12], $0x2800  }
0x1d: {  	[sflag:s12] =	ssyncset.done $0x0  }
0x1e: {  	[sflag:s12] =	ssyncadd.s32 $0xFFFFD800  }
0x1f: {  	[bflag:$0x0] =	sbarrier.arrive $0xFFFF  }
0x20: {  	[tilespmem:s13], [sflag:$0x5] =	stream.linear.gather [hbm4b:s4+s2], $0x80, $0x38;
	[tilespmem:$0x1C100] =	vst v63  }
0x21: {  	_ =	swait.ge [sflag:s12], $0x80  }
0x22: {  	[sflag:s12] =	ssyncset.done $0x0  }
0x23: {  	[sflag:s12] =	ssyncadd.s32 $0xFFFFFF80  }
0x24: {  	[tilespmem:s15], [sflag:$0x1] =	stream.indirect.gather [spmem:s1], $0x80, s13, s14, $0xb8;
	[tilespmem:$0x1C100] =	vst v63  }
0x25: {  	_ = 	snop  }
0x26: {  	[tilespmem:s16], [sflag:$0x5] =	stream.linear.gather [hbm4b:s7+s2], $0x80, $0x38;
	[tilespmem:$0x1C100] =	vst v63  }
0x27: {  	_ =	swait.ge [sflag:s12], $0x80  }
0x28: {  	[sflag:s12] =	ssyncset.done $0x0  }
0x29: {  	s23 =	smov.u32 s10;
	s24 =	simm.s32 $0x0;
	[sflag:s12] =	ssyncadd.s32 $0xFFFFFF80  }
0x2a: {  	[tilespmem:s17], [sflag:$0x2] =	stream.indirect.gather [spmem:s1], $0x80, s16, s14, $0xb8;
	[tilespmem:$0x1C100] =	vst v63  }
.LBB2_2:
0x2b: {  	_ =	swait.ge [sflag:s18], $0x4000  }
0x2c: {  	p0 =	seq.s32 s24, $0x4F000;
	[sflag:s18] =	ssyncset.done $0x0  }
0x2d: {  	s25 =	sadd.s32 s24, s9;
	s26 =	simm.s32 @!p0 $0x3;
	[sflag:s18] =	ssyncadd.s32 $0xFFFFC000  }
0x2e: {  	[hbm4b:s25+s2] =	stream.linear.scatter [tilespmem:s15], [sflag:$0x3], $0x4000, $0x38;
	[tilespmem:$0x1C100] =	vst v63  }
0x2f: {  	_ =	swait.ge @!p0 [sflag:s26], $0x4000  }
0x30: {  	s28 =	simm.s32 @!p0 $0x0;
	[sflag:s26] =	ssyncset.done @!p0 $0x0  }
0x31: {  	s29 =	simm.s32 @!p0 $0x14000;
	[sflag:s26] =	ssyncadd.s32 @!p0 $0xFFFFC000;
	s26 =	sadd.s32 @!p0 $0xFFFFFFF0, s23  }
0x32: {  	[tilespmem:s29], [sflag:$0x5] =	stream.linear.gather @!p0 [hbm4b:s26+s28], $0x80, $0x38;
	[tilespmem:$0x1C100] =	vst v63  }
0x33: {  	s26 =	simm.s32 @!p0 $0x5  }
0x34: {  	_ =	swait.ge @!p0 [sflag:s26], $0x80  }
0x35: {  	[sflag:s26] =	ssyncset.done @!p0 $0x0  }
0x36: {  	s28 =	simm.s32 @!p0 $0x14100;
	[sflag:s26] =	ssyncadd.s32 @!p0 $0xFFFFFF80;
	s26 =	simm.s32 @!p0 $0x80  }
0x37: {  	[tilespmem:s28], [sflag:$0x1] =	stream.indirect.gather @!p0 [spmem:s1], $0x80, s29, s26, $0xb8;
	[tilespmem:$0x1C100] =	vst v63  }
.Ltmp2:
0x38: {  	_ = 	snop;
	(pc) =	sbr.rel @p0 .LBB2_4-.Ltmp2, $4  }
0x39: {  	_ =	swait.ge [sflag:s19], $0x4000  }
0x3a: {  	[sflag:s19] =	ssyncset.done $0x0  }
0x3b: {  	s25 =	sadd.s32 $0x800, s25;
	[sflag:s19] =	ssyncadd.s32 $0xFFFFC000  }
0x3c: {  	[hbm4b:s25+s2] =	stream.linear.scatter [tilespmem:s17], [sflag:$0x4], $0x4000, $0x38;
	[tilespmem:$0x1C100] =	vst v63  }
0x3d: {  	_ =	swait.ge [sflag:s21], $0x4000  }
0x3e: {  	[sflag:s21] =	ssyncset.done $0x0  }
0x3f: {  	[sflag:s21] =	ssyncadd.s32 $0xFFFFC000  }
0x40: {  	[tilespmem:s16], [sflag:$0x5] =	stream.linear.gather [hbm4b:s23+s2], $0x80, $0x38;
	[tilespmem:$0x1C100] =	vst v63  }
.Ltmp3:
0x41: {  	_ = 	snop;
	(pc) =	sbr.rel .LBB2_2-.Ltmp3, $4  }
0x42: {  	_ =	swait.ge [sflag:s12], $0x80  }
0x43: {  	[sflag:s12] =	ssyncset.done $0x0  }
0x44: {  	s24 =	sadd.s32 $0x1000, s24;
	s23 =	sadd.s32 $0x20, s23;
	[sflag:s12] =	ssyncadd.s32 $0xFFFFFF80  }
0x45: {  	[tilespmem:s17], [sflag:$0x2] =	stream.indirect.gather [spmem:s1], $0x80, s16, s14, $0xb8;
	[tilespmem:$0x1C100] =	vst v63  }
.LBB2_5:
0x46: {  	_ =	sfence.sel $0x180000  }
0x47: {  	[bflag:$0x0] =	sbarrier.arrive $0xFFFF  }
0x48: {  	p0 =	sne.s32 s3, $0x0;
	_ =	strace $0x9000004D  }
0x49: {  	s0 =	sadd.s32 @!p0 $0x100000, s0;
	[bflag:$0x2] =	sbarrier.arrive $0xFFFF  }
0x4a: {  	[sflag:s0] =	ssyncadd.tile.s32 @!p0 $0x1;
	_ =	shalt  }
.Lfunc_end2:
_tile_overlayer_lowered:
.L_overlay_start_2:
0x4b: {  	(tag) =	ssettag $0x2  }
0x4c: {  	s0 =	rddreg [dreg:$0x0];
	s2 =	stileid.u32  }
0x4d: {  	s1 =	rddreg [dreg:$0x1];
	p0 =	sne.s32 s2, $0x0  }
0x4e: {  	s3 =	rddreg [dreg:$0x2];
	[bflag:$0x3] =	sbarrier.arrive $0xFFFF;
	s2 =	simm.s32 @!p0 $0x1C05  }
0x4f: {  	[timem:s3], [sflag:s2] =	dma.local @!p0 [hbm:s0], s1  }
0x50: {  	s0 =	simm.s32 @!p0 $0x5  }
0x51: {  	_ =	swait.ge @!p0 [sflag:s0], s1  }
0x52: {  	s1 =	ssub.s32 @!p0 $0x0, s1;
	[sflag:s0] =	ssyncset.done @!p0 $0x0  }
0x53: {  	[sflag:s0] =	ssyncadd.s32 @!p0 s1  }
0x54: {  	[bflag:$0x3] =	sbarrier.arrive $0xFFFF  }
0x55: {  	_ =	shalt  }

// kernel: kernel.21.cloned.1.call-start
scs
__scs_entry_jumppad:
0x0: {  	(pc) =	sbr.rel $0x88, $3  }
0x1: {  	(tag) =	ssettag $0x0;
	lr =	simm.s32 $0x1  }
0x2: {  	[smem:$0x3F87] =	sst lr;
	_ =	strace $0xD0000000  }
0x3: {  	_ = 	snop  }
0x4: {  	_ = 	snop  }
0x5: {  	_ = 	snop  }
0x6: {  	_ = 	snop  }
0x7: {  	_ = 	snop  }
__scs_overlays_trampoline_lowered:
0x8: {  	[smem:$0x3F96] =	sst s0  }
0x9: {  	[smem:$0x3F97] =	sst s1  }
0xa: {  	[smem:$0x3F98] =	sst s2  }
0xb: {  	[smem:$0x3F99] =	sst s3  }
0xc: {  	[smem:$0x3F9A] =	sst s4  }
0xd: {  	[smem:$0x3F9B] =	sst s5  }
0xe: {  	[smem:$0x3F9C] =	sst s6  }
0xf: {  	[smem:$0x3F9D] =	sst s7  }
0x10: {  	[smem:$0x3F9E] =	sst s8  }
0x11: {  	[smem:$0x3F9F] =	sst s9;
	s0 =	simm.s32 @!p0 $0x0  }
0x12: {  	s1 =	sld [smem:$0x3F85];
	s0 =	simm.s32 @p0 $0x1  }
0x13: {  	[smem:$0x3FA0] =	sst s0;
	s0 =	simm.s32 @!p1 $0x0  }
0x14: {  	s2 =	sld [smem:$0x3F84];
	s0 =	simm.s32 @p1 $0x1  }
0x15: {  	[smem:$0x3FA1] =	sst s0;
	s0 =	simm.s32 @!p2 $0x0  }
0x16: {  	s3 =	sld [smem:$0x3FDB];
	s0 =	simm.s32 @p2 $0x1  }
0x17: {  	s4 =	simm.s32 $0x1BF5;
	[smem:$0x3FA3] =	sst s0  }
0x18: {  	s0 =	sld [smem:$0x3F86];
	_ =	swait.ge [sflag:s4], $0x0  }
0x19: {  	s7 =	sld [smem:$0x3F87]  }
0x1a: {  	s8 =	sadd.s32 $0xFFFFE003, lr  }
0x1b: {  	s9 =	sadd.s32 $0xFFFFFEF7, lr;
	s5 =	simm.s32 $0xFFFFFFFF;
	p2 =	slt.u32 s8, $0xFFFFF086  }
0x1c: {  	p1 =	slt.u32 s9, $0xF7A;
	s5 =	simm.s32 @!p2 $0x0  }
0x1d: {  	s5 =	simm.s32 @p1 $0x1;
	p0 =	seq.s32 s7, s2  }
0x1e: {  	s7 =	smul.u32 @!p0 $0xF7A, s2;
	p2 =	seq.s32 @!p0 s5, $0x0  }
0x1f: {  	s9 =	smul.u32 $0xF7A, s1;
	s8 =	simm.s32 @!p0 $0x1BF5;
	p2 =	por !p2, p0  }
0x20: {  	[sflag:s8] =	ssyncset.s32 @!p0 $0xFFFFF086;
	s6 =	sadd.s32 @!p0 s3, s7;
	s7 =	simm.s32 @!p0 $0x108  }
0x21: {  	s3 =	sadd.s32 s3, s9;
	s6 =	sadd.s32 @!p0 $0x88, s6;
	s7 =	simm.s32 @p2 $0x1082  }
0x22: {  	[simem:s7], [sflag:s8] =	dma.local @!p0 [hbm:s6], $0xF7A  }
0x23: {  	s9 =	sor.u32 $0xD0000000, s2;
	s6 =	simm.s32 $0x108;
	_ =	swait.ge @!p0 [sflag:s8], $0x0  }
0x24: {  	s3 =	sadd.s32 $0x88, s3;
	s6 =	simm.s32 @!p1 $0x1082;
	[sflag:s4] =	ssyncset.s32 $0xFFFFF086  }
0x25: {  	[simem:s6], [sflag:s4] =	dma.local [hbm:s3], $0xF7A  }
0x26: {  	[smem:$0x3F87] =	sst s1;
	(tag) =	ssettag s2;
	_ =	strace s9  }
0x27: {  	s1 =	sld [smem:$0x3F97]  }
0x28: {  	s2 =	sld [smem:$0x3F98]  }
0x29: {  	s4 =	sld [smem:$0x3F9A]  }
0x2a: {  	p0 =	seq.s32 s5, $0x0;
	s5 =	sld [smem:$0x3F9B]  }
0x2b: {  	s6 =	sld [smem:$0x3F9C]  }
0x2c: {  	s7 =	sld [smem:$0x3F9D]  }
0x2d: {  	s3 =	simm.s32 $0x108;
	s8 =	sld [smem:$0x3F9E]  }
0x2e: {  	s3 =	simm.s32 @!p0 $0x1082;
	s9 =	sld [smem:$0x3F9F]  }
0x2f: {  	lr =	sadd.s32 s0, s3;
	s0 =	sld [smem:$0x3F96]  }
0x30: {  	s3 =	sld [smem:$0x3F99]  }
0x31: {  	[smem:$0x3FA2] =	sst s10  }
0x32: {  	s10 =	sld [smem:$0x3FA0];
	_ =	sdelay $0x3  }
0x33: {  	p0 =	seq.s32 s10, $0x1;
	s10 =	sld [smem:$0x3FA2];
	_ =	sdelay $0x3  }
0x34: {  	[smem:$0x3FA2] =	sst s10  }
0x35: {  	s10 =	sld [smem:$0x3FA1];
	_ =	sdelay $0x3  }
0x36: {  	p1 =	seq.s32 s10, $0x1;
	s10 =	sld [smem:$0x3FA2];
	_ =	sdelay $0x3  }
0x37: {  	[smem:$0x3FA2] =	sst s10  }
0x38: {  	s10 =	sld [smem:$0x3FA3]  }
0x39: {  	_ = 	snop;
	(pc) =	sbr.ind lr, $3  }
0x3a: {  	_ = 	snop  }
0x3b: {  	_ = 	snop  }
0x3c: {  	p2 =	seq.s32 s10, $0x1;
	s10 =	sld [smem:$0x3FA2]  }
0x3d: {  	_ =	shalt  }
0x3e: {  	_ =	shalt  }
0x3f: {  	_ =	shalt  }
0x40: {  	_ =	shalt  }
0x41: {  	_ =	shalt  }
0x42: {  	_ =	shalt  }
0x43: {  	_ =	shalt  }
0x44: {  	_ =	shalt  }
0x45: {  	_ =	shalt  }
0x46: {  	_ =	shalt  }
0x47: {  	_ =	shalt  }
0x48: {  	_ =	shalt  }
0x49: {  	_ =	shalt  }
0x4a: {  	_ =	shalt  }
0x4b: {  	_ =	shalt  }
0x4c: {  	_ =	shalt  }
0x4d: {  	_ =	shalt  }
0x4e: {  	_ =	shalt  }
0x4f: {  	_ =	shalt  }
0x50: {  	_ =	shalt  }
0x51: {  	_ =	shalt  }
0x52: {  	_ =	shalt  }
0x53: {  	_ =	shalt  }
0x54: {  	_ =	shalt  }
0x55: {  	_ =	shalt  }
0x56: {  	_ =	shalt  }
0x57: {  	_ =	shalt  }
0x58: {  	_ =	shalt  }
0x59: {  	_ =	shalt  }
0x5a: {  	_ =	shalt  }
0x5b: {  	_ =	shalt  }
0x5c: {  	_ =	shalt  }
0x5d: {  	_ =	shalt  }
0x5e: {  	_ =	shalt  }
0x5f: {  	_ =	shalt  }
0x60: {  	_ =	shalt  }
0x61: {  	_ =	shalt  }
0x62: {  	_ =	shalt  }
0x63: {  	_ =	shalt  }
0x64: {  	_ =	shalt  }
0x65: {  	_ =	shalt  }
0x66: {  	_ =	shalt  }
0x67: {  	_ =	shalt  }
0x68: {  	_ =	shalt  }
0x69: {  	_ =	shalt  }
0x6a: {  	_ =	shalt  }
0x6b: {  	_ =	shalt  }
0x6c: {  	_ =	shalt  }
0x6d: {  	_ =	shalt  }
0x6e: {  	_ =	shalt  }
0x6f: {  	_ =	shalt  }
0x70: {  	_ =	shalt  }
0x71: {  	_ =	shalt  }
0x72: {  	_ =	shalt  }
0x73: {  	_ =	shalt  }
0x74: {  	_ =	shalt  }
0x75: {  	_ =	shalt  }
0x76: {  	_ =	shalt  }
0x77: {  	_ =	shalt  }
0x78: {  	_ =	shalt  }
0x79: {  	_ =	shalt  }
0x7a: {  	_ =	shalt  }
0x7b: {  	_ =	shalt  }
0x7c: {  	_ =	shalt  }
0x7d: {  	_ =	shalt  }
0x7e: {  	_ =	shalt  }
0x7f: {  	_ =	shalt  }
0x80: {  	_ =	shalt  }
0x81: {  	_ =	shalt  }
0x82: {  	_ =	shalt  }
0x83: {  	_ =	shalt  }
0x84: {  	_ =	shalt  }
0x85: {  	_ =	shalt  }
0x86: {  	_ =	shalt  }
0x87: {  	_ =	shalt  }
.Lfunc_end0:
.L_simem_size_0:
called_computation.3_lowered:
.L_overlay_start_0:
0x88: {  	s2 =	sld [smem:$0x3FD9]  }
0x89: {  	s3 =	sld [smem:$0x3FFE];
	_ =	sdelay $0x1  }
0x8a: {  	s1 =	srdreg.scid  }
0x8b: {  	s0 =	sand.u32 $0x1, s1  }
0x8c: {  	s16 =	sshll.u32 s0, $0xA;
	s2 =	sadd.s32 s3, s2  }
0x8d: {  	s2 =	sadd.s32 s2, s16  }
0x8e: {  	[smem:$0x3FAE] =	sst s2  }
0x8f: {  	_ = 	snop  }
0x90: {  	(tm) =	ssettm $0x1  }
0x91: {  	s17 =	sld [smem:$0x3FFB];
	_ =	sdelay $0x3  }
0x92: {  	_ =	strace s17  }
0x93: {  	s2 =	sld [smem:$0x3FFC];
	_ =	sdelay $0x3  }
0x94: {  	_ =	strace s2  }
0x95: {  	s2 =	sld [smem:$0x3FFD];
	_ =	sdelay $0x3  }
0x96: {  	_ =	strace s2  }
0x97: {  	_ =	strace $0x8FFFFFFF  }
0x98: {  	s18 =	sld [smem:$0x3FDB];
	_ =	sdelay $0x1  }
0x99: {  	s19 =	simm.s32 $_scs_section_size  }
0x9a: {  	s4 =	simm.s32 $_size__tile_overlayer_lowered;
	s5 =	simm.s32 $_tile_overlayer_lowered  }
0x9b: {  	s22 =	simm.s32 $0x1BFF;
	s21 =	sshll.u32 s5, $0x1;
	s2 =	sadd.s32 s19, s18  }
0x9c: {  	s6 =	simm.s32 $0x0;
	s20 =	sshll.u32 s4, $0x1;
	s4 =	sadd.s32 s21, s2  }
0x9d: {  	[timem:s6], [sflag:s22] =	dma.local [hbm:s4], s20  }
0x9e: {  	_ =	swait.ge [sflag:s22], s20  }
0x9f: {  	s3 =	ssub.s32 $0x0, s20;
	[sflag:s22] =	ssyncset.done $0x0  }
0xa0: {  	[sflag:s22] =	ssyncadd.s32 s3;
	_ =	sdelay $0x1  }
0xa1: {  	s23 =	simm.s32 $0x1B8B  }
0xa2: {  	_ =	swait.ge [sflag:s23], $0x1  }
0xa3: {  	[sflag:s23] =	ssyncset.done $0x0  }
0xa4: {  	s25 =	simm.s32 $0x1B8E;
	s24 =	sld [smem:$0x3FFE];
	[sflag:s23] =	ssyncadd.s32 $0xFFFFFFFF  }
0xa5: {  	s26 =	simm.s32 $execute0_lowered;
	[smem:$0x3FD2] =	sst s25  }
0xa6: {  	s4 =	sshll.u32 s26, $0x1;
	_ =	strace $0x8000004F;
	[dreg:$0x1] =	wrdreg $0xFFFFFFFF  }
0xa7: {  	s28 =	simm.s32 $_size_execute0_lowered;
	s2 =	sadd.s32 s2, s4;
	[dreg:$0x0] =	wrdreg $0x0  }
0xa8: {  	s4 =	sshll.u32 s28, $0x1;
	[dreg:$0x2] =	wrdreg s2  }
0xa9: {  	[dreg:$0x3] =	wrdreg s4  }
0xaa: {  	[dreg:$0x4] =	wrdreg $0xC0  }
0xab: {  	_ =	task [dreg:s6], $0x5FFFF  }
0xac: {  	[dreg:$0x1] =	wrdreg $0xFFFFFFFF  }
0xad: {  	[dreg:$0x0] =	wrdreg $0x60  }
0xae: {  	[dreg:$0x2] =	wrdreg s24  }
0xaf: {  	[dreg:$0x3] =	wrdreg $0x0  }
0xb0: {  	[dreg:$0x4] =	wrdreg $0x9  }
0xb1: {  	_ =	task.clear_ibuf [dreg:s6], $0x5FFFF;
	_ =	strace $0x9000004F  }
0xb2: {  	s29 =	simm.s32 $0x9;
	_ =	strace $0x80000051  }
0xb3: {  	_ =	swait.ge [sflag:s29], $0x1  }
0xb4: {  	[sflag:s29] =	ssyncadd.s32 $0xFFFFFFFF  }
0xb5: {  	_ =	strace $0x90000051  }
0xb6: {  	_ =	sfence  }
0xb7: {  	s30 =	sld [smem:$0x0];
	_ =	sdelay $0x2  }
0xb8: {  	s31 =	sshll.u32 s1, $0xD;
	s1 =	sshrl.u32 s1, $0x2  }
0xb9: {  	s3 =	sand.u32 $0x4000, s31;
	s1 =	sadd.s32 s1, s30  }
0xba: {  	s0 =	sor.u32 s3, s0;
	s1 =	sshll.u32 s1, $0x11  }
0xbb: {  	s0 =	sor.u32 s1, s0  }
0xbc: {  	s0 =	sadd.s32 $0x8F2B, s0  }
0xbd: {  	[sflag:s0] =	ssyncadd.remote.s32 $0x1  }
0xbe: {  	_ =	sfence.sel $0xFFFF  }
0xbf: {  	[dreg:$0x0] =	wrdreg $0xFFFFFFFF;
	(pc) =	sbr.abs _section_cstart, $3  }
0xc0: {  	[dreg:$0x1] =	wrdreg $0xFFFFFFFF  }
0xc1: {  	_ =	task.clear_ibuf [dreg:s6], $0x2FFFF;
	_ =	strace $0x9FFFFFFF  }
0xc2: {  	(tm) =	ssettm $0x7FFFFFFF  }
0xc3: {  	_ =	shalt  }
tec
execute0_lowered:
.L_overlay_start_1:
0x0: {  	(tag) =	ssettag $0x1  }
0x1: {  	s0 =	rddreg [dreg:$0x0]  }
0x2: {  	s1 =	rddreg [dreg:$0x1]  }
0x3: {  	s3 =	simm.s32 $0x0;
	s14 =	stileid.u32;
	s5 =	srdreg.scid  }
0x4: {  	s28 =	simm.s32 $0x2;
	s29 =	simm.s32 $0x12680;
	s30 =	simm.s32 $0x12600  }
0x5: {  	s31 =	simm.s32 $0x20;
	s2 =	sadd.s32 $0x1957A00, s0;
	s4 =	sadd.s32 $0xA7FE00, s0  }
0x6: {  	[smem:$0x7FF] =	sst s3;
	s7 =	smul.u32 $0x1480, s14;
	s15 =	sadd.s32 $0xA89C00, s0  }
0x7: {  	s8 =	sadd.s32 $0xA76000, s0;
	s16 =	sadd.s32 $0xA6C200, s0;
	s10 =	smul.u32 $0x29000, s14  }
0x8: {  	s9 =	sand.u32 $0x1, s5;
	s11 =	sadd.s32 $0x7200, s0;
	s13 =	smul.u32 $0x4E20, s14  }
0x9: {  	s25 =	smul.u32 $0x4E200, s14;
	_ =	strace $0x80000050;
	s5 =	ssub.s32 $0x2, s9  }
0xa: {  	p0 =	seq.s32 s9, $0x0;
	s6 =	sadd.s32 s7, s0;
	s0 =	sadd.s32 $0x30A00, s0  }
0xb: {  	s12 =	sshrl.u32 s5, $0x1;
	s24 =	sshrl.u32 s10, $0x2;
	s18 =	sadd.s32 s2, s25  }
0xc: {  	s19 =	sadd.s32 $0x4E00, s13;
	s13 =	sshrl.u32 s13, $0x3;
	s15 =	smov.u32 @p0 s4  }
0xd: {  	s16 =	smov.u32 @p0 s8;
	s25 =	smul.u32 $0x9C4, s14;
	s12 =	ssub.s32 s5, s12  }
0xe: {  	s17 =	sadd.s32 s24, s1;
	s26 =	sadd.s32 $0x1C200, s6;
	s6 =	sshll.u32 s14, $0x6  }
0xf: {  	s20 =	sshll.u32 s19, $0x4;
	s21 =	sshrl.u32 s19, $0x3;
	s23 =	sadd.s32 s15, s13  }
0x10: {  	s24 =	sadd.s32 s16, s13;
	s0 =	smov.u32 @p0 s11;
	s14 =	sadd.s32 $0x1000, s18  }
0x11: {  	s19 =	simm.s32 $0xA600;
	[dreg:$0x3] =	wrdreg s26;
	s5 =	sor.u32 $0x1C03, s6  }
0x12: {  	s2 =	sadd.s32 s2, s20;
	s22 =	smax.u32 s12, $0x1;
	[dreg:$0x6] =	wrdreg s23  }
0x13: {  	[dreg:$0x7] =	wrdreg s24;
	s26 =	sadd.s32 s15, s21;
	s13 =	sadd.s32 s0, s7  }
0x14: {  	s12 =	smov.u32 s18;
	s15 =	sadd.s32 s25, s15;
	s17 =	sshrl.u32 s17, $0x3  }
0x15: {  	s18 =	simm.s32 $0x3;
	s20 =	simm.s32 $0xA400;
	[dreg:$0x4] =	wrdreg s2  }
0x16: {  	s23 =	simm.s32 $0xA480;
	s24 =	simm.s32 $0xA580;
	[dreg:$0x5] =	wrdreg s22  }
0x17: {  	s0 =	simm.s32 $0x0;
	[dreg:$0x8] =	wrdreg s26;
	s2 =	sadd.s32 s16, s21  }
0x18: {  	s16 =	sadd.s32 s25, s16;
	s21 =	simm.s32 $0xA500;
	s22 =	simm.s32 $0xE600  }
0x19: {  	s25 =	simm.s32 $0x1;
	s26 =	simm.s32 $0x80;
	[dreg:$0x9] =	wrdreg s2  }
.LBB2_1:
0x1a: {  	s2 =	rddreg [dreg:$0x3]  }
0x1b: {  	[spmem:s17], [sflag:s5] =	dma.local [hbm:s2], $0x1480  }
0x1c: {  	_ =	swait.ge [sflag:s18], $0x1480  }
0x1d: {  	[sflag:s18] =	ssyncset.done $0x0  }
0x1e: {  	[sflag:s18] =	ssyncadd.s32 $0xFFFFEB80  }
0x1f: {  	[bflag:$0x0] =	sbarrier.arrive $0xFFFF  }
0x20: {  	[tilespmem:s19], [sflag:$0x1] =	stream.linear.gather [hbm4b:s12+s3], $0x4000, $0x38;
	[tilespmem:$0x13680] =	vst v63  }
0x21: {  	s6 =	rddreg [dreg:$0x6]  }
0x22: {  	[tilespmem:s20], [sflag:$0x1] =	stream.linear.gather [hbm4b:s6+s3], $0x80, $0x38;
	[tilespmem:$0x13680] =	vst v63  }
0x23: {  	s7 =	rddreg [dreg:$0x7]  }
0x24: {  	[tilespmem:s21], [sflag:$0x1] =	stream.linear.gather [hbm4b:s7+s3], $0x80, $0x38;
	[tilespmem:$0x13680] =	vst v63  }
0x25: {  	s8 =	sadd.s32 $0xFFFFF800, s14;
	s4 =	sadd.s32 $0x0, s15  }
0x26: {  	[tilespmem:s22], [sflag:$0x2] =	stream.linear.gather [hbm4b:s8+s3], $0x4000, $0x38;
	[tilespmem:$0x13680] =	vst v63  }
0x27: {  	s10 =	sadd.s32 $0x0, s16;
	s9 =	sadd.s32 $0x10, s4  }
0x28: {  	[tilespmem:s23], [sflag:$0x2] =	stream.linear.gather [hbm4b:s9+s3], $0x80, $0x38;
	[tilespmem:$0x13680] =	vst v63  }
0x29: {  	s11 =	sadd.s32 $0x10, s10  }
0x2a: {  	[tilespmem:s24], [sflag:$0x2] =	stream.linear.gather [hbm4b:s11+s3], $0x80, $0x38;
	[tilespmem:$0x13680] =	vst v63  }
0x2b: {  	_ =	swait.ge [sflag:s25], $0x4000  }
0x2c: {  	[sflag:s25] =	ssyncset.done $0x0  }
0x2d: {  	[sflag:s25] =	ssyncadd.s32 $0xFFFFC000  }
0x2e: {  	_ =	swait.ge [sflag:s25], $0x80  }
0x2f: {  	[sflag:s25] =	ssyncset.done $0x0  }
0x30: {  	[sflag:s25] =	ssyncadd.s32 $0xFFFFFF80  }
0x31: {  	_ =	swait.ge [sflag:s25], $0x80  }
0x32: {  	[sflag:s25] =	ssyncset.done $0x0  }
0x33: {  	[sflag:s25] =	ssyncadd.s32 $0xFFFFFF80  }
0x34: {  	[spmem:s1] =	stream.indirect.scatter.add.f32 [tilespmem:s19], [sflag:$0x3], $0x80, s20, s26, $0xb8;
	[tilespmem:$0x13680] =	vst v63  }
0x35: {  	_ =	swait.ge [sflag:s18], $0x4000  }
0x36: {  	[sflag:s18] =	ssyncset.done $0x0  }
0x37: {  	[sflag:s18] =	ssyncadd.s32 $0xFFFFC000  }
0x38: {  	[spmem:s1] =	stream.indirect.scatter.add.f32 [tilespmem:s19], [sflag:$0x3], $0x80, s21, s26, $0xb8;
	[tilespmem:$0x13680] =	vst v63  }
0x39: {  	p0 =	por $0x0, $0x0;
	_ =	swait.ge [sflag:s18], $0x4000  }
0x3a: {  	s2 =	simm.s32 @!p0 $0x0;
	[sflag:s18] =	ssyncset.done $0x0  }
0x3b: {  	s4 =	simm.s32 @!p0 $0xA600;
	s7 =	sadd.s32 @!p0 $0x0, s15;
	[sflag:s18] =	ssyncadd.s32 $0xFFFFC000  }
0x3c: {  	[tilespmem:s4], [sflag:$0x1] =	stream.linear.gather @!p0 [hbm4b:s14+s2], $0x4000, $0x38;
	[tilespmem:$0x13680] =	vst v63  }
0x3d: {  	s7 =	sadd.s32 @!p0 $0x20, s7;
	s4 =	simm.s32 @!p0 $0xA400  }
0x3e: {  	[tilespmem:s4], [sflag:$0x1] =	stream.linear.gather @!p0 [hbm4b:s7+s2], $0x80, $0x38;
	[tilespmem:$0x13680] =	vst v63  }
0x3f: {  	s4 =	sadd.s32 @!p0 $0x0, s16  }
0x40: {  	s7 =	simm.s32 @!p0 $0xA500;
	s4 =	sadd.s32 @!p0 $0x20, s4  }
0x41: {  	[tilespmem:s7], [sflag:$0x1] =	stream.linear.gather @!p0 [hbm4b:s4+s2], $0x80, $0x38;
	[tilespmem:$0x13680] =	vst v63  }
0x42: {  	_ =	swait.ge [sflag:s28], $0x4000  }
0x43: {  	[sflag:s28] =	ssyncset.done $0x0  }
0x44: {  	[sflag:s28] =	ssyncadd.s32 $0xFFFFC000  }
0x45: {  	_ =	swait.ge [sflag:s28], $0x80  }
0x46: {  	[sflag:s28] =	ssyncset.done $0x0  }
0x47: {  	[sflag:s28] =	ssyncadd.s32 $0xFFFFFF80  }
0x48: {  	_ =	swait.ge [sflag:s28], $0x80  }
0x49: {  	[sflag:s28] =	ssyncset.done $0x0  }
0x4a: {  	[sflag:s28] =	ssyncadd.s32 $0xFFFFFF80  }
0x4b: {  	[spmem:s1] =	stream.indirect.scatter.add.f32 [tilespmem:s22], [sflag:$0x3], $0x80, s23, s26, $0xb8;
	[tilespmem:$0x13680] =	vst v63  }
0x4c: {  	_ =	swait.ge [sflag:s18], $0x4000  }
0x4d: {  	[sflag:s18] =	ssyncset.done $0x0  }
0x4e: {  	s2 =	simm.s32 $0x20;
	[sflag:s18] =	ssyncadd.s32 $0xFFFFC000  }
0x4f: {  	[spmem:s1] =	stream.indirect.scatter.add.f32 [tilespmem:s22], [sflag:$0x3], $0x80, s24, s26, $0xb8;
	[tilespmem:$0x13680] =	vst v63  }
0x50: {  	s7 =	simm.s32 $0x40;
	s4 =	sadd.s32 $0x1000, s14;
	_ =	swait.ge [sflag:s18], $0x4000  }
.LBB2_2:
0x51: {  	s9 =	sadd.s32 $0xFFFFF800, s4;
	s6 =	sadd.s32 s2, s15;
	[sflag:s18] =	ssyncset.done $0x0  }
0x52: {  	s8 =	smov.u32 s7;
	s7 =	sadd.s32 $0x20, s7;
	[sflag:s18] =	ssyncadd.s32 $0xFFFFC000  }
0x53: {  	[tilespmem:s22], [sflag:$0x2] =	stream.linear.gather [hbm4b:s9+s3], $0x4000, $0x38;
	[tilespmem:$0x13680] =	vst v63  }
0x54: {  	p0 =	sne.s32 s7, $0x9C0;
	s6 =	sadd.s32 $0x10, s6;
	s9 =	sadd.s32 s2, s16  }
0x55: {  	[tilespmem:s23], [sflag:$0x2] =	stream.linear.gather [hbm4b:s6+s3], $0x80, $0x38;
	[tilespmem:$0x13680] =	vst v63  }
0x56: {  	s6 =	sadd.s32 $0x10, s9  }
0x57: {  	[tilespmem:s24], [sflag:$0x2] =	stream.linear.gather [hbm4b:s6+s3], $0x80, $0x38;
	[tilespmem:$0x13680] =	vst v63  }
0x58: {  	_ =	swait.ge [sflag:s25], $0x4000  }
0x59: {  	[sflag:s25] =	ssyncset.done $0x0  }
0x5a: {  	[sflag:s25] =	ssyncadd.s32 $0xFFFFC000  }
0x5b: {  	_ =	swait.ge [sflag:s25], $0x80  }
0x5c: {  	[sflag:s25] =	ssyncset.done $0x0  }
0x5d: {  	[sflag:s25] =	ssyncadd.s32 $0xFFFFFF80  }
0x5e: {  	_ =	swait.ge [sflag:s25], $0x80  }
0x5f: {  	[sflag:s25] =	ssyncset.done $0x0  }
0x60: {  	[sflag:s25] =	ssyncadd.s32 $0xFFFFFF80  }
0x61: {  	[spmem:s1] =	stream.indirect.scatter.add.f32 [tilespmem:s19], [sflag:$0x3], $0x80, s20, s26, $0xb8;
	[tilespmem:$0x13680] =	vst v63  }
0x62: {  	_ =	swait.ge [sflag:s18], $0x4000  }
0x63: {  	[sflag:s18] =	ssyncset.done $0x0  }
0x64: {  	[sflag:s18] =	ssyncadd.s32 $0xFFFFC000  }
0x65: {  	[spmem:s1] =	stream.indirect.scatter.add.f32 [tilespmem:s19], [sflag:$0x3], $0x80, s21, s26, $0xb8;
	[tilespmem:$0x13680] =	vst v63  }
0x66: {  	p1 =	seq.s32 s2, $0x9A0;
	_ =	swait.ge [sflag:s18], $0x4000  }
0x67: {  	s9 =	simm.s32 @!p1 $0xA600;
	s6 =	simm.s32 @!p1 $0x0;
	[sflag:s18] =	ssyncset.done $0x0  }
0x68: {  	s10 =	sadd.s32 @!p1 s2, s15;
	s11 =	simm.s32 @!p1 $0xA400;
	[sflag:s18] =	ssyncadd.s32 $0xFFFFC000  }
0x69: {  	[tilespmem:s9], [sflag:$0x1] =	stream.linear.gather @!p1 [hbm4b:s4+s6], $0x4000, $0x38;
	[tilespmem:$0x13680] =	vst v63  }
0x6a: {  	s2 =	sadd.s32 @!p1 s2, s16;
	s9 =	sadd.s32 @!p1 $0x20, s10;
	s10 =	simm.s32 @!p1 $0xA500  }
0x6b: {  	[tilespmem:s11], [sflag:$0x1] =	stream.linear.gather @!p1 [hbm4b:s9+s6], $0x80, $0x38;
	[tilespmem:$0x13680] =	vst v63  }
0x6c: {  	s9 =	sadd.s32 @!p1 $0x20, s2;
	s2 =	smov.u32 s8  }
0x6d: {  	[tilespmem:s10], [sflag:$0x1] =	stream.linear.gather @!p1 [hbm4b:s9+s6], $0x80, $0x38;
	[tilespmem:$0x13680] =	vst v63  }
0x6e: {  	_ =	swait.ge [sflag:s28], $0x4000  }
0x6f: {  	[sflag:s28] =	ssyncset.done $0x0  }
0x70: {  	[sflag:s28] =	ssyncadd.s32 $0xFFFFC000  }
0x71: {  	_ =	swait.ge [sflag:s28], $0x80  }
0x72: {  	[sflag:s28] =	ssyncset.done $0x0  }
0x73: {  	[sflag:s28] =	ssyncadd.s32 $0xFFFFFF80  }
0x74: {  	_ =	swait.ge [sflag:s28], $0x80  }
0x75: {  	[sflag:s28] =	ssyncset.done $0x0  }
0x76: {  	[sflag:s28] =	ssyncadd.s32 $0xFFFFFF80  }
0x77: {  	[spmem:s1] =	stream.indirect.scatter.add.f32 [tilespmem:s22], [sflag:$0x3], $0x80, s23, s26, $0xb8;
	[tilespmem:$0x13680] =	vst v63  }
.Ltmp0:
0x78: {  	_ =	swait.ge [sflag:s18], $0x4000;
	(pc) =	sbr.rel @p0 .LBB2_2-.Ltmp0, $4  }
0x79: {  	[sflag:s18] =	ssyncset.done $0x0  }
0x7a: {  	[sflag:s18] =	ssyncadd.s32 $0xFFFFC000  }
0x7b: {  	[spmem:s1] =	stream.indirect.scatter.add.f32 [tilespmem:s22], [sflag:$0x3], $0x80, s24, s26, $0xb8;
	[tilespmem:$0x13680] =	vst v63  }
0x7c: {  	s4 =	sadd.s32 $0x1000, s4;
	_ =	swait.ge [sflag:s18], $0x4000  }
0x7d: {  	[sflag:s18] =	ssyncset.done $0x0  }
0x7e: {  	s6 =	sadd.s32 $0xFFFFF800, s4;
	s7 =	sadd.s32 s2, s15;
	[sflag:s18] =	ssyncadd.s32 $0xFFFFC000  }
0x7f: {  	[tilespmem:s22], [sflag:$0x2] =	stream.linear.gather [hbm4b:s6+s3], $0x4000, $0x38;
	[tilespmem:$0x13680] =	vst v63  }
0x80: {  	s11 =	sadd.s32 s2, s16;
	s10 =	sadd.s32 $0x10, s7  }
0x81: {  	[tilespmem:s23], [sflag:$0x2] =	stream.linear.gather [hbm4b:s10+s3], $0x80, $0x38;
	[tilespmem:$0x13680] =	vst v63  }
0x82: {  	s7 =	sadd.s32 $0x10, s11  }
0x83: {  	[tilespmem:s24], [sflag:$0x2] =	stream.linear.gather [hbm4b:s7+s3], $0x80, $0x38;
	[tilespmem:$0x13680] =	vst v63  }
0x84: {  	_ =	swait.ge [sflag:s25], $0x4000  }
0x85: {  	[sflag:s25] =	ssyncset.done $0x0  }
0x86: {  	[sflag:s25] =	ssyncadd.s32 $0xFFFFC000  }
0x87: {  	_ =	swait.ge [sflag:s25], $0x80  }
0x88: {  	[sflag:s25] =	ssyncset.done $0x0  }
0x89: {  	[sflag:s25] =	ssyncadd.s32 $0xFFFFFF80  }
0x8a: {  	_ =	swait.ge [sflag:s25], $0x80  }
0x8b: {  	[sflag:s25] =	ssyncset.done $0x0  }
0x8c: {  	[sflag:s25] =	ssyncadd.s32 $0xFFFFFF80  }
0x8d: {  	[spmem:s1] =	stream.indirect.scatter.add.f32 [tilespmem:s19], [sflag:$0x3], $0x80, s20, s26, $0xb8;
	[tilespmem:$0x13680] =	vst v63  }
0x8e: {  	_ =	swait.ge [sflag:s18], $0x4000  }
0x8f: {  	[sflag:s18] =	ssyncset.done $0x0  }
0x90: {  	[sflag:s18] =	ssyncadd.s32 $0xFFFFC000  }
0x91: {  	[spmem:s1] =	stream.indirect.scatter.add.f32 [tilespmem:s19], [sflag:$0x3], $0x80, s21, s26, $0xb8;
	[tilespmem:$0x13680] =	vst v63  }
0x92: {  	_ =	swait.ge [sflag:s18], $0x4000  }
0x93: {  	p0 =	seq.s32 s2, $0x9A0;
	[sflag:s18] =	ssyncset.done $0x0  }
0x94: {  	s6 =	simm.s32 @!p0 $0x0;
	s7 =	simm.s32 @!p0 $0xA600;
	[sflag:s18] =	ssyncadd.s32 $0xFFFFC000  }
0x95: {  	[tilespmem:s7], [sflag:$0x1] =	stream.linear.gather @!p0 [hbm4b:s4+s6], $0x4000, $0x38;
	[tilespmem:$0x13680] =	vst v63  }
0x96: {  	s4 =	sadd.s32 @!p0 s2, s15  }
0x97: {  	s7 =	simm.s32 @!p0 $0xA400;
	s2 =	sadd.s32 @!p0 s2, s16;
	s4 =	sadd.s32 @!p0 $0x20, s4  }
0x98: {  	[tilespmem:s7], [sflag:$0x1] =	stream.linear.gather @!p0 [hbm4b:s4+s6], $0x80, $0x38;
	[tilespmem:$0x13680] =	vst v63  }
0x99: {  	s2 =	sadd.s32 @!p0 $0x20, s2;
	s4 =	simm.s32 @!p0 $0xA500  }
0x9a: {  	[tilespmem:s4], [sflag:$0x1] =	stream.linear.gather @!p0 [hbm4b:s2+s6], $0x80, $0x38;
	[tilespmem:$0x13680] =	vst v63  }
0x9b: {  	_ =	swait.ge [sflag:s28], $0x4000  }
0x9c: {  	[sflag:s28] =	ssyncset.done $0x0  }
0x9d: {  	[sflag:s28] =	ssyncadd.s32 $0xFFFFC000  }
0x9e: {  	_ =	swait.ge [sflag:s28], $0x80  }
0x9f: {  	[sflag:s28] =	ssyncset.done $0x0  }
0xa0: {  	[sflag:s28] =	ssyncadd.s32 $0xFFFFFF80  }
0xa1: {  	_ =	swait.ge [sflag:s28], $0x80  }
0xa2: {  	[sflag:s28] =	ssyncset.done $0x0  }
0xa3: {  	[sflag:s28] =	ssyncadd.s32 $0xFFFFFF80  }
0xa4: {  	[spmem:s1] =	stream.indirect.scatter.add.f32 [tilespmem:s22], [sflag:$0x3], $0x80, s23, s26, $0xb8;
	[tilespmem:$0x13680] =	vst v63  }
0xa5: {  	_ =	swait.ge [sflag:s18], $0x4000  }
0xa6: {  	[sflag:s18] =	ssyncset.done $0x0  }
0xa7: {  	[sflag:s18] =	ssyncadd.s32 $0xFFFFC000  }
0xa8: {  	[spmem:s1] =	stream.indirect.scatter.add.f32 [tilespmem:s22], [sflag:$0x3], $0x80, s24, s26, $0xb8;
	[tilespmem:$0x13680] =	vst v63  }
0xa9: {  	_ =	swait.ge [sflag:s18], $0x4000  }
0xaa: {  	[sflag:s18] =	ssyncset.done $0x0  }
0xab: {  	s8 =	rddreg [dreg:$0x4];
	[sflag:s18] =	ssyncadd.s32 $0xFFFFC000  }
0xac: {  	[tilespmem:s29], [sflag:$0x3] =	stream.linear.gather [hbm4b:s8+s3], $0x1000, $0x38;
	[tilespmem:$0x13680] =	vst v63  }
0xad: {  	_ =	swait.ge [sflag:s18], $0x1000  }
0xae: {  	[sflag:s18] =	ssyncset.done $0x0  }
0xaf: {  	s9 =	rddreg [dreg:$0x8];
	[sflag:s18] =	ssyncadd.s32 $0xFFFFF000  }
0xb0: {  	[tilespmem:s30], [sflag:$0x3] =	stream.linear.gather [hbm4b:s9+s3], $0x20, $0x38;
	[tilespmem:$0x13680] =	vst v63  }
0xb1: {  	_ =	swait.ge [sflag:s18], $0x20  }
0xb2: {  	[sflag:s18] =	ssyncset.done $0x0  }
0xb3: {  	[sflag:s18] =	ssyncadd.s32 $0xFFFFFFE0  }
0xb4: {  	[spmem:s1] =	stream.indirect.scatter.add.f32 [tilespmem:s29], [sflag:$0x3], $0x80, s30, s31, $0xb8;
	[tilespmem:$0x13680] =	vst v63  }
0xb5: {  	_ =	swait.ge [sflag:s18], $0x1000  }
0xb6: {  	[sflag:s18] =	ssyncset.done $0x0  }
0xb7: {  	s10 =	rddreg [dreg:$0x9];
	[sflag:s18] =	ssyncadd.s32 $0xFFFFF000  }
0xb8: {  	[tilespmem:s30], [sflag:$0x3] =	stream.linear.gather [hbm4b:s10+s3], $0x20, $0x38;
	[tilespmem:$0x13680] =	vst v63  }
0xb9: {  	_ =	swait.ge [sflag:s18], $0x20  }
0xba: {  	[sflag:s18] =	ssyncset.done $0x0  }
0xbb: {  	[sflag:s18] =	ssyncadd.s32 $0xFFFFFFE0  }
0xbc: {  	[spmem:s1] =	stream.indirect.scatter.add.f32 [tilespmem:s29], [sflag:$0x3], $0x80, s30, s31, $0xb8;
	[tilespmem:$0x13680] =	vst v63  }
0xbd: {  	_ =	swait.ge [sflag:s18], $0x1000  }
0xbe: {  	[sflag:s18] =	ssyncset.done $0x0  }
0xbf: {  	[sflag:s18] =	ssyncadd.s32 $0xFFFFF000  }
0xc0: {  	[bflag:$0x0] =	sbarrier.arrive $0xFFFF  }
0xc1: {  	[hbm:s13], [sflag:s5] =	dma.local [spmem:s17], $0x1480  }
0xc2: {  	_ =	swait.ge [sflag:s18], $0x1480  }
0xc3: {  	s0 =	sadd.s32 $0x1, s0;
	s11 =	rddreg [dreg:$0x5]  }
0xc4: {  	p0 =	sne.s32 s0, s11  }
.Ltmp1:
0xc5: {  	_ = 	snop;
	(pc) =	sbr.rel @p0 .LBB2_1-.Ltmp1, $3  }
0xc6: {  	_ =	sdelay $0x1  }
0xc7: {  	[sflag:s18] =	ssyncset.done $0x0  }
0xc8: {  	[sflag:s18] =	ssyncadd.s32 $0xFFFFEB80  }
0xc9: {  	_ =	sfence.sel $0x180000  }
0xca: {  	[bflag:$0x0] =	sbarrier.arrive $0xFFFF  }
0xcb: {  	_ =	strace $0x90000050  }
0xcc: {  	s0 =	stileid.u32;
	[bflag:$0x2] =	sbarrier.arrive $0xFFFF  }
0xcd: {  	p0 =	sne.s32 s0, $0x0;
	s0 =	rddreg [dreg:$0x2]  }
0xce: {  	s0 =	sadd.s32 @!p0 $0x100000, s0  }
0xcf: {  	[sflag:s0] =	ssyncadd.tile.s32 @!p0 $0x1;
	_ =	shalt  }
.Lfunc_end2:
_tile_overlayer_lowered:
.L_overlay_start_2:
0xd0: {  	(tag) =	ssettag $0x2  }
0xd1: {  	s0 =	rddreg [dreg:$0x0];
	s2 =	stileid.u32  }
0xd2: {  	s1 =	rddreg [dreg:$0x1];
	p0 =	sne.s32 s2, $0x0  }
0xd3: {  	s3 =	rddreg [dreg:$0x2];
	[bflag:$0x3] =	sbarrier.arrive $0xFFFF;
	s2 =	simm.s32 @!p0 $0x1C03  }
0xd4: {  	[timem:s3], [sflag:s2] =	dma.local @!p0 [hbm:s0], s1  }
0xd5: {  	s0 =	simm.s32 @!p0 $0x3  }
0xd6: {  	_ =	swait.ge @!p0 [sflag:s0], s1  }
0xd7: {  	s1 =	ssub.s32 @!p0 $0x0, s1;
	[sflag:s0] =	ssyncset.done @!p0 $0x0  }
0xd8: {  	[sflag:s0] =	ssyncadd.s32 @!p0 s1  }
0xd9: {  	[bflag:$0x3] =	sbarrier.arrive $0xFFFF  }
0xda: {  	_ =	shalt  }

</sc_bundles>
